<compile_context>
chip_gen: v7x
topology: tpu7x:2x2x1
jax: 0.10.2.dev20260603
libtpu: 0.0.44.dev20260713+nightly
codegen_flags: <defaults>
</compile_context>

<pallas_src>
import functools

import jax
import jax.numpy as jnp
from jax import lax
from jax.experimental import pallas as pl
from jax.experimental.pallas import tpu as pltpu
from jax.experimental.pallas import tpu_sc as plsc

D_MODEL_K = 1024
SCALE = 32.0
BATCH = 4
SEQ = 4096
NC = 2
NS = 16
NW = NC * NS
SPW = SEQ // NW
CHUNK = 8
NT = SPW // CHUNK
LANES = 16
COLS = D_MODEL_K // LANES
XROWS = BATCH * SEQ // CHUNK


def _make_kernel():
    mesh = plsc.VectorSubcoreMesh(core_axis_name="c", subcore_axis_name="s")

    @functools.partial(
        pl.kernel,
        mesh=mesh,
        out_type=jax.ShapeDtypeStruct((BATCH * SEQ, D_MODEL_K), jnp.float32),
        scratch_types=[
            pltpu.VMEM((BATCH * NT, CHUNK), jnp.int32),
            pltpu.VMEM((8, CHUNK, D_MODEL_K), jnp.float32),
            pltpu.VMEM((2, CHUNK, D_MODEL_K), jnp.float32),
            pltpu.SemaphoreType.DMA((8,)),
            pltpu.SemaphoreType.DMA((8,)),
            pltpu.SemaphoreType.DMA((2,)),
        ],
    )
    def k(x_hbm, table_hbm, enc_hbm, out_hbm, idx_v, rows_v, enc_v,
          gsem, ssem, esem):
        cid = lax.axis_index("c")
        sid = lax.axis_index("s")
        wid = sid * NC + cid
        seq0 = wid * SPW

        def issue_enc_pre(t, e):
            pltpu.async_copy(enc_hbm.at[pl.ds(seq0 + t * CHUNK, CHUNK)],
                             enc_v.at[e], esem.at[e])

        issue_enc_pre(0, 0)
        issue_enc_pre(1, 1)

        pltpu.sync_copy(x_hbm.at[pl.ds(wid * BATCH * NT, BATCH * NT)], idx_v)

        def rbuf(t_par, b):
            return 4 * t_par + b

        def issue_gather(t, t_par, b):
            pltpu.async_copy(table_hbm.at[idx_v.at[b * NT + t]],
                             rows_v.at[rbuf(t_par, b)], gsem.at[rbuf(t_par, b)])

        def wait_gather(t_par, b):
            pltpu.make_async_copy(
                table_hbm.at[pl.ds(0, CHUNK)], rows_v.at[rbuf(t_par, b)],
                gsem.at[rbuf(t_par, b)]).wait()

        def issue_enc(t, e):
            pltpu.async_copy(enc_hbm.at[pl.ds(seq0 + t * CHUNK, CHUNK)],
                             enc_v.at[e], esem.at[e])

        def wait_enc(e):
            pltpu.make_async_copy(
                enc_hbm.at[pl.ds(0, CHUNK)], enc_v.at[e], esem.at[e]).wait()

        def issue_store(t, t_par, b):
            off = b * SEQ + seq0 + t * CHUNK
            pltpu.async_copy(rows_v.at[rbuf(t_par, b)],
                             out_hbm.at[pl.ds(off, CHUNK)],
                             ssem.at[rbuf(t_par, b)])

        def wait_store(t_par, b):
            pltpu.make_async_copy(
                rows_v.at[rbuf(t_par, b)], out_hbm.at[pl.ds(0, CHUNK)],
                ssem.at[rbuf(t_par, b)]).wait()

        def compute_step(t_par, e):
            banks = [rbuf(t_par, b) for b in range(BATCH)]

            def row_body(i, _):
                def col_body(j, _):
                    sl = pl.ds(pl.multiple_of(j * LANES, LANES), LANES)
                    ev = enc_v[e, i, sl]
                    for r in banks:
                        rows_v[r, i, sl] = rows_v[r, i, sl] * SCALE + ev
                    return 0

                lax.fori_loop(0, COLS, col_body, 0, unroll=8)
                return 0

            lax.fori_loop(0, CHUNK, row_body, 0)

        for b in range(BATCH):
            issue_gather(0, 0, b)

        def step(tt, _):
            for par in (0, 1):
                t = tt * 2 + par
                e = par
                wait_enc(e)
                for b in range(BATCH):
                    if par == 0:
                        @pl.when(t > 0)
                        def _():
                            wait_store(1, b)
                    else:
                        wait_store(0, b)
                    @pl.when(t + 1 < NT)
                    def _():
                        issue_gather(t + 1, 1 - par, b)
                for b in range(BATCH):
                    wait_gather(par, b)
                compute_step(par, e)
                for b in range(BATCH):
                    issue_store(t, par, b)
                @pl.when(t + 2 < NT)
                def _():
                    issue_enc(t + 2, e)
            return 0

        lax.fori_loop(0, NT // 2, step, 0)
        for b in range(BATCH):
            wait_store(1, b)

    return k


_sc_embed = _make_kernel()


def kernel(x, table, encoding):
    x_idx = (x.reshape(BATCH, NW, NT * CHUNK)
             .transpose(1, 0, 2)
             .reshape(XROWS, CHUNK)
             .astype(jnp.int32))
    out = _sc_embed(x_idx, table, encoding)
    return out.reshape(x.shape[0], x.shape[1], D_MODEL_K)

# --- scband reference (transcript-rebuilt; emitter-appended) ---
"""Pipeline reference for scband-embeddings-60155311948374 (READ-ONLY COPY).

The authoritative reference and input builder live on the scoring server;
editing this copy changes nothing except your own understanding.
"""

import jax, jax.numpy as jnp
import numpy as np

VOCAB = 100000
D_MODEL = 1024
MAX_LEN = 8192


def make_positional_encoding(max_len, d_model):
    pos = np.arange(0, max_len, 1.0)[:, None]
    exp = np.arange(0, d_model, 2.0) / d_model
    enc = np.zeros((max_len, d_model), dtype=np.float32)
    enc[:, 0::2] = np.sin(pos / 10000 ** exp)
    enc[:, 1::2] = np.cos(pos / 10000 ** exp)
    return jnp.asarray(enc)


def setup_inputs(seed: int = 0) -> dict:
    key = jax.random.key(seed)
    k1, k2 = jax.random.split(key)
    x = jax.random.randint(k1, (4, 4096), 0, VOCAB, dtype=jnp.int64 if jax.config.jax_enable_x64 else jnp.int32)
    table = jax.random.normal(k2, (VOCAB, D_MODEL), dtype=jnp.float32) * 0.02
    encoding = make_positional_encoding(MAX_LEN, D_MODEL)
    return {"x": x, "table": table, "encoding": encoding}


def reference(x, table, encoding):
    # TokenEmbedding: embed(x) * sqrt(d_model)
    tok = jnp.take(table, x, axis=0) * (D_MODEL ** 0.5)
    # PositionalEncoding: encoding[:seq_len], broadcast over batch
    seq_len = x.shape[1]
    pe = encoding[:seq_len]
    # Dropout is identity in eval / deterministic reference
    return tok + pe[None, :, :]

if __name__ == "__main__":
    import jax
    _d = setup_inputs()
    print(jax.jit(kernel)(*tuple(_d.values())))

</pallas_src>

<mosaic_0001>
#map = affine_map<(d0, d1) -> (0, 0)>
module attributes {stable_mosaic.version = 14 : i64} {
  func.func @k(%arg0: i32, %arg1: i32, %arg2: memref<2048x8xi32, #tpu.memory_space<hbm>>, %arg3: memref<100000x1024xf32, #tpu.memory_space<hbm>>, %arg4: memref<8192x1024xf32, #tpu.memory_space<hbm>>, %arg5: memref<16384x1024xf32, #tpu.memory_space<hbm>>, %arg6: memref<64x8xi32, #tpu.memory_space<vmem>>, %arg7: memref<8x8x1024xf32, #tpu.memory_space<vmem>>, %arg8: memref<2x8x1024xf32, #tpu.memory_space<vmem>>, %arg9: memref<8x!tpu.dma_semaphore, #tpu.memory_space<semaphore_mem>>, %arg10: memref<8x!tpu.dma_semaphore, #tpu.memory_space<semaphore_mem>>, %arg11: memref<2x!tpu.dma_semaphore, #tpu.memory_space<semaphore_mem>>) attributes {dimension_semantics = [#tpu.dimension_semantics<core_parallel>, #tpu.dimension_semantics<subcore_parallel>], iteration_bounds = array<i64: 2, 16>, scalar_prefetch = 0 : i64, scratch_operands = 6 : i64, tpu.core_type = #tpu.core_type<sc_vector_subcore>, window_params = [{transform_indices = #map}, {transform_indices = #map}, {transform_indices = #map}, {transform_indices = #map}]} {
    %mul3A = arith.constant 2 : i32
    %mul3A_0 = arith.muli %arg1, %mul3A : i32
    %add3A = arith.addi %mul3A_0, %arg0 : i32
    %mul3A_1 = arith.constant 128 : i32
    %mul3A_2 = arith.muli %add3A, %mul3A_1 : i32
    %add3A_3 = arith.constant 0 : i32
    %add3A_4 = arith.addi %mul3A_2, %add3A_3 : i32
    %dma_start3A = arith.constant 0 : i32
    %dma_start3A_5 = arith.constant 0 : i32
    %dma_start3A_6 = arith.constant 0 : i32
    %dma_start3A_7 = arith.constant 0 : i32
    %dma_start3A_8 = tpu.memref_slice %arg8[%dma_start3A, %dma_start3A_6, %dma_start3A_7] : memref<2x8x1024xf32, #tpu.memory_space<vmem>> -> memref<1x8x1024xf32, #tpu.memory_space<vmem>>
    %dma_start3A_9 = tpu.memref_squeeze %dma_start3A_8 : memref<1x8x1024xf32, #tpu.memory_space<vmem>> -> memref<8x1024xf32, #tpu.memory_space<vmem>>
    %dma_start3A_10 = arith.constant 0 : i32
    %dma_start3A_11 = tpu.memref_slice %arg4[%add3A_4, %dma_start3A_10] : memref<8192x1024xf32, #tpu.memory_space<hbm>> -> memref<8x1024xf32, #tpu.memory_space<hbm>>
    %dma_start3A_12 = tpu.memref_slice %arg11[%dma_start3A_5] : memref<2x!tpu.dma_semaphore, #tpu.memory_space<semaphore_mem>> -> memref<1x!tpu.dma_semaphore, #tpu.memory_space<semaphore_mem>>
    %dma_start3A_13 = tpu.memref_squeeze %dma_start3A_12 : memref<1x!tpu.dma_semaphore, #tpu.memory_space<semaphore_mem>> -> memref<!tpu.dma_semaphore, #tpu.memory_space<semaphore_mem>>
    %dma_start3A_14 = arith.constant 0 : i32
    %dma_start3A_15 = arith.constant 0 : i32
    %dma_start3A_16 = tpu.memref_slice %arg8[%dma_start3A, %dma_start3A_14, %dma_start3A_15] : memref<2x8x1024xf32, #tpu.memory_space<vmem>> -> memref<1x8x1024xf32, #tpu.memory_space<vmem>>
    %dma_start3A_17 = tpu.memref_squeeze %dma_start3A_16 : memref<1x8x1024xf32, #tpu.memory_space<vmem>> -> memref<8x1024xf32, #tpu.memory_space<vmem>>
    %dma_start3A_18 = arith.constant 0 : i32
    %dma_start3A_19 = tpu.memref_slice %arg4[%add3A_4, %dma_start3A_18] : memref<8192x1024xf32, #tpu.memory_space<hbm>> -> memref<8x1024xf32, #tpu.memory_space<hbm>>
    tpu.enqueue_dma source(%dma_start3A_19 : memref<8x1024xf32, #tpu.memory_space<hbm>>) target(%dma_start3A_17 : memref<8x1024xf32, #tpu.memory_space<vmem>>) target_semaphore(%dma_start3A_13 : memref<!tpu.dma_semaphore, #tpu.memory_space<semaphore_mem>>)
    %add3A_20 = arith.constant 8 : i32
    %add3A_21 = arith.addi %mul3A_2, %add3A_20 : i32
    %dma_start3A_22 = arith.constant 1 : i32
    %dma_start3A_23 = arith.constant 1 : i32
    %dma_start3A_24 = arith.constant 0 : i32
    %dma_start3A_25 = arith.constant 0 : i32
    %dma_start3A_26 = tpu.memref_slice %arg8[%dma_start3A_22, %dma_start3A_24, %dma_start3A_25] : memref<2x8x1024xf32, #tpu.memory_space<vmem>> -> memref<1x8x1024xf32, #tpu.memory_space<vmem>>
    %dma_start3A_27 = tpu.memref_squeeze %dma_start3A_26 : memref<1x8x1024xf32, #tpu.memory_space<vmem>> -> memref<8x1024xf32, #tpu.memory_space<vmem>>
    %dma_start3A_28 = arith.constant 0 : i32
    %dma_start3A_29 = tpu.memref_slice %arg4[%add3A_21, %dma_start3A_28] : memref<8192x1024xf32, #tpu.memory_space<hbm>> -> memref<8x1024xf32, #tpu.memory_space<hbm>>
    %dma_start3A_30 = tpu.memref_slice %arg11[%dma_start3A_23] : memref<2x!tpu.dma_semaphore, #tpu.memory_space<semaphore_mem>> -> memref<1x!tpu.dma_semaphore, #tpu.memory_space<semaphore_mem>>
    %dma_start3A_31 = tpu.memref_squeeze %dma_start3A_30 : memref<1x!tpu.dma_semaphore, #tpu.memory_space<semaphore_mem>> -> memref<!tpu.dma_semaphore, #tpu.memory_space<semaphore_mem>>
    %dma_start3A_32 = arith.constant 0 : i32
    %dma_start3A_33 = arith.constant 0 : i32
    %dma_start3A_34 = tpu.memref_slice %arg8[%dma_start3A_22, %dma_start3A_32, %dma_start3A_33] : memref<2x8x1024xf32, #tpu.memory_space<vmem>> -> memref<1x8x1024xf32, #tpu.memory_space<vmem>>
    %dma_start3A_35 = tpu.memref_squeeze %dma_start3A_34 : memref<1x8x1024xf32, #tpu.memory_space<vmem>> -> memref<8x1024xf32, #tpu.memory_space<vmem>>
    %dma_start3A_36 = arith.constant 0 : i32
    %dma_start3A_37 = tpu.memref_slice %arg4[%add3A_21, %dma_start3A_36] : memref<8192x1024xf32, #tpu.memory_space<hbm>> -> memref<8x1024xf32, #tpu.memory_space<hbm>>
    tpu.enqueue_dma source(%dma_start3A_37 : memref<8x1024xf32, #tpu.memory_space<hbm>>) target(%dma_start3A_35 : memref<8x1024xf32, #tpu.memory_space<vmem>>) target_semaphore(%dma_start3A_31 : memref<!tpu.dma_semaphore, #tpu.memory_space<semaphore_mem>>)
    %mul3A_38 = arith.constant 4 : i32
    %mul3A_39 = arith.muli %add3A, %mul3A_38 : i32
    %mul3A_40 = arith.constant 16 : i32
    %mul3A_41 = arith.muli %mul3A_39, %mul3A_40 : i32
    "tpu.region"() ({
      %run_scoped3A = tpu.sem_alloc : memref<!tpu.dma_semaphore, #tpu.memory_space<semaphore_mem>>
      %dma_start3A_179 = arith.constant 0 : i32
      %dma_start3A_180 = tpu.memref_slice %arg2[%mul3A_41, %dma_start3A_179] : memref<2048x8xi32, #tpu.memory_space<hbm>> -> memref<64x8xi32, #tpu.memory_space<hbm>>
      %dma_start3A_181 = arith.constant 0 : i32
      %dma_start3A_182 = tpu.memref_slice %arg2[%mul3A_41, %dma_start3A_181] : memref<2048x8xi32, #tpu.memory_space<hbm>> -> memref<64x8xi32, #tpu.memory_space<hbm>>
      tpu.enqueue_dma source(%dma_start3A_182 : memref<64x8xi32, #tpu.memory_space<hbm>>) target(%arg6 : memref<64x8xi32, #tpu.memory_space<vmem>>) target_semaphore(%run_scoped3A : memref<!tpu.dma_semaphore, #tpu.memory_space<semaphore_mem>>)
      %dma_wait3A_183 = arith.constant 0 : i32
      %dma_wait3A_184 = tpu.memref_slice %arg2[%mul3A_41, %dma_wait3A_183] : memref<2048x8xi32, #tpu.memory_space<hbm>> -> memref<64x8xi32, #tpu.memory_space<hbm>>
      %dma_wait3A_185 = arith.constant 0 : i32
      %dma_wait3A_186 = tpu.memref_slice %arg2[%mul3A_41, %dma_wait3A_185] : memref<2048x8xi32, #tpu.memory_space<hbm>> -> memref<64x8xi32, #tpu.memory_space<hbm>>
      tpu.wait_dma2 semaphore(%run_scoped3A : memref<!tpu.dma_semaphore, #tpu.memory_space<semaphore_mem>>) src(%dma_wait3A_186 : memref<64x8xi32, #tpu.memory_space<hbm>>) dst(%arg6 : memref<64x8xi32, #tpu.memory_space<vmem>>)
      tpu.yield
    }) : () -> ()
    %dma_start3A_42 = arith.constant 0 : i32
    %dma_start3A_43 = arith.constant 0 : i32
    %dma_start3A_44 = arith.constant 0 : i32
    %dma_start3A_45 = arith.constant 0 : i32
    %dma_start3A_46 = arith.constant 0 : i32
    %dma_start3A_47 = tpu.memref_slice %arg7[%dma_start3A_43, %dma_start3A_45, %dma_start3A_46] : memref<8x8x1024xf32, #tpu.memory_space<vmem>> -> memref<1x8x1024xf32, #tpu.memory_space<vmem>>
    %dma_start3A_48 = tpu.memref_squeeze %dma_start3A_47 : memref<1x8x1024xf32, #tpu.memory_space<vmem>> -> memref<8x1024xf32, #tpu.memory_space<vmem>>
    %dma_start3A_49 = arith.constant 0 : i32
    %dma_start3A_50 = tpu.memref_slice %arg6[%dma_start3A_42, %dma_start3A_49] : memref<64x8xi32, #tpu.memory_space<vmem>> -> memref<1x8xi32, #tpu.memory_space<vmem>>
    %dma_start3A_51 = tpu.memref_squeeze %dma_start3A_50 : memref<1x8xi32, #tpu.memory_space<vmem>> -> memref<8xi32, #tpu.memory_space<vmem>>
    %dma_start3A_52 = arith.constant 0 : i32
    %dma_start3A_53 = arith.constant 0 : i32
    %dma_start3A_54 = tpu.memref_slice %arg3[%dma_start3A_52, %dma_start3A_53] : memref<100000x1024xf32, #tpu.memory_space<hbm>> -> memref<100000x1024xf32, #tpu.memory_space<hbm>>
    %dma_start3A_55 = tpu.memref_slice %arg9[%dma_start3A_44] : memref<8x!tpu.dma_semaphore, #tpu.memory_space<semaphore_mem>> -> memref<1x!tpu.dma_semaphore, #tpu.memory_space<semaphore_mem>>
    %dma_start3A_56 = tpu.memref_squeeze %dma_start3A_55 : memref<1x!tpu.dma_semaphore, #tpu.memory_space<semaphore_mem>> -> memref<!tpu.dma_semaphore, #tpu.memory_space<semaphore_mem>>
    tpu.enqueue_indirect_dma source(%dma_start3A_54 : memref<100000x1024xf32, #tpu.memory_space<hbm>>) target(%dma_start3A_48 : memref<8x1024xf32, #tpu.memory_space<vmem>>) offsets(%dma_start3A_51 : memref<8xi32, #tpu.memory_space<vmem>>) semaphore(%dma_start3A_56 : memref<!tpu.dma_semaphore, #tpu.memory_space<semaphore_mem>>)
    %dma_start3A_57 = arith.constant 16 : i32
    %dma_start3A_58 = arith.constant 1 : i32
    %dma_start3A_59 = arith.constant 1 : i32
    %dma_start3A_60 = arith.constant 0 : i32
    %dma_start3A_61 = arith.constant 0 : i32
    %dma_start3A_62 = tpu.memref_slice %arg7[%dma_start3A_58, %dma_start3A_60, %dma_start3A_61] : memref<8x8x1024xf32, #tpu.memory_space<vmem>> -> memref<1x8x1024xf32, #tpu.memory_space<vmem>>
    %dma_start3A_63 = tpu.memref_squeeze %dma_start3A_62 : memref<1x8x1024xf32, #tpu.memory_space<vmem>> -> memref<8x1024xf32, #tpu.memory_space<vmem>>
    %dma_start3A_64 = arith.constant 0 : i32
    %dma_start3A_65 = tpu.memref_slice %arg6[%dma_start3A_57, %dma_start3A_64] : memref<64x8xi32, #tpu.memory_space<vmem>> -> memref<1x8xi32, #tpu.memory_space<vmem>>
    %dma_start3A_66 = tpu.memref_squeeze %dma_start3A_65 : memref<1x8xi32, #tpu.memory_space<vmem>> -> memref<8xi32, #tpu.memory_space<vmem>>
    %dma_start3A_67 = arith.constant 0 : i32
    %dma_start3A_68 = arith.constant 0 : i32
    %dma_start3A_69 = tpu.memref_slice %arg3[%dma_start3A_67, %dma_start3A_68] : memref<100000x1024xf32, #tpu.memory_space<hbm>> -> memref<100000x1024xf32, #tpu.memory_space<hbm>>
    %dma_start3A_70 = tpu.memref_slice %arg9[%dma_start3A_59] : memref<8x!tpu.dma_semaphore, #tpu.memory_space<semaphore_mem>> -> memref<1x!tpu.dma_semaphore, #tpu.memory_space<semaphore_mem>>
    %dma_start3A_71 = tpu.memref_squeeze %dma_start3A_70 : memref<1x!tpu.dma_semaphore, #tpu.memory_space<semaphore_mem>> -> memref<!tpu.dma_semaphore, #tpu.memory_space<semaphore_mem>>
    tpu.enqueue_indirect_dma source(%dma_start3A_69 : memref<100000x1024xf32, #tpu.memory_space<hbm>>) target(%dma_start3A_63 : memref<8x1024xf32, #tpu.memory_space<vmem>>) offsets(%dma_start3A_66 : memref<8xi32, #tpu.memory_space<vmem>>) semaphore(%dma_start3A_71 : memref<!tpu.dma_semaphore, #tpu.memory_space<semaphore_mem>>)
    %dma_start3A_72 = arith.constant 32 : i32
    %dma_start3A_73 = arith.constant 2 : i32
    %dma_start3A_74 = arith.constant 2 : i32
    %dma_start3A_75 = arith.constant 0 : i32
    %dma_start3A_76 = arith.constant 0 : i32
    %dma_start3A_77 = tpu.memref_slice %arg7[%dma_start3A_73, %dma_start3A_75, %dma_start3A_76] : memref<8x8x1024xf32, #tpu.memory_space<vmem>> -> memref<1x8x1024xf32, #tpu.memory_space<vmem>>
    %dma_start3A_78 = tpu.memref_squeeze %dma_start3A_77 : memref<1x8x1024xf32, #tpu.memory_space<vmem>> -> memref<8x1024xf32, #tpu.memory_space<vmem>>
    %dma_start3A_79 = arith.constant 0 : i32
    %dma_start3A_80 = tpu.memref_slice %arg6[%dma_start3A_72, %dma_start3A_79] : memref<64x8xi32, #tpu.memory_space<vmem>> -> memref<1x8xi32, #tpu.memory_space<vmem>>
    %dma_start3A_81 = tpu.memref_squeeze %dma_start3A_80 : memref<1x8xi32, #tpu.memory_space<vmem>> -> memref<8xi32, #tpu.memory_space<vmem>>
    %dma_start3A_82 = arith.constant 0 : i32
    %dma_start3A_83 = arith.constant 0 : i32
    %dma_start3A_84 = tpu.memref_slice %arg3[%dma_start3A_82, %dma_start3A_83] : memref<100000x1024xf32, #tpu.memory_space<hbm>> -> memref<100000x1024xf32, #tpu.memory_space<hbm>>
    %dma_start3A_85 = tpu.memref_slice %arg9[%dma_start3A_74] : memref<8x!tpu.dma_semaphore, #tpu.memory_space<semaphore_mem>> -> memref<1x!tpu.dma_semaphore, #tpu.memory_space<semaphore_mem>>
    %dma_start3A_86 = tpu.memref_squeeze %dma_start3A_85 : memref<1x!tpu.dma_semaphore, #tpu.memory_space<semaphore_mem>> -> memref<!tpu.dma_semaphore, #tpu.memory_space<semaphore_mem>>
    tpu.enqueue_indirect_dma source(%dma_start3A_84 : memref<100000x1024xf32, #tpu.memory_space<hbm>>) target(%dma_start3A_78 : memref<8x1024xf32, #tpu.memory_space<vmem>>) offsets(%dma_start3A_81 : memref<8xi32, #tpu.memory_space<vmem>>) semaphore(%dma_start3A_86 : memref<!tpu.dma_semaphore, #tpu.memory_space<semaphore_mem>>)
    %dma_start3A_87 = arith.constant 48 : i32
    %dma_start3A_88 = arith.constant 3 : i32
    %dma_start3A_89 = arith.constant 3 : i32
    %dma_start3A_90 = arith.constant 0 : i32
    %dma_start3A_91 = arith.constant 0 : i32
    %dma_start3A_92 = tpu.memref_slice %arg7[%dma_start3A_88, %dma_start3A_90, %dma_start3A_91] : memref<8x8x1024xf32, #tpu.memory_space<vmem>> -> memref<1x8x1024xf32, #tpu.memory_space<vmem>>
    %dma_start3A_93 = tpu.memref_squeeze %dma_start3A_92 : memref<1x8x1024xf32, #tpu.memory_space<vmem>> -> memref<8x1024xf32, #tpu.memory_space<vmem>>
    %dma_start3A_94 = arith.constant 0 : i32
    %dma_start3A_95 = tpu.memref_slice %arg6[%dma_start3A_87, %dma_start3A_94] : memref<64x8xi32, #tpu.memory_space<vmem>> -> memref<1x8xi32, #tpu.memory_space<vmem>>
    %dma_start3A_96 = tpu.memref_squeeze %dma_start3A_95 : memref<1x8xi32, #tpu.memory_space<vmem>> -> memref<8xi32, #tpu.memory_space<vmem>>
    %dma_start3A_97 = arith.constant 0 : i32
    %dma_start3A_98 = arith.constant 0 : i32
    %dma_start3A_99 = tpu.memref_slice %arg3[%dma_start3A_97, %dma_start3A_98] : memref<100000x1024xf32, #tpu.memory_space<hbm>> -> memref<100000x1024xf32, #tpu.memory_space<hbm>>
    %dma_start3A_100 = tpu.memref_slice %arg9[%dma_start3A_89] : memref<8x!tpu.dma_semaphore, #tpu.memory_space<semaphore_mem>> -> memref<1x!tpu.dma_semaphore, #tpu.memory_space<semaphore_mem>>
    %dma_start3A_101 = tpu.memref_squeeze %dma_start3A_100 : memref<1x!tpu.dma_semaphore, #tpu.memory_space<semaphore_mem>> -> memref<!tpu.dma_semaphore, #tpu.memory_space<semaphore_mem>>
    tpu.enqueue_indirect_dma source(%dma_start3A_99 : memref<100000x1024xf32, #tpu.memory_space<hbm>>) target(%dma_start3A_93 : memref<8x1024xf32, #tpu.memory_space<vmem>>) offsets(%dma_start3A_96 : memref<8xi32, #tpu.memory_space<vmem>>) semaphore(%dma_start3A_101 : memref<!tpu.dma_semaphore, #tpu.memory_space<semaphore_mem>>)
    %scan3A = arith.constant 0 : i32
    %scan3A_102 = arith.constant 0 : i32
    %scan3A_103 = arith.constant 8 : i32
    %scan3A_104 = arith.addi %scan3A_102, %scan3A_103 : i32
    %scan3A_105 = arith.constant 1 : i32
    %scan3A_106 = scf.for %scan3A_179 = %scan3A_102 to %scan3A_104 step %scan3A_105 iter_args(%scan3A_180 = %scan3A) -> (i32)  : i32 {
      %mul3A_181 = arith.constant 2 : i32
      %mul3A_182 = arith.muli %scan3A_179, %mul3A_181 : i32
      %add3A_183 = arith.constant 0 : i32
      %add3A_184 = arith.addi %mul3A_182, %add3A_183 : i32
      %dma_wait3A_185 = arith.constant 0 : i32
      %dma_wait3A_186 = arith.constant 0 : i32
      %dma_wait3A_187 = arith.constant 0 : i32
      %dma_wait3A_188 = arith.constant 0 : i32
      %dma_wait3A_189 = tpu.memref_slice %arg8[%dma_wait3A_185, %dma_wait3A_187, %dma_wait3A_188] : memref<2x8x1024xf32, #tpu.memory_space<vmem>> -> memref<1x8x1024xf32, #tpu.memory_space<vmem>>
      %dma_wait3A_190 = tpu.memref_squeeze %dma_wait3A_189 : memref<1x8x1024xf32, #tpu.memory_space<vmem>> -> memref<8x1024xf32, #tpu.memory_space<vmem>>
      %dma_wait3A_191 = arith.constant 0 : i32
      %dma_wait3A_192 = arith.constant 0 : i32
      %dma_wait3A_193 = tpu.memref_slice %arg4[%dma_wait3A_191, %dma_wait3A_192] : memref<8192x1024xf32, #tpu.memory_space<hbm>> -> memref<8x1024xf32, #tpu.memory_space<hbm>>
      %dma_wait3A_194 = tpu.memref_slice %arg11[%dma_wait3A_186] : memref<2x!tpu.dma_semaphore, #tpu.memory_space<semaphore_mem>> -> memref<1x!tpu.dma_semaphore, #tpu.memory_space<semaphore_mem>>
      %dma_wait3A_195 = tpu.memref_squeeze %dma_wait3A_194 : memref<1x!tpu.dma_semaphore, #tpu.memory_space<semaphore_mem>> -> memref<!tpu.dma_semaphore, #tpu.memory_space<semaphore_mem>>
      %dma_wait3A_196 = arith.constant 0 : i32
      %dma_wait3A_197 = arith.constant 0 : i32
      %dma_wait3A_198 = tpu.memref_slice %arg8[%dma_wait3A_185, %dma_wait3A_196, %dma_wait3A_197] : memref<2x8x1024xf32, #tpu.memory_space<vmem>> -> memref<1x8x1024xf32, #tpu.memory_space<vmem>>
      %dma_wait3A_199 = tpu.memref_squeeze %dma_wait3A_198 : memref<1x8x1024xf32, #tpu.memory_space<vmem>> -> memref<8x1024xf32, #tpu.memory_space<vmem>>
      %dma_wait3A_200 = arith.constant 0 : i32
      %dma_wait3A_201 = arith.constant 0 : i32
      %dma_wait3A_202 = tpu.memref_slice %arg4[%dma_wait3A_200, %dma_wait3A_201] : memref<8192x1024xf32, #tpu.memory_space<hbm>> -> memref<8x1024xf32, #tpu.memory_space<hbm>>
      tpu.wait_dma2 semaphore(%dma_wait3A_195 : memref<!tpu.dma_semaphore, #tpu.memory_space<semaphore_mem>>) src(%dma_wait3A_202 : memref<8x1024xf32, #tpu.memory_space<hbm>>) dst(%dma_wait3A_199 : memref<8x1024xf32, #tpu.memory_space<vmem>>)
      %gt3A = arith.constant 0 : i32
      %gt3A_203 = arith.cmpi sgt, %add3A_184, %gt3A : i32
      %convert_element_type3A = arith.extui %gt3A_203 : i1 to i32
      %cond3A = arith.constant 0 : i32
      %cond3A_204 = arith.cmpi ne, %convert_element_type3A, %cond3A : i32
      scf.if %cond3A_204 {
        %dma_wait3A_710 = arith.constant 4 : i32
        %dma_wait3A_711 = arith.constant 4 : i32
        %dma_wait3A_712 = arith.constant 0 : i32
        %dma_wait3A_713 = arith.constant 0 : i32
        %dma_wait3A_714 = tpu.memref_slice %arg7[%dma_wait3A_710, %dma_wait3A_712, %dma_wait3A_713] : memref<8x8x1024xf32, #tpu.memory_space<vmem>> -> memref<1x8x1024xf32, #tpu.memory_space<vmem>>
        %dma_wait3A_715 = tpu.memref_squeeze %dma_wait3A_714 : memref<1x8x1024xf32, #tpu.memory_space<vmem>> -> memref<8x1024xf32, #tpu.memory_space<vmem>>
        %dma_wait3A_716 = arith.constant 0 : i32
        %dma_wait3A_717 = arith.constant 0 : i32
        %dma_wait3A_718 = tpu.memref_slice %arg5[%dma_wait3A_716, %dma_wait3A_717] : memref<16384x1024xf32, #tpu.memory_space<hbm>> -> memref<8x1024xf32, #tpu.memory_space<hbm>>
        %dma_wait3A_719 = tpu.memref_slice %arg10[%dma_wait3A_711] : memref<8x!tpu.dma_semaphore, #tpu.memory_space<semaphore_mem>> -> memref<1x!tpu.dma_semaphore, #tpu.memory_space<semaphore_mem>>
        %dma_wait3A_720 = tpu.memref_squeeze %dma_wait3A_719 : memref<1x!tpu.dma_semaphore, #tpu.memory_space<semaphore_mem>> -> memref<!tpu.dma_semaphore, #tpu.memory_space<semaphore_mem>>
        %dma_wait3A_721 = arith.constant 0 : i32
        %dma_wait3A_722 = arith.constant 0 : i32
        %dma_wait3A_723 = tpu.memref_slice %arg5[%dma_wait3A_721, %dma_wait3A_722] : memref<16384x1024xf32, #tpu.memory_space<hbm>> -> memref<8x1024xf32, #tpu.memory_space<hbm>>
        %dma_wait3A_724 = arith.constant 0 : i32
        %dma_wait3A_725 = arith.constant 0 : i32
        %dma_wait3A_726 = tpu.memref_slice %arg7[%dma_wait3A_710, %dma_wait3A_724, %dma_wait3A_725] : memref<8x8x1024xf32, #tpu.memory_space<vmem>> -> memref<1x8x1024xf32, #tpu.memory_space<vmem>>
        %dma_wait3A_727 = tpu.memref_squeeze %dma_wait3A_726 : memref<1x8x1024xf32, #tpu.memory_space<vmem>> -> memref<8x1024xf32, #tpu.memory_space<vmem>>
        tpu.wait_dma2 semaphore(%dma_wait3A_720 : memref<!tpu.dma_semaphore, #tpu.memory_space<semaphore_mem>>) src(%dma_wait3A_727 : memref<8x1024xf32, #tpu.memory_space<vmem>>) dst(%dma_wait3A_723 : memref<8x1024xf32, #tpu.memory_space<hbm>>)
      } else {
      }
      %add3A_205 = arith.constant 1 : i32
      %add3A_206 = arith.addi %add3A_184, %add3A_205 : i32
      %lt3A = arith.constant 16 : i32
      %lt3A_207 = arith.cmpi slt, %add3A_206, %lt3A : i32
      %convert_element_type3A_208 = arith.extui %lt3A_207 : i1 to i32
      %cond3A_209 = arith.constant 0 : i32
      %cond3A_210 = arith.cmpi ne, %convert_element_type3A_208, %cond3A_209 : i32
      scf.if %cond3A_210 {
        %add3A_710 = arith.constant 1 : i32
        %add3A_711 = arith.addi %add3A_184, %add3A_710 : i32
        %add3A_712 = arith.constant 0 : i32
        %add3A_713 = arith.addi %add3A_712, %add3A_711 : i32
        %dma_start3A_714 = arith.constant 4 : i32
        %dma_start3A_715 = arith.constant 4 : i32
        %dma_start3A_716 = arith.constant 0 : i32
        %dma_start3A_717 = arith.constant 0 : i32
        %dma_start3A_718 = tpu.memref_slice %arg7[%dma_start3A_714, %dma_start3A_716, %dma_start3A_717] : memref<8x8x1024xf32, #tpu.memory_space<vmem>> -> memref<1x8x1024xf32, #tpu.memory_space<vmem>>
        %dma_start3A_719 = tpu.memref_squeeze %dma_start3A_718 : memref<1x8x1024xf32, #tpu.memory_space<vmem>> -> memref<8x1024xf32, #tpu.memory_space<vmem>>
        %dma_start3A_720 = arith.constant 0 : i32
        %dma_start3A_721 = tpu.memref_slice %arg6[%add3A_713, %dma_start3A_720] : memref<64x8xi32, #tpu.memory_space<vmem>> -> memref<1x8xi32, #tpu.memory_space<vmem>>
        %dma_start3A_722 = tpu.memref_squeeze %dma_start3A_721 : memref<1x8xi32, #tpu.memory_space<vmem>> -> memref<8xi32, #tpu.memory_space<vmem>>
        %dma_start3A_723 = arith.constant 0 : i32
        %dma_start3A_724 = arith.constant 0 : i32
        %dma_start3A_725 = tpu.memref_slice %arg3[%dma_start3A_723, %dma_start3A_724] : memref<100000x1024xf32, #tpu.memory_space<hbm>> -> memref<100000x1024xf32, #tpu.memory_space<hbm>>
        %dma_start3A_726 = tpu.memref_slice %arg9[%dma_start3A_715] : memref<8x!tpu.dma_semaphore, #tpu.memory_space<semaphore_mem>> -> memref<1x!tpu.dma_semaphore, #tpu.memory_space<semaphore_mem>>
        %dma_start3A_727 = tpu.memref_squeeze %dma_start3A_726 : memref<1x!tpu.dma_semaphore, #tpu.memory_space<semaphore_mem>> -> memref<!tpu.dma_semaphore, #tpu.memory_space<semaphore_mem>>
        tpu.enqueue_indirect_dma source(%dma_start3A_725 : memref<100000x1024xf32, #tpu.memory_space<hbm>>) target(%dma_start3A_719 : memref<8x1024xf32, #tpu.memory_space<vmem>>) offsets(%dma_start3A_722 : memref<8xi32, #tpu.memory_space<vmem>>) semaphore(%dma_start3A_727 : memref<!tpu.dma_semaphore, #tpu.memory_space<semaphore_mem>>)
      } else {
      }
      %gt3A_211 = arith.constant 0 : i32
      %gt3A_212 = arith.cmpi sgt, %add3A_184, %gt3A_211 : i32
      %convert_element_type3A_213 = arith.extui %gt3A_212 : i1 to i32
      %cond3A_214 = arith.constant 0 : i32
      %cond3A_215 = arith.cmpi ne, %convert_element_type3A_213, %cond3A_214 : i32
      scf.if %cond3A_215 {
        %dma_wait3A_710 = arith.constant 5 : i32
        %dma_wait3A_711 = arith.constant 5 : i32
        %dma_wait3A_712 = arith.constant 0 : i32
        %dma_wait3A_713 = arith.constant 0 : i32
        %dma_wait3A_714 = tpu.memref_slice %arg7[%dma_wait3A_710, %dma_wait3A_712, %dma_wait3A_713] : memref<8x8x1024xf32, #tpu.memory_space<vmem>> -> memref<1x8x1024xf32, #tpu.memory_space<vmem>>
        %dma_wait3A_715 = tpu.memref_squeeze %dma_wait3A_714 : memref<1x8x1024xf32, #tpu.memory_space<vmem>> -> memref<8x1024xf32, #tpu.memory_space<vmem>>
        %dma_wait3A_716 = arith.constant 0 : i32
        %dma_wait3A_717 = arith.constant 0 : i32
        %dma_wait3A_718 = tpu.memref_slice %arg5[%dma_wait3A_716, %dma_wait3A_717] : memref<16384x1024xf32, #tpu.memory_space<hbm>> -> memref<8x1024xf32, #tpu.memory_space<hbm>>
        %dma_wait3A_719 = tpu.memref_slice %arg10[%dma_wait3A_711] : memref<8x!tpu.dma_semaphore, #tpu.memory_space<semaphore_mem>> -> memref<1x!tpu.dma_semaphore, #tpu.memory_space<semaphore_mem>>
        %dma_wait3A_720 = tpu.memref_squeeze %dma_wait3A_719 : memref<1x!tpu.dma_semaphore, #tpu.memory_space<semaphore_mem>> -> memref<!tpu.dma_semaphore, #tpu.memory_space<semaphore_mem>>
        %dma_wait3A_721 = arith.constant 0 : i32
        %dma_wait3A_722 = arith.constant 0 : i32
        %dma_wait3A_723 = tpu.memref_slice %arg5[%dma_wait3A_721, %dma_wait3A_722] : memref<16384x1024xf32, #tpu.memory_space<hbm>> -> memref<8x1024xf32, #tpu.memory_space<hbm>>
        %dma_wait3A_724 = arith.constant 0 : i32
        %dma_wait3A_725 = arith.constant 0 : i32
        %dma_wait3A_726 = tpu.memref_slice %arg7[%dma_wait3A_710, %dma_wait3A_724, %dma_wait3A_725] : memref<8x8x1024xf32, #tpu.memory_space<vmem>> -> memref<1x8x1024xf32, #tpu.memory_space<vmem>>
        %dma_wait3A_727 = tpu.memref_squeeze %dma_wait3A_726 : memref<1x8x1024xf32, #tpu.memory_space<vmem>> -> memref<8x1024xf32, #tpu.memory_space<vmem>>
        tpu.wait_dma2 semaphore(%dma_wait3A_720 : memref<!tpu.dma_semaphore, #tpu.memory_space<semaphore_mem>>) src(%dma_wait3A_727 : memref<8x1024xf32, #tpu.memory_space<vmem>>) dst(%dma_wait3A_723 : memref<8x1024xf32, #tpu.memory_space<hbm>>)
      } else {
      }
      %add3A_216 = arith.constant 1 : i32
      %add3A_217 = arith.addi %add3A_184, %add3A_216 : i32
      %lt3A_218 = arith.constant 16 : i32
      %lt3A_219 = arith.cmpi slt, %add3A_217, %lt3A_218 : i32
      %convert_element_type3A_220 = arith.extui %lt3A_219 : i1 to i32
      %cond3A_221 = arith.constant 0 : i32
      %cond3A_222 = arith.cmpi ne, %convert_element_type3A_220, %cond3A_221 : i32
      scf.if %cond3A_222 {
        %add3A_710 = arith.constant 1 : i32
        %add3A_711 = arith.addi %add3A_184, %add3A_710 : i32
        %add3A_712 = arith.constant 16 : i32
        %add3A_713 = arith.addi %add3A_712, %add3A_711 : i32
        %dma_start3A_714 = arith.constant 5 : i32
        %dma_start3A_715 = arith.constant 5 : i32
        %dma_start3A_716 = arith.constant 0 : i32
        %dma_start3A_717 = arith.constant 0 : i32
        %dma_start3A_718 = tpu.memref_slice %arg7[%dma_start3A_714, %dma_start3A_716, %dma_start3A_717] : memref<8x8x1024xf32, #tpu.memory_space<vmem>> -> memref<1x8x1024xf32, #tpu.memory_space<vmem>>
        %dma_start3A_719 = tpu.memref_squeeze %dma_start3A_718 : memref<1x8x1024xf32, #tpu.memory_space<vmem>> -> memref<8x1024xf32, #tpu.memory_space<vmem>>
        %dma_start3A_720 = arith.constant 0 : i32
        %dma_start3A_721 = tpu.memref_slice %arg6[%add3A_713, %dma_start3A_720] : memref<64x8xi32, #tpu.memory_space<vmem>> -> memref<1x8xi32, #tpu.memory_space<vmem>>
        %dma_start3A_722 = tpu.memref_squeeze %dma_start3A_721 : memref<1x8xi32, #tpu.memory_space<vmem>> -> memref<8xi32, #tpu.memory_space<vmem>>
        %dma_start3A_723 = arith.constant 0 : i32
        %dma_start3A_724 = arith.constant 0 : i32
        %dma_start3A_725 = tpu.memref_slice %arg3[%dma_start3A_723, %dma_start3A_724] : memref<100000x1024xf32, #tpu.memory_space<hbm>> -> memref<100000x1024xf32, #tpu.memory_space<hbm>>
        %dma_start3A_726 = tpu.memref_slice %arg9[%dma_start3A_715] : memref<8x!tpu.dma_semaphore, #tpu.memory_space<semaphore_mem>> -> memref<1x!tpu.dma_semaphore, #tpu.memory_space<semaphore_mem>>
        %dma_start3A_727 = tpu.memref_squeeze %dma_start3A_726 : memref<1x!tpu.dma_semaphore, #tpu.memory_space<semaphore_mem>> -> memref<!tpu.dma_semaphore, #tpu.memory_space<semaphore_mem>>
        tpu.enqueue_indirect_dma source(%dma_start3A_725 : memref<100000x1024xf32, #tpu.memory_space<hbm>>) target(%dma_start3A_719 : memref<8x1024xf32, #tpu.memory_space<vmem>>) offsets(%dma_start3A_722 : memref<8xi32, #tpu.memory_space<vmem>>) semaphore(%dma_start3A_727 : memref<!tpu.dma_semaphore, #tpu.memory_space<semaphore_mem>>)
      } else {
      }
      %gt3A_223 = arith.constant 0 : i32
      %gt3A_224 = arith.cmpi sgt, %add3A_184, %gt3A_223 : i32
      %convert_element_type3A_225 = arith.extui %gt3A_224 : i1 to i32
      %cond3A_226 = arith.constant 0 : i32
      %cond3A_227 = arith.cmpi ne, %convert_element_type3A_225, %cond3A_226 : i32
      scf.if %cond3A_227 {
        %dma_wait3A_710 = arith.constant 6 : i32
        %dma_wait3A_711 = arith.constant 6 : i32
        %dma_wait3A_712 = arith.constant 0 : i32
        %dma_wait3A_713 = arith.constant 0 : i32
        %dma_wait3A_714 = tpu.memref_slice %arg7[%dma_wait3A_710, %dma_wait3A_712, %dma_wait3A_713] : memref<8x8x1024xf32, #tpu.memory_space<vmem>> -> memref<1x8x1024xf32, #tpu.memory_space<vmem>>
        %dma_wait3A_715 = tpu.memref_squeeze %dma_wait3A_714 : memref<1x8x1024xf32, #tpu.memory_space<vmem>> -> memref<8x1024xf32, #tpu.memory_space<vmem>>
        %dma_wait3A_716 = arith.constant 0 : i32
        %dma_wait3A_717 = arith.constant 0 : i32
        %dma_wait3A_718 = tpu.memref_slice %arg5[%dma_wait3A_716, %dma_wait3A_717] : memref<16384x1024xf32, #tpu.memory_space<hbm>> -> memref<8x1024xf32, #tpu.memory_space<hbm>>
        %dma_wait3A_719 = tpu.memref_slice %arg10[%dma_wait3A_711] : memref<8x!tpu.dma_semaphore, #tpu.memory_space<semaphore_mem>> -> memref<1x!tpu.dma_semaphore, #tpu.memory_space<semaphore_mem>>
        %dma_wait3A_720 = tpu.memref_squeeze %dma_wait3A_719 : memref<1x!tpu.dma_semaphore, #tpu.memory_space<semaphore_mem>> -> memref<!tpu.dma_semaphore, #tpu.memory_space<semaphore_mem>>
        %dma_wait3A_721 = arith.constant 0 : i32
        %dma_wait3A_722 = arith.constant 0 : i32
        %dma_wait3A_723 = tpu.memref_slice %arg5[%dma_wait3A_721, %dma_wait3A_722] : memref<16384x1024xf32, #tpu.memory_space<hbm>> -> memref<8x1024xf32, #tpu.memory_space<hbm>>
        %dma_wait3A_724 = arith.constant 0 : i32
        %dma_wait3A_725 = arith.constant 0 : i32
        %dma_wait3A_726 = tpu.memref_slice %arg7[%dma_wait3A_710, %dma_wait3A_724, %dma_wait3A_725] : memref<8x8x1024xf32, #tpu.memory_space<vmem>> -> memref<1x8x1024xf32, #tpu.memory_space<vmem>>
        %dma_wait3A_727 = tpu.memref_squeeze %dma_wait3A_726 : memref<1x8x1024xf32, #tpu.memory_space<vmem>> -> memref<8x1024xf32, #tpu.memory_space<vmem>>
        tpu.wait_dma2 semaphore(%dma_wait3A_720 : memref<!tpu.dma_semaphore, #tpu.memory_space<semaphore_mem>>) src(%dma_wait3A_727 : memref<8x1024xf32, #tpu.memory_space<vmem>>) dst(%dma_wait3A_723 : memref<8x1024xf32, #tpu.memory_space<hbm>>)
      } else {
      }
      %add3A_228 = arith.constant 1 : i32
      %add3A_229 = arith.addi %add3A_184, %add3A_228 : i32
      %lt3A_230 = arith.constant 16 : i32
      %lt3A_231 = arith.cmpi slt, %add3A_229, %lt3A_230 : i32
      %convert_element_type3A_232 = arith.extui %lt3A_231 : i1 to i32
      %cond3A_233 = arith.constant 0 : i32
      %cond3A_234 = arith.cmpi ne, %convert_element_type3A_232, %cond3A_233 : i32
      scf.if %cond3A_234 {
        %add3A_710 = arith.constant 1 : i32
        %add3A_711 = arith.addi %add3A_184, %add3A_710 : i32
        %add3A_712 = arith.constant 32 : i32
        %add3A_713 = arith.addi %add3A_712, %add3A_711 : i32
        %dma_start3A_714 = arith.constant 6 : i32
        %dma_start3A_715 = arith.constant 6 : i32
        %dma_start3A_716 = arith.constant 0 : i32
        %dma_start3A_717 = arith.constant 0 : i32
        %dma_start3A_718 = tpu.memref_slice %arg7[%dma_start3A_714, %dma_start3A_716, %dma_start3A_717] : memref<8x8x1024xf32, #tpu.memory_space<vmem>> -> memref<1x8x1024xf32, #tpu.memory_space<vmem>>
        %dma_start3A_719 = tpu.memref_squeeze %dma_start3A_718 : memref<1x8x1024xf32, #tpu.memory_space<vmem>> -> memref<8x1024xf32, #tpu.memory_space<vmem>>
        %dma_start3A_720 = arith.constant 0 : i32
        %dma_start3A_721 = tpu.memref_slice %arg6[%add3A_713, %dma_start3A_720] : memref<64x8xi32, #tpu.memory_space<vmem>> -> memref<1x8xi32, #tpu.memory_space<vmem>>
        %dma_start3A_722 = tpu.memref_squeeze %dma_start3A_721 : memref<1x8xi32, #tpu.memory_space<vmem>> -> memref<8xi32, #tpu.memory_space<vmem>>
        %dma_start3A_723 = arith.constant 0 : i32
        %dma_start3A_724 = arith.constant 0 : i32
        %dma_start3A_725 = tpu.memref_slice %arg3[%dma_start3A_723, %dma_start3A_724] : memref<100000x1024xf32, #tpu.memory_space<hbm>> -> memref<100000x1024xf32, #tpu.memory_space<hbm>>
        %dma_start3A_726 = tpu.memref_slice %arg9[%dma_start3A_715] : memref<8x!tpu.dma_semaphore, #tpu.memory_space<semaphore_mem>> -> memref<1x!tpu.dma_semaphore, #tpu.memory_space<semaphore_mem>>
        %dma_start3A_727 = tpu.memref_squeeze %dma_start3A_726 : memref<1x!tpu.dma_semaphore, #tpu.memory_space<semaphore_mem>> -> memref<!tpu.dma_semaphore, #tpu.memory_space<semaphore_mem>>
        tpu.enqueue_indirect_dma source(%dma_start3A_725 : memref<100000x1024xf32, #tpu.memory_space<hbm>>) target(%dma_start3A_719 : memref<8x1024xf32, #tpu.memory_space<vmem>>) offsets(%dma_start3A_722 : memref<8xi32, #tpu.memory_space<vmem>>) semaphore(%dma_start3A_727 : memref<!tpu.dma_semaphore, #tpu.memory_space<semaphore_mem>>)
      } else {
      }
      %gt3A_235 = arith.constant 0 : i32
      %gt3A_236 = arith.cmpi sgt, %add3A_184, %gt3A_235 : i32
      %convert_element_type3A_237 = arith.extui %gt3A_236 : i1 to i32
      %cond3A_238 = arith.constant 0 : i32
      %cond3A_239 = arith.cmpi ne, %convert_element_type3A_237, %cond3A_238 : i32
      scf.if %cond3A_239 {
        %dma_wait3A_710 = arith.constant 7 : i32
        %dma_wait3A_711 = arith.constant 7 : i32
        %dma_wait3A_712 = arith.constant 0 : i32
        %dma_wait3A_713 = arith.constant 0 : i32
        %dma_wait3A_714 = tpu.memref_slice %arg7[%dma_wait3A_710, %dma_wait3A_712, %dma_wait3A_713] : memref<8x8x1024xf32, #tpu.memory_space<vmem>> -> memref<1x8x1024xf32, #tpu.memory_space<vmem>>
        %dma_wait3A_715 = tpu.memref_squeeze %dma_wait3A_714 : memref<1x8x1024xf32, #tpu.memory_space<vmem>> -> memref<8x1024xf32, #tpu.memory_space<vmem>>
        %dma_wait3A_716 = arith.constant 0 : i32
        %dma_wait3A_717 = arith.constant 0 : i32
        %dma_wait3A_718 = tpu.memref_slice %arg5[%dma_wait3A_716, %dma_wait3A_717] : memref<16384x1024xf32, #tpu.memory_space<hbm>> -> memref<8x1024xf32, #tpu.memory_space<hbm>>
        %dma_wait3A_719 = tpu.memref_slice %arg10[%dma_wait3A_711] : memref<8x!tpu.dma_semaphore, #tpu.memory_space<semaphore_mem>> -> memref<1x!tpu.dma_semaphore, #tpu.memory_space<semaphore_mem>>
        %dma_wait3A_720 = tpu.memref_squeeze %dma_wait3A_719 : memref<1x!tpu.dma_semaphore, #tpu.memory_space<semaphore_mem>> -> memref<!tpu.dma_semaphore, #tpu.memory_space<semaphore_mem>>
        %dma_wait3A_721 = arith.constant 0 : i32
        %dma_wait3A_722 = arith.constant 0 : i32
        %dma_wait3A_723 = tpu.memref_slice %arg5[%dma_wait3A_721, %dma_wait3A_722] : memref<16384x1024xf32, #tpu.memory_space<hbm>> -> memref<8x1024xf32, #tpu.memory_space<hbm>>
        %dma_wait3A_724 = arith.constant 0 : i32
        %dma_wait3A_725 = arith.constant 0 : i32
        %dma_wait3A_726 = tpu.memref_slice %arg7[%dma_wait3A_710, %dma_wait3A_724, %dma_wait3A_725] : memref<8x8x1024xf32, #tpu.memory_space<vmem>> -> memref<1x8x1024xf32, #tpu.memory_space<vmem>>
        %dma_wait3A_727 = tpu.memref_squeeze %dma_wait3A_726 : memref<1x8x1024xf32, #tpu.memory_space<vmem>> -> memref<8x1024xf32, #tpu.memory_space<vmem>>
        tpu.wait_dma2 semaphore(%dma_wait3A_720 : memref<!tpu.dma_semaphore, #tpu.memory_space<semaphore_mem>>) src(%dma_wait3A_727 : memref<8x1024xf32, #tpu.memory_space<vmem>>) dst(%dma_wait3A_723 : memref<8x1024xf32, #tpu.memory_space<hbm>>)
      } else {
      }
      %add3A_240 = arith.constant 1 : i32
      %add3A_241 = arith.addi %add3A_184, %add3A_240 : i32
      %lt3A_242 = arith.constant 16 : i32
      %lt3A_243 = arith.cmpi slt, %add3A_241, %lt3A_242 : i32
      %convert_element_type3A_244 = arith.extui %lt3A_243 : i1 to i32
      %cond3A_245 = arith.constant 0 : i32
      %cond3A_246 = arith.cmpi ne, %convert_element_type3A_244, %cond3A_245 : i32
      scf.if %cond3A_246 {
        %add3A_710 = arith.constant 1 : i32
        %add3A_711 = arith.addi %add3A_184, %add3A_710 : i32
        %add3A_712 = arith.constant 48 : i32
        %add3A_713 = arith.addi %add3A_712, %add3A_711 : i32
        %dma_start3A_714 = arith.constant 7 : i32
        %dma_start3A_715 = arith.constant 7 : i32
        %dma_start3A_716 = arith.constant 0 : i32
        %dma_start3A_717 = arith.constant 0 : i32
        %dma_start3A_718 = tpu.memref_slice %arg7[%dma_start3A_714, %dma_start3A_716, %dma_start3A_717] : memref<8x8x1024xf32, #tpu.memory_space<vmem>> -> memref<1x8x1024xf32, #tpu.memory_space<vmem>>
        %dma_start3A_719 = tpu.memref_squeeze %dma_start3A_718 : memref<1x8x1024xf32, #tpu.memory_space<vmem>> -> memref<8x1024xf32, #tpu.memory_space<vmem>>
        %dma_start3A_720 = arith.constant 0 : i32
        %dma_start3A_721 = tpu.memref_slice %arg6[%add3A_713, %dma_start3A_720] : memref<64x8xi32, #tpu.memory_space<vmem>> -> memref<1x8xi32, #tpu.memory_space<vmem>>
        %dma_start3A_722 = tpu.memref_squeeze %dma_start3A_721 : memref<1x8xi32, #tpu.memory_space<vmem>> -> memref<8xi32, #tpu.memory_space<vmem>>
        %dma_start3A_723 = arith.constant 0 : i32
        %dma_start3A_724 = arith.constant 0 : i32
        %dma_start3A_725 = tpu.memref_slice %arg3[%dma_start3A_723, %dma_start3A_724] : memref<100000x1024xf32, #tpu.memory_space<hbm>> -> memref<100000x1024xf32, #tpu.memory_space<hbm>>
        %dma_start3A_726 = tpu.memref_slice %arg9[%dma_start3A_715] : memref<8x!tpu.dma_semaphore, #tpu.memory_space<semaphore_mem>> -> memref<1x!tpu.dma_semaphore, #tpu.memory_space<semaphore_mem>>
        %dma_start3A_727 = tpu.memref_squeeze %dma_start3A_726 : memref<1x!tpu.dma_semaphore, #tpu.memory_space<semaphore_mem>> -> memref<!tpu.dma_semaphore, #tpu.memory_space<semaphore_mem>>
        tpu.enqueue_indirect_dma source(%dma_start3A_725 : memref<100000x1024xf32, #tpu.memory_space<hbm>>) target(%dma_start3A_719 : memref<8x1024xf32, #tpu.memory_space<vmem>>) offsets(%dma_start3A_722 : memref<8xi32, #tpu.memory_space<vmem>>) semaphore(%dma_start3A_727 : memref<!tpu.dma_semaphore, #tpu.memory_space<semaphore_mem>>)
      } else {
      }
      %dma_wait3A_247 = arith.constant 0 : i32
      %dma_wait3A_248 = arith.constant 0 : i32
      %dma_wait3A_249 = arith.constant 0 : i32
      %dma_wait3A_250 = arith.constant 0 : i32
      %dma_wait3A_251 = tpu.memref_slice %arg7[%dma_wait3A_247, %dma_wait3A_249, %dma_wait3A_250] : memref<8x8x1024xf32, #tpu.memory_space<vmem>> -> memref<1x8x1024xf32, #tpu.memory_space<vmem>>
      %dma_wait3A_252 = tpu.memref_squeeze %dma_wait3A_251 : memref<1x8x1024xf32, #tpu.memory_space<vmem>> -> memref<8x1024xf32, #tpu.memory_space<vmem>>
      %dma_wait3A_253 = arith.constant 0 : i32
      %dma_wait3A_254 = arith.constant 0 : i32
      %dma_wait3A_255 = tpu.memref_slice %arg3[%dma_wait3A_253, %dma_wait3A_254] : memref<100000x1024xf32, #tpu.memory_space<hbm>> -> memref<8x1024xf32, #tpu.memory_space<hbm>>
      %dma_wait3A_256 = tpu.memref_slice %arg9[%dma_wait3A_248] : memref<8x!tpu.dma_semaphore, #tpu.memory_space<semaphore_mem>> -> memref<1x!tpu.dma_semaphore, #tpu.memory_space<semaphore_mem>>
      %dma_wait3A_257 = tpu.memref_squeeze %dma_wait3A_256 : memref<1x!tpu.dma_semaphore, #tpu.memory_space<semaphore_mem>> -> memref<!tpu.dma_semaphore, #tpu.memory_space<semaphore_mem>>
      %dma_wait3A_258 = arith.constant 0 : i32
      %dma_wait3A_259 = arith.constant 0 : i32
      %dma_wait3A_260 = tpu.memref_slice %arg7[%dma_wait3A_247, %dma_wait3A_258, %dma_wait3A_259] : memref<8x8x1024xf32, #tpu.memory_space<vmem>> -> memref<1x8x1024xf32, #tpu.memory_space<vmem>>
      %dma_wait3A_261 = tpu.memref_squeeze %dma_wait3A_260 : memref<1x8x1024xf32, #tpu.memory_space<vmem>> -> memref<8x1024xf32, #tpu.memory_space<vmem>>
      %dma_wait3A_262 = arith.constant 0 : i32
      %dma_wait3A_263 = arith.constant 0 : i32
      %dma_wait3A_264 = tpu.memref_slice %arg3[%dma_wait3A_262, %dma_wait3A_263] : memref<100000x1024xf32, #tpu.memory_space<hbm>> -> memref<8x1024xf32, #tpu.memory_space<hbm>>
      tpu.wait_dma2 semaphore(%dma_wait3A_257 : memref<!tpu.dma_semaphore, #tpu.memory_space<semaphore_mem>>) src(%dma_wait3A_264 : memref<8x1024xf32, #tpu.memory_space<hbm>>) dst(%dma_wait3A_261 : memref<8x1024xf32, #tpu.memory_space<vmem>>)
      %dma_wait3A_265 = arith.constant 1 : i32
      %dma_wait3A_266 = arith.constant 1 : i32
      %dma_wait3A_267 = arith.constant 0 : i32
      %dma_wait3A_268 = arith.constant 0 : i32
      %dma_wait3A_269 = tpu.memref_slice %arg7[%dma_wait3A_265, %dma_wait3A_267, %dma_wait3A_268] : memref<8x8x1024xf32, #tpu.memory_space<vmem>> -> memref<1x8x1024xf32, #tpu.memory_space<vmem>>
      %dma_wait3A_270 = tpu.memref_squeeze %dma_wait3A_269 : memref<1x8x1024xf32, #tpu.memory_space<vmem>> -> memref<8x1024xf32, #tpu.memory_space<vmem>>
      %dma_wait3A_271 = arith.constant 0 : i32
      %dma_wait3A_272 = arith.constant 0 : i32
      %dma_wait3A_273 = tpu.memref_slice %arg3[%dma_wait3A_271, %dma_wait3A_272] : memref<100000x1024xf32, #tpu.memory_space<hbm>> -> memref<8x1024xf32, #tpu.memory_space<hbm>>
      %dma_wait3A_274 = tpu.memref_slice %arg9[%dma_wait3A_266] : memref<8x!tpu.dma_semaphore, #tpu.memory_space<semaphore_mem>> -> memref<1x!tpu.dma_semaphore, #tpu.memory_space<semaphore_mem>>
      %dma_wait3A_275 = tpu.memref_squeeze %dma_wait3A_274 : memref<1x!tpu.dma_semaphore, #tpu.memory_space<semaphore_mem>> -> memref<!tpu.dma_semaphore, #tpu.memory_space<semaphore_mem>>
      %dma_wait3A_276 = arith.constant 0 : i32
      %dma_wait3A_277 = arith.constant 0 : i32
      %dma_wait3A_278 = tpu.memref_slice %arg7[%dma_wait3A_265, %dma_wait3A_276, %dma_wait3A_277] : memref<8x8x1024xf32, #tpu.memory_space<vmem>> -> memref<1x8x1024xf32, #tpu.memory_space<vmem>>
      %dma_wait3A_279 = tpu.memref_squeeze %dma_wait3A_278 : memref<1x8x1024xf32, #tpu.memory_space<vmem>> -> memref<8x1024xf32, #tpu.memory_space<vmem>>
      %dma_wait3A_280 = arith.constant 0 : i32
      %dma_wait3A_281 = arith.constant 0 : i32
      %dma_wait3A_282 = tpu.memref_slice %arg3[%dma_wait3A_280, %dma_wait3A_281] : memref<100000x1024xf32, #tpu.memory_space<hbm>> -> memref<8x1024xf32, #tpu.memory_space<hbm>>
      tpu.wait_dma2 semaphore(%dma_wait3A_275 : memref<!tpu.dma_semaphore, #tpu.memory_space<semaphore_mem>>) src(%dma_wait3A_282 : memref<8x1024xf32, #tpu.memory_space<hbm>>) dst(%dma_wait3A_279 : memref<8x1024xf32, #tpu.memory_space<vmem>>)
      %dma_wait3A_283 = arith.constant 2 : i32
      %dma_wait3A_284 = arith.constant 2 : i32
      %dma_wait3A_285 = arith.constant 0 : i32
      %dma_wait3A_286 = arith.constant 0 : i32
      %dma_wait3A_287 = tpu.memref_slice %arg7[%dma_wait3A_283, %dma_wait3A_285, %dma_wait3A_286] : memref<8x8x1024xf32, #tpu.memory_space<vmem>> -> memref<1x8x1024xf32, #tpu.memory_space<vmem>>
      %dma_wait3A_288 = tpu.memref_squeeze %dma_wait3A_287 : memref<1x8x1024xf32, #tpu.memory_space<vmem>> -> memref<8x1024xf32, #tpu.memory_space<vmem>>
      %dma_wait3A_289 = arith.constant 0 : i32
      %dma_wait3A_290 = arith.constant 0 : i32
      %dma_wait3A_291 = tpu.memref_slice %arg3[%dma_wait3A_289, %dma_wait3A_290] : memref<100000x1024xf32, #tpu.memory_space<hbm>> -> memref<8x1024xf32, #tpu.memory_space<hbm>>
      %dma_wait3A_292 = tpu.memref_slice %arg9[%dma_wait3A_284] : memref<8x!tpu.dma_semaphore, #tpu.memory_space<semaphore_mem>> -> memref<1x!tpu.dma_semaphore, #tpu.memory_space<semaphore_mem>>
      %dma_wait3A_293 = tpu.memref_squeeze %dma_wait3A_292 : memref<1x!tpu.dma_semaphore, #tpu.memory_space<semaphore_mem>> -> memref<!tpu.dma_semaphore, #tpu.memory_space<semaphore_mem>>
      %dma_wait3A_294 = arith.constant 0 : i32
      %dma_wait3A_295 = arith.constant 0 : i32
      %dma_wait3A_296 = tpu.memref_slice %arg7[%dma_wait3A_283, %dma_wait3A_294, %dma_wait3A_295] : memref<8x8x1024xf32, #tpu.memory_space<vmem>> -> memref<1x8x1024xf32, #tpu.memory_space<vmem>>
      %dma_wait3A_297 = tpu.memref_squeeze %dma_wait3A_296 : memref<1x8x1024xf32, #tpu.memory_space<vmem>> -> memref<8x1024xf32, #tpu.memory_space<vmem>>
      %dma_wait3A_298 = arith.constant 0 : i32
      %dma_wait3A_299 = arith.constant 0 : i32
      %dma_wait3A_300 = tpu.memref_slice %arg3[%dma_wait3A_298, %dma_wait3A_299] : memref<100000x1024xf32, #tpu.memory_space<hbm>> -> memref<8x1024xf32, #tpu.memory_space<hbm>>
      tpu.wait_dma2 semaphore(%dma_wait3A_293 : memref<!tpu.dma_semaphore, #tpu.memory_space<semaphore_mem>>) src(%dma_wait3A_300 : memref<8x1024xf32, #tpu.memory_space<hbm>>) dst(%dma_wait3A_297 : memref<8x1024xf32, #tpu.memory_space<vmem>>)
      %dma_wait3A_301 = arith.constant 3 : i32
      %dma_wait3A_302 = arith.constant 3 : i32
      %dma_wait3A_303 = arith.constant 0 : i32
      %dma_wait3A_304 = arith.constant 0 : i32
      %dma_wait3A_305 = tpu.memref_slice %arg7[%dma_wait3A_301, %dma_wait3A_303, %dma_wait3A_304] : memref<8x8x1024xf32, #tpu.memory_space<vmem>> -> memref<1x8x1024xf32, #tpu.memory_space<vmem>>
      %dma_wait3A_306 = tpu.memref_squeeze %dma_wait3A_305 : memref<1x8x1024xf32, #tpu.memory_space<vmem>> -> memref<8x1024xf32, #tpu.memory_space<vmem>>
      %dma_wait3A_307 = arith.constant 0 : i32
      %dma_wait3A_308 = arith.constant 0 : i32
      %dma_wait3A_309 = tpu.memref_slice %arg3[%dma_wait3A_307, %dma_wait3A_308] : memref<100000x1024xf32, #tpu.memory_space<hbm>> -> memref<8x1024xf32, #tpu.memory_space<hbm>>
      %dma_wait3A_310 = tpu.memref_slice %arg9[%dma_wait3A_302] : memref<8x!tpu.dma_semaphore, #tpu.memory_space<semaphore_mem>> -> memref<1x!tpu.dma_semaphore, #tpu.memory_space<semaphore_mem>>
      %dma_wait3A_311 = tpu.memref_squeeze %dma_wait3A_310 : memref<1x!tpu.dma_semaphore, #tpu.memory_space<semaphore_mem>> -> memref<!tpu.dma_semaphore, #tpu.memory_space<semaphore_mem>>
      %dma_wait3A_312 = arith.constant 0 : i32
      %dma_wait3A_313 = arith.constant 0 : i32
      %dma_wait3A_314 = tpu.memref_slice %arg7[%dma_wait3A_301, %dma_wait3A_312, %dma_wait3A_313] : memref<8x8x1024xf32, #tpu.memory_space<vmem>> -> memref<1x8x1024xf32, #tpu.memory_space<vmem>>
      %dma_wait3A_315 = tpu.memref_squeeze %dma_wait3A_314 : memref<1x8x1024xf32, #tpu.memory_space<vmem>> -> memref<8x1024xf32, #tpu.memory_space<vmem>>
      %dma_wait3A_316 = arith.constant 0 : i32
      %dma_wait3A_317 = arith.constant 0 : i32
      %dma_wait3A_318 = tpu.memref_slice %arg3[%dma_wait3A_316, %dma_wait3A_317] : memref<100000x1024xf32, #tpu.memory_space<hbm>> -> memref<8x1024xf32, #tpu.memory_space<hbm>>
      tpu.wait_dma2 semaphore(%dma_wait3A_311 : memref<!tpu.dma_semaphore, #tpu.memory_space<semaphore_mem>>) src(%dma_wait3A_318 : memref<8x1024xf32, #tpu.memory_space<hbm>>) dst(%dma_wait3A_315 : memref<8x1024xf32, #tpu.memory_space<vmem>>)
      %scan3A_319 = arith.constant 0 : i32
      %scan3A_320 = arith.constant 0 : i32
      %scan3A_321 = arith.constant 8 : i32
      %scan3A_322 = arith.addi %scan3A_320, %scan3A_321 : i32
      %scan3A_323 = arith.constant 1 : i32
      %scan3A_324 = scf.for %scan3A_710 = %scan3A_320 to %scan3A_322 step %scan3A_323 iter_args(%scan3A_711 = %scan3A_319) -> (i32)  : i32 {
        %scan3A_712 = arith.constant 0 : i32
        %scan3A_713 = arith.constant 0 : i32
        %scan3A_714 = arith.constant 64 : i32
        %scan3A_715 = arith.addi %scan3A_713, %scan3A_714 : i32
        %scan3A_716 = arith.constant 8 : i32
        %scan3A_717 = scf.for %scan3A_720 = %scan3A_713 to %scan3A_715 step %scan3A_716 iter_args(%scan3A_721 = %scan3A_712) -> (i32)  : i32 {
          %mul3A_722 = arith.constant 16 : i32
          %mul3A_723 = arith.muli %scan3A_720, %mul3A_722 : i32
          %multiple_of3A = tpu.assume_multiple %mul3A_723, 16 : i32
          %get3A = arith.constant 0 : i32
          %get3A_724 = arith.index_cast %get3A : i32 to index
          %get3A_725 = arith.index_cast %scan3A_710 : i32 to index
          %get3A_726 = arith.index_cast %multiple_of3A : i32 to index
          %get3A_727 = tpu.vector_load %arg8[%get3A_724, %get3A_725, %get3A_726] {strides = array<i32>} : memref<2x8x1024xf32, #tpu.memory_space<vmem>>, vector<1x1x16xf32>,
          %get3A_728 = vector.shape_cast %get3A_727 : vector<1x1x16xf32> to vector<16xf32>
          %get3A_729 = arith.constant 0 : i32
          %get3A_730 = arith.index_cast %get3A_729 : i32 to index
          %get3A_731 = arith.index_cast %scan3A_710 : i32 to index
          %get3A_732 = arith.index_cast %multiple_of3A : i32 to index
          %get3A_733 = tpu.vector_load %arg7[%get3A_730, %get3A_731, %get3A_732] {strides = array<i32>} : memref<8x8x1024xf32, #tpu.memory_space<vmem>>, vector<1x1x16xf32>,
          %get3A_734 = vector.shape_cast %get3A_733 : vector<1x1x16xf32> to vector<16xf32>
          %mul3A_735 = arith.constant 3.200000e+01 : f32
          %mul3A_736 = vector.broadcast %mul3A_735 : f32 to vector<16xf32>
          %mul3A_737 = arith.mulf %get3A_734, %mul3A_736 : vector<16xf32>
          %add3A_738 = arith.addf %mul3A_737, %get3A_728 : vector<16xf32>
          %swap3A = arith.constant 0 : i32
          %swap3A_739 = arith.index_cast %swap3A : i32 to index
          %swap3A_740 = arith.index_cast %scan3A_710 : i32 to index
          %swap3A_741 = arith.index_cast %multiple_of3A : i32 to index
          %swap3A_742 = tpu.vector_load %arg7[%swap3A_739, %swap3A_740, %swap3A_741] {strides = array<i32>} : memref<8x8x1024xf32, #tpu.memory_space<vmem>>, vector<1x1x16xf32>,
          %swap3A_743 = vector.shape_cast %swap3A_742 : vector<1x1x16xf32> to vector<16xf32>
          %swap3A_744 = vector.shape_cast %add3A_738 : vector<16xf32> to vector<1x1x16xf32>
          tpu.vector_store %arg7[%swap3A_739, %swap3A_740, %swap3A_741], %swap3A_744 {strides = array<i32>} : memref<8x8x1024xf32, #tpu.memory_space<vmem>>, vector<1x1x16xf32>,
          %get3A_745 = arith.constant 1 : i32
          %get3A_746 = arith.index_cast %get3A_745 : i32 to index
          %get3A_747 = arith.index_cast %scan3A_710 : i32 to index
          %get3A_748 = arith.index_cast %multiple_of3A : i32 to index
          %get3A_749 = tpu.vector_load %arg7[%get3A_746, %get3A_747, %get3A_748] {strides = array<i32>} : memref<8x8x1024xf32, #tpu.memory_space<vmem>>, vector<1x1x16xf32>,
          %get3A_750 = vector.shape_cast %get3A_749 : vector<1x1x16xf32> to vector<16xf32>
          %mul3A_751 = arith.constant 3.200000e+01 : f32
          %mul3A_752 = vector.broadcast %mul3A_751 : f32 to vector<16xf32>
          %mul3A_753 = arith.mulf %get3A_750, %mul3A_752 : vector<16xf32>
          %add3A_754 = arith.addf %mul3A_753, %get3A_728 : vector<16xf32>
          %swap3A_755 = arith.constant 1 : i32
          %swap3A_756 = arith.index_cast %swap3A_755 : i32 to index
          %swap3A_757 = arith.index_cast %scan3A_710 : i32 to index
          %swap3A_758 = arith.index_cast %multiple_of3A : i32 to index
          %swap3A_759 = tpu.vector_load %arg7[%swap3A_756, %swap3A_757, %swap3A_758] {strides = array<i32>} : memref<8x8x1024xf32, #tpu.memory_space<vmem>>, vector<1x1x16xf32>,
          %swap3A_760 = vector.shape_cast %swap3A_759 : vector<1x1x16xf32> to vector<16xf32>
          %swap3A_761 = vector.shape_cast %add3A_754 : vector<16xf32> to vector<1x1x16xf32>
          tpu.vector_store %arg7[%swap3A_756, %swap3A_757, %swap3A_758], %swap3A_761 {strides = array<i32>} : memref<8x8x1024xf32, #tpu.memory_space<vmem>>, vector<1x1x16xf32>,
          %get3A_762 = arith.constant 2 : i32
          %get3A_763 = arith.index_cast %get3A_762 : i32 to index
          %get3A_764 = arith.index_cast %scan3A_710 : i32 to index
          %get3A_765 = arith.index_cast %multiple_of3A : i32 to index
          %get3A_766 = tpu.vector_load %arg7[%get3A_763, %get3A_764, %get3A_765] {strides = array<i32>} : memref<8x8x1024xf32, #tpu.memory_space<vmem>>, vector<1x1x16xf32>,
          %get3A_767 = vector.shape_cast %get3A_766 : vector<1x1x16xf32> to vector<16xf32>
          %mul3A_768 = arith.constant 3.200000e+01 : f32
          %mul3A_769 = vector.broadcast %mul3A_768 : f32 to vector<16xf32>
          %mul3A_770 = arith.mulf %get3A_767, %mul3A_769 : vector<16xf32>
          %add3A_771 = arith.addf %mul3A_770, %get3A_728 : vector<16xf32>
          %swap3A_772 = arith.constant 2 : i32
          %swap3A_773 = arith.index_cast %swap3A_772 : i32 to index
          %swap3A_774 = arith.index_cast %scan3A_710 : i32 to index
          %swap3A_775 = arith.index_cast %multiple_of3A : i32 to index
          %swap3A_776 = tpu.vector_load %arg7[%swap3A_773, %swap3A_774, %swap3A_775] {strides = array<i32>} : memref<8x8x1024xf32, #tpu.memory_space<vmem>>, vector<1x1x16xf32>,
          %swap3A_777 = vector.shape_cast %swap3A_776 : vector<1x1x16xf32> to vector<16xf32>
          %swap3A_778 = vector.shape_cast %add3A_771 : vector<16xf32> to vector<1x1x16xf32>
          tpu.vector_store %arg7[%swap3A_773, %swap3A_774, %swap3A_775], %swap3A_778 {strides = array<i32>} : memref<8x8x1024xf32, #tpu.memory_space<vmem>>, vector<1x1x16xf32>,
          %get3A_779 = arith.constant 3 : i32
          %get3A_780 = arith.index_cast %get3A_779 : i32 to index
          %get3A_781 = arith.index_cast %scan3A_710 : i32 to index
          %get3A_782 = arith.index_cast %multiple_of3A : i32 to index
          %get3A_783 = tpu.vector_load %arg7[%get3A_780, %get3A_781, %get3A_782] {strides = array<i32>} : memref<8x8x1024xf32, #tpu.memory_space<vmem>>, vector<1x1x16xf32>,
          %get3A_784 = vector.shape_cast %get3A_783 : vector<1x1x16xf32> to vector<16xf32>
          %mul3A_785 = arith.constant 3.200000e+01 : f32
          %mul3A_786 = vector.broadcast %mul3A_785 : f32 to vector<16xf32>
          %mul3A_787 = arith.mulf %get3A_784, %mul3A_786 : vector<16xf32>
          %add3A_788 = arith.addf %mul3A_787, %get3A_728 : vector<16xf32>
          %swap3A_789 = arith.constant 3 : i32
          %swap3A_790 = arith.index_cast %swap3A_789 : i32 to index
          %swap3A_791 = arith.index_cast %scan3A_710 : i32 to index
          %swap3A_792 = arith.index_cast %multiple_of3A : i32 to index
          %swap3A_793 = tpu.vector_load %arg7[%swap3A_790, %swap3A_791, %swap3A_792] {strides = array<i32>} : memref<8x8x1024xf32, #tpu.memory_space<vmem>>, vector<1x1x16xf32>,
          %swap3A_794 = vector.shape_cast %swap3A_793 : vector<1x1x16xf32> to vector<16xf32>
          %swap3A_795 = vector.shape_cast %add3A_788 : vector<16xf32> to vector<1x1x16xf32>
          tpu.vector_store %arg7[%swap3A_790, %swap3A_791, %swap3A_792], %swap3A_795 {strides = array<i32>} : memref<8x8x1024xf32, #tpu.memory_space<vmem>>, vector<1x1x16xf32>,
          %scan3A_796 = arith.constant 0 : i32
          %scan3A_797 = arith.constant 1 : i32
          %scan3A_798 = arith.addi %scan3A_720, %scan3A_797 : i32
          %mul3A_799 = arith.constant 16 : i32
          %mul3A_800 = arith.muli %scan3A_798, %mul3A_799 : i32
          %multiple_of3A_801 = tpu.assume_multiple %mul3A_800, 16 : i32
          %get3A_802 = arith.constant 0 : i32
          %get3A_803 = arith.index_cast %get3A_802 : i32 to index
          %get3A_804 = arith.index_cast %scan3A_710 : i32 to index
          %get3A_805 = arith.index_cast %multiple_of3A_801 : i32 to index
          %get3A_806 = tpu.vector_load %arg8[%get3A_803, %get3A_804, %get3A_805] {strides = array<i32>} : memref<2x8x1024xf32, #tpu.memory_space<vmem>>, vector<1x1x16xf32>,
          %get3A_807 = vector.shape_cast %get3A_806 : vector<1x1x16xf32> to vector<16xf32>
          %get3A_808 = arith.constant 0 : i32
          %get3A_809 = arith.index_cast %get3A_808 : i32 to index
          %get3A_810 = arith.index_cast %scan3A_710 : i32 to index
          %get3A_811 = arith.index_cast %multiple_of3A_801 : i32 to index
          %get3A_812 = tpu.vector_load %arg7[%get3A_809, %get3A_810, %get3A_811] {strides = array<i32>} : memref<8x8x1024xf32, #tpu.memory_space<vmem>>, vector<1x1x16xf32>,
          %get3A_813 = vector.shape_cast %get3A_812 : vector<1x1x16xf32> to vector<16xf32>
          %mul3A_814 = arith.constant 3.200000e+01 : f32
          %mul3A_815 = vector.broadcast %mul3A_814 : f32 to vector<16xf32>
          %mul3A_816 = arith.mulf %get3A_813, %mul3A_815 : vector<16xf32>
          %add3A_817 = arith.addf %mul3A_816, %get3A_807 : vector<16xf32>
          %swap3A_818 = arith.constant 0 : i32
          %swap3A_819 = arith.index_cast %swap3A_818 : i32 to index
          %swap3A_820 = arith.index_cast %scan3A_710 : i32 to index
          %swap3A_821 = arith.index_cast %multiple_of3A_801 : i32 to index
          %swap3A_822 = tpu.vector_load %arg7[%swap3A_819, %swap3A_820, %swap3A_821] {strides = array<i32>} : memref<8x8x1024xf32, #tpu.memory_space<vmem>>, vector<1x1x16xf32>,
          %swap3A_823 = vector.shape_cast %swap3A_822 : vector<1x1x16xf32> to vector<16xf32>
          %swap3A_824 = vector.shape_cast %add3A_817 : vector<16xf32> to vector<1x1x16xf32>
          tpu.vector_store %arg7[%swap3A_819, %swap3A_820, %swap3A_821], %swap3A_824 {strides = array<i32>} : memref<8x8x1024xf32, #tpu.memory_space<vmem>>, vector<1x1x16xf32>,
          %get3A_825 = arith.constant 1 : i32
          %get3A_826 = arith.index_cast %get3A_825 : i32 to index
          %get3A_827 = arith.index_cast %scan3A_710 : i32 to index
          %get3A_828 = arith.index_cast %multiple_of3A_801 : i32 to index
          %get3A_829 = tpu.vector_load %arg7[%get3A_826, %get3A_827, %get3A_828] {strides = array<i32>} : memref<8x8x1024xf32, #tpu.memory_space<vmem>>, vector<1x1x16xf32>,
          %get3A_830 = vector.shape_cast %get3A_829 : vector<1x1x16xf32> to vector<16xf32>
          %mul3A_831 = arith.constant 3.200000e+01 : f32
          %mul3A_832 = vector.broadcast %mul3A_831 : f32 to vector<16xf32>
          %mul3A_833 = arith.mulf %get3A_830, %mul3A_832 : vector<16xf32>
          %add3A_834 = arith.addf %mul3A_833, %get3A_807 : vector<16xf32>
          %swap3A_835 = arith.constant 1 : i32
          %swap3A_836 = arith.index_cast %swap3A_835 : i32 to index
          %swap3A_837 = arith.index_cast %scan3A_710 : i32 to index
          %swap3A_838 = arith.index_cast %multiple_of3A_801 : i32 to index
          %swap3A_839 = tpu.vector_load %arg7[%swap3A_836, %swap3A_837, %swap3A_838] {strides = array<i32>} : memref<8x8x1024xf32, #tpu.memory_space<vmem>>, vector<1x1x16xf32>,
          %swap3A_840 = vector.shape_cast %swap3A_839 : vector<1x1x16xf32> to vector<16xf32>
          %swap3A_841 = vector.shape_cast %add3A_834 : vector<16xf32> to vector<1x1x16xf32>
          tpu.vector_store %arg7[%swap3A_836, %swap3A_837, %swap3A_838], %swap3A_841 {strides = array<i32>} : memref<8x8x1024xf32, #tpu.memory_space<vmem>>, vector<1x1x16xf32>,
          %get3A_842 = arith.constant 2 : i32
          %get3A_843 = arith.index_cast %get3A_842 : i32 to index
          %get3A_844 = arith.index_cast %scan3A_710 : i32 to index
          %get3A_845 = arith.index_cast %multiple_of3A_801 : i32 to index
          %get3A_846 = tpu.vector_load %arg7[%get3A_843, %get3A_844, %get3A_845] {strides = array<i32>} : memref<8x8x1024xf32, #tpu.memory_space<vmem>>, vector<1x1x16xf32>,
          %get3A_847 = vector.shape_cast %get3A_846 : vector<1x1x16xf32> to vector<16xf32>
          %mul3A_848 = arith.constant 3.200000e+01 : f32
          %mul3A_849 = vector.broadcast %mul3A_848 : f32 to vector<16xf32>
          %mul3A_850 = arith.mulf %get3A_847, %mul3A_849 : vector<16xf32>
          %add3A_851 = arith.addf %mul3A_850, %get3A_807 : vector<16xf32>
          %swap3A_852 = arith.constant 2 : i32
          %swap3A_853 = arith.index_cast %swap3A_852 : i32 to index
          %swap3A_854 = arith.index_cast %scan3A_710 : i32 to index
          %swap3A_855 = arith.index_cast %multiple_of3A_801 : i32 to index
          %swap3A_856 = tpu.vector_load %arg7[%swap3A_853, %swap3A_854, %swap3A_855] {strides = array<i32>} : memref<8x8x1024xf32, #tpu.memory_space<vmem>>, vector<1x1x16xf32>,
          %swap3A_857 = vector.shape_cast %swap3A_856 : vector<1x1x16xf32> to vector<16xf32>
          %swap3A_858 = vector.shape_cast %add3A_851 : vector<16xf32> to vector<1x1x16xf32>
          tpu.vector_store %arg7[%swap3A_853, %swap3A_854, %swap3A_855], %swap3A_858 {strides = array<i32>} : memref<8x8x1024xf32, #tpu.memory_space<vmem>>, vector<1x1x16xf32>,
          %get3A_859 = arith.constant 3 : i32
          %get3A_860 = arith.index_cast %get3A_859 : i32 to index
          %get3A_861 = arith.index_cast %scan3A_710 : i32 to index
          %get3A_862 = arith.index_cast %multiple_of3A_801 : i32 to index
          %get3A_863 = tpu.vector_load %arg7[%get3A_860, %get3A_861, %get3A_862] {strides = array<i32>} : memref<8x8x1024xf32, #tpu.memory_space<vmem>>, vector<1x1x16xf32>,
          %get3A_864 = vector.shape_cast %get3A_863 : vector<1x1x16xf32> to vector<16xf32>
          %mul3A_865 = arith.constant 3.200000e+01 : f32
          %mul3A_866 = vector.broadcast %mul3A_865 : f32 to vector<16xf32>
          %mul3A_867 = arith.mulf %get3A_864, %mul3A_866 : vector<16xf32>
          %add3A_868 = arith.addf %mul3A_867, %get3A_807 : vector<16xf32>
          %swap3A_869 = arith.constant 3 : i32
          %swap3A_870 = arith.index_cast %swap3A_869 : i32 to index
          %swap3A_871 = arith.index_cast %scan3A_710 : i32 to index
          %swap3A_872 = arith.index_cast %multiple_of3A_801 : i32 to index
          %swap3A_873 = tpu.vector_load %arg7[%swap3A_870, %swap3A_871, %swap3A_872] {strides = array<i32>} : memref<8x8x1024xf32, #tpu.memory_space<vmem>>, vector<1x1x16xf32>,
          %swap3A_874 = vector.shape_cast %swap3A_873 : vector<1x1x16xf32> to vector<16xf32>
          %swap3A_875 = vector.shape_cast %add3A_868 : vector<16xf32> to vector<1x1x16xf32>
          tpu.vector_store %arg7[%swap3A_870, %swap3A_871, %swap3A_872], %swap3A_875 {strides = array<i32>} : memref<8x8x1024xf32, #tpu.memory_space<vmem>>, vector<1x1x16xf32>,
          %scan3A_876 = arith.constant 0 : i32
          %scan3A_877 = arith.constant 2 : i32
          %scan3A_878 = arith.addi %scan3A_720, %scan3A_877 : i32
          %mul3A_879 = arith.constant 16 : i32
          %mul3A_880 = arith.muli %scan3A_878, %mul3A_879 : i32
          %multiple_of3A_881 = tpu.assume_multiple %mul3A_880, 16 : i32
          %get3A_882 = arith.constant 0 : i32
          %get3A_883 = arith.index_cast %get3A_882 : i32 to index
          %get3A_884 = arith.index_cast %scan3A_710 : i32 to index
          %get3A_885 = arith.index_cast %multiple_of3A_881 : i32 to index
          %get3A_886 = tpu.vector_load %arg8[%get3A_883, %get3A_884, %get3A_885] {strides = array<i32>} : memref<2x8x1024xf32, #tpu.memory_space<vmem>>, vector<1x1x16xf32>,
          %get3A_887 = vector.shape_cast %get3A_886 : vector<1x1x16xf32> to vector<16xf32>
          %get3A_888 = arith.constant 0 : i32
          %get3A_889 = arith.index_cast %get3A_888 : i32 to index
          %get3A_890 = arith.index_cast %scan3A_710 : i32 to index
          %get3A_891 = arith.index_cast %multiple_of3A_881 : i32 to index
          %get3A_892 = tpu.vector_load %arg7[%get3A_889, %get3A_890, %get3A_891] {strides = array<i32>} : memref<8x8x1024xf32, #tpu.memory_space<vmem>>, vector<1x1x16xf32>,
          %get3A_893 = vector.shape_cast %get3A_892 : vector<1x1x16xf32> to vector<16xf32>
          %mul3A_894 = arith.constant 3.200000e+01 : f32
          %mul3A_895 = vector.broadcast %mul3A_894 : f32 to vector<16xf32>
          %mul3A_896 = arith.mulf %get3A_893, %mul3A_895 : vector<16xf32>
          %add3A_897 = arith.addf %mul3A_896, %get3A_887 : vector<16xf32>
          %swap3A_898 = arith.constant 0 : i32
          %swap3A_899 = arith.index_cast %swap3A_898 : i32 to index
          %swap3A_900 = arith.index_cast %scan3A_710 : i32 to index
          %swap3A_901 = arith.index_cast %multiple_of3A_881 : i32 to index
          %swap3A_902 = tpu.vector_load %arg7[%swap3A_899, %swap3A_900, %swap3A_901] {strides = array<i32>} : memref<8x8x1024xf32, #tpu.memory_space<vmem>>, vector<1x1x16xf32>,
          %swap3A_903 = vector.shape_cast %swap3A_902 : vector<1x1x16xf32> to vector<16xf32>
          %swap3A_904 = vector.shape_cast %add3A_897 : vector<16xf32> to vector<1x1x16xf32>
          tpu.vector_store %arg7[%swap3A_899, %swap3A_900, %swap3A_901], %swap3A_904 {strides = array<i32>} : memref<8x8x1024xf32, #tpu.memory_space<vmem>>, vector<1x1x16xf32>,
          %get3A_905 = arith.constant 1 : i32
          %get3A_906 = arith.index_cast %get3A_905 : i32 to index
          %get3A_907 = arith.index_cast %scan3A_710 : i32 to index
          %get3A_908 = arith.index_cast %multiple_of3A_881 : i32 to index
          %get3A_909 = tpu.vector_load %arg7[%get3A_906, %get3A_907, %get3A_908] {strides = array<i32>} : memref<8x8x1024xf32, #tpu.memory_space<vmem>>, vector<1x1x16xf32>,
          %get3A_910 = vector.shape_cast %get3A_909 : vector<1x1x16xf32> to vector<16xf32>
          %mul3A_911 = arith.constant 3.200000e+01 : f32
          %mul3A_912 = vector.broadcast %mul3A_911 : f32 to vector<16xf32>
          %mul3A_913 = arith.mulf %get3A_910, %mul3A_912 : vector<16xf32>
          %add3A_914 = arith.addf %mul3A_913, %get3A_887 : vector<16xf32>
          %swap3A_915 = arith.constant 1 : i32
          %swap3A_916 = arith.index_cast %swap3A_915 : i32 to index
          %swap3A_917 = arith.index_cast %scan3A_710 : i32 to index
          %swap3A_918 = arith.index_cast %multiple_of3A_881 : i32 to index
          %swap3A_919 = tpu.vector_load %arg7[%swap3A_916, %swap3A_917, %swap3A_918] {strides = array<i32>} : memref<8x8x1024xf32, #tpu.memory_space<vmem>>, vector<1x1x16xf32>,
          %swap3A_920 = vector.shape_cast %swap3A_919 : vector<1x1x16xf32> to vector<16xf32>
          %swap3A_921 = vector.shape_cast %add3A_914 : vector<16xf32> to vector<1x1x16xf32>
          tpu.vector_store %arg7[%swap3A_916, %swap3A_917, %swap3A_918], %swap3A_921 {strides = array<i32>} : memref<8x8x1024xf32, #tpu.memory_space<vmem>>, vector<1x1x16xf32>,
          %get3A_922 = arith.constant 2 : i32
          %get3A_923 = arith.index_cast %get3A_922 : i32 to index
          %get3A_924 = arith.index_cast %scan3A_710 : i32 to index
          %get3A_925 = arith.index_cast %multiple_of3A_881 : i32 to index
          %get3A_926 = tpu.vector_load %arg7[%get3A_923, %get3A_924, %get3A_925] {strides = array<i32>} : memref<8x8x1024xf32, #tpu.memory_space<vmem>>, vector<1x1x16xf32>,
          %get3A_927 = vector.shape_cast %get3A_926 : vector<1x1x16xf32> to vector<16xf32>
          %mul3A_928 = arith.constant 3.200000e+01 : f32
          %mul3A_929 = vector.broadcast %mul3A_928 : f32 to vector<16xf32>
          %mul3A_930 = arith.mulf %get3A_927, %mul3A_929 : vector<16xf32>
          %add3A_931 = arith.addf %mul3A_930, %get3A_887 : vector<16xf32>
          %swap3A_932 = arith.constant 2 : i32
          %swap3A_933 = arith.index_cast %swap3A_932 : i32 to index
          %swap3A_934 = arith.index_cast %scan3A_710 : i32 to index
          %swap3A_935 = arith.index_cast %multiple_of3A_881 : i32 to index
          %swap3A_936 = tpu.vector_load %arg7[%swap3A_933, %swap3A_934, %swap3A_935] {strides = array<i32>} : memref<8x8x1024xf32, #tpu.memory_space<vmem>>, vector<1x1x16xf32>,
          %swap3A_937 = vector.shape_cast %swap3A_936 : vector<1x1x16xf32> to vector<16xf32>
          %swap3A_938 = vector.shape_cast %add3A_931 : vector<16xf32> to vector<1x1x16xf32>
          tpu.vector_store %arg7[%swap3A_933, %swap3A_934, %swap3A_935], %swap3A_938 {strides = array<i32>} : memref<8x8x1024xf32, #tpu.memory_space<vmem>>, vector<1x1x16xf32>,
          %get3A_939 = arith.constant 3 : i32
          %get3A_940 = arith.index_cast %get3A_939 : i32 to index
          %get3A_941 = arith.index_cast %scan3A_710 : i32 to index
          %get3A_942 = arith.index_cast %multiple_of3A_881 : i32 to index
          %get3A_943 = tpu.vector_load %arg7[%get3A_940, %get3A_941, %get3A_942] {strides = array<i32>} : memref<8x8x1024xf32, #tpu.memory_space<vmem>>, vector<1x1x16xf32>,
          %get3A_944 = vector.shape_cast %get3A_943 : vector<1x1x16xf32> to vector<16xf32>
          %mul3A_945 = arith.constant 3.200000e+01 : f32
          %mul3A_946 = vector.broadcast %mul3A_945 : f32 to vector<16xf32>
          %mul3A_947 = arith.mulf %get3A_944, %mul3A_946 : vector<16xf32>
          %add3A_948 = arith.addf %mul3A_947, %get3A_887 : vector<16xf32>
          %swap3A_949 = arith.constant 3 : i32
          %swap3A_950 = arith.index_cast %swap3A_949 : i32 to index
          %swap3A_951 = arith.index_cast %scan3A_710 : i32 to index
          %swap3A_952 = arith.index_cast %multiple_of3A_881 : i32 to index
          %swap3A_953 = tpu.vector_load %arg7[%swap3A_950, %swap3A_951, %swap3A_952] {strides = array<i32>} : memref<8x8x1024xf32, #tpu.memory_space<vmem>>, vector<1x1x16xf32>,
          %swap3A_954 = vector.shape_cast %swap3A_953 : vector<1x1x16xf32> to vector<16xf32>
          %swap3A_955 = vector.shape_cast %add3A_948 : vector<16xf32> to vector<1x1x16xf32>
          tpu.vector_store %arg7[%swap3A_950, %swap3A_951, %swap3A_952], %swap3A_955 {strides = array<i32>} : memref<8x8x1024xf32, #tpu.memory_space<vmem>>, vector<1x1x16xf32>,
          %scan3A_956 = arith.constant 0 : i32
          %scan3A_957 = arith.constant 3 : i32
          %scan3A_958 = arith.addi %scan3A_720, %scan3A_957 : i32
          %mul3A_959 = arith.constant 16 : i32
          %mul3A_960 = arith.muli %scan3A_958, %mul3A_959 : i32
          %multiple_of3A_961 = tpu.assume_multiple %mul3A_960, 16 : i32
          %get3A_962 = arith.constant 0 : i32
          %get3A_963 = arith.index_cast %get3A_962 : i32 to index
          %get3A_964 = arith.index_cast %scan3A_710 : i32 to index
          %get3A_965 = arith.index_cast %multiple_of3A_961 : i32 to index
          %get3A_966 = tpu.vector_load %arg8[%get3A_963, %get3A_964, %get3A_965] {strides = array<i32>} : memref<2x8x1024xf32, #tpu.memory_space<vmem>>, vector<1x1x16xf32>,
          %get3A_967 = vector.shape_cast %get3A_966 : vector<1x1x16xf32> to vector<16xf32>
          %get3A_968 = arith.constant 0 : i32
          %get3A_969 = arith.index_cast %get3A_968 : i32 to index
          %get3A_970 = arith.index_cast %scan3A_710 : i32 to index
          %get3A_971 = arith.index_cast %multiple_of3A_961 : i32 to index
          %get3A_972 = tpu.vector_load %arg7[%get3A_969, %get3A_970, %get3A_971] {strides = array<i32>} : memref<8x8x1024xf32, #tpu.memory_space<vmem>>, vector<1x1x16xf32>,
          %get3A_973 = vector.shape_cast %get3A_972 : vector<1x1x16xf32> to vector<16xf32>
          %mul3A_974 = arith.constant 3.200000e+01 : f32
          %mul3A_975 = vector.broadcast %mul3A_974 : f32 to vector<16xf32>
          %mul3A_976 = arith.mulf %get3A_973, %mul3A_975 : vector<16xf32>
          %add3A_977 = arith.addf %mul3A_976, %get3A_967 : vector<16xf32>
          %swap3A_978 = arith.constant 0 : i32
          %swap3A_979 = arith.index_cast %swap3A_978 : i32 to index
          %swap3A_980 = arith.index_cast %scan3A_710 : i32 to index
          %swap3A_981 = arith.index_cast %multiple_of3A_961 : i32 to index
          %swap3A_982 = tpu.vector_load %arg7[%swap3A_979, %swap3A_980, %swap3A_981] {strides = array<i32>} : memref<8x8x1024xf32, #tpu.memory_space<vmem>>, vector<1x1x16xf32>,
          %swap3A_983 = vector.shape_cast %swap3A_982 : vector<1x1x16xf32> to vector<16xf32>
          %swap3A_984 = vector.shape_cast %add3A_977 : vector<16xf32> to vector<1x1x16xf32>
          tpu.vector_store %arg7[%swap3A_979, %swap3A_980, %swap3A_981], %swap3A_984 {strides = array<i32>} : memref<8x8x1024xf32, #tpu.memory_space<vmem>>, vector<1x1x16xf32>,
          %get3A_985 = arith.constant 1 : i32
          %get3A_986 = arith.index_cast %get3A_985 : i32 to index
          %get3A_987 = arith.index_cast %scan3A_710 : i32 to index
          %get3A_988 = arith.index_cast %multiple_of3A_961 : i32 to index
          %get3A_989 = tpu.vector_load %arg7[%get3A_986, %get3A_987, %get3A_988] {strides = array<i32>} : memref<8x8x1024xf32, #tpu.memory_space<vmem>>, vector<1x1x16xf32>,
          %get3A_990 = vector.shape_cast %get3A_989 : vector<1x1x16xf32> to vector<16xf32>
          %mul3A_991 = arith.constant 3.200000e+01 : f32
          %mul3A_992 = vector.broadcast %mul3A_991 : f32 to vector<16xf32>
          %mul3A_993 = arith.mulf %get3A_990, %mul3A_992 : vector<16xf32>
          %add3A_994 = arith.addf %mul3A_993, %get3A_967 : vector<16xf32>
          %swap3A_995 = arith.constant 1 : i32
          %swap3A_996 = arith.index_cast %swap3A_995 : i32 to index
          %swap3A_997 = arith.index_cast %scan3A_710 : i32 to index
          %swap3A_998 = arith.index_cast %multiple_of3A_961 : i32 to index
          %swap3A_999 = tpu.vector_load %arg7[%swap3A_996, %swap3A_997, %swap3A_998] {strides = array<i32>} : memref<8x8x1024xf32, #tpu.memory_space<vmem>>, vector<1x1x16xf32>,
          %swap3A_1000 = vector.shape_cast %swap3A_999 : vector<1x1x16xf32> to vector<16xf32>
          %swap3A_1001 = vector.shape_cast %add3A_994 : vector<16xf32> to vector<1x1x16xf32>
          tpu.vector_store %arg7[%swap3A_996, %swap3A_997, %swap3A_998], %swap3A_1001 {strides = array<i32>} : memref<8x8x1024xf32, #tpu.memory_space<vmem>>, vector<1x1x16xf32>,
          %get3A_1002 = arith.constant 2 : i32
          %get3A_1003 = arith.index_cast %get3A_1002 : i32 to index
          %get3A_1004 = arith.index_cast %scan3A_710 : i32 to index
          %get3A_1005 = arith.index_cast %multiple_of3A_961 : i32 to index
          %get3A_1006 = tpu.vector_load %arg7[%get3A_1003, %get3A_1004, %get3A_1005] {strides = array<i32>} : memref<8x8x1024xf32, #tpu.memory_space<vmem>>, vector<1x1x16xf32>,
          %get3A_1007 = vector.shape_cast %get3A_1006 : vector<1x1x16xf32> to vector<16xf32>
          %mul3A_1008 = arith.constant 3.200000e+01 : f32
          %mul3A_1009 = vector.broadcast %mul3A_1008 : f32 to vector<16xf32>
          %mul3A_1010 = arith.mulf %get3A_1007, %mul3A_1009 : vector<16xf32>
          %add3A_1011 = arith.addf %mul3A_1010, %get3A_967 : vector<16xf32>
          %swap3A_1012 = arith.constant 2 : i32
          %swap3A_1013 = arith.index_cast %swap3A_1012 : i32 to index
          %swap3A_1014 = arith.index_cast %scan3A_710 : i32 to index
          %swap3A_1015 = arith.index_cast %multiple_of3A_961 : i32 to index
          %swap3A_1016 = tpu.vector_load %arg7[%swap3A_1013, %swap3A_1014, %swap3A_1015] {strides = array<i32>} : memref<8x8x1024xf32, #tpu.memory_space<vmem>>, vector<1x1x16xf32>,
          %swap3A_1017 = vector.shape_cast %swap3A_1016 : vector<1x1x16xf32> to vector<16xf32>
          %swap3A_1018 = vector.shape_cast %add3A_1011 : vector<16xf32> to vector<1x1x16xf32>
          tpu.vector_store %arg7[%swap3A_1013, %swap3A_1014, %swap3A_1015], %swap3A_1018 {strides = array<i32>} : memref<8x8x1024xf32, #tpu.memory_space<vmem>>, vector<1x1x16xf32>,
          %get3A_1019 = arith.constant 3 : i32
          %get3A_1020 = arith.index_cast %get3A_1019 : i32 to index
          %get3A_1021 = arith.index_cast %scan3A_710 : i32 to index
          %get3A_1022 = arith.index_cast %multiple_of3A_961 : i32 to index
          %get3A_1023 = tpu.vector_load %arg7[%get3A_1020, %get3A_1021, %get3A_1022] {strides = array<i32>} : memref<8x8x1024xf32, #tpu.memory_space<vmem>>, vector<1x1x16xf32>,
          %get3A_1024 = vector.shape_cast %get3A_1023 : vector<1x1x16xf32> to vector<16xf32>
          %mul3A_1025 = arith.constant 3.200000e+01 : f32
          %mul3A_1026 = vector.broadcast %mul3A_1025 : f32 to vector<16xf32>
          %mul3A_1027 = arith.mulf %get3A_1024, %mul3A_1026 : vector<16xf32>
          %add3A_1028 = arith.addf %mul3A_1027, %get3A_967 : vector<16xf32>
          %swap3A_1029 = arith.constant 3 : i32
          %swap3A_1030 = arith.index_cast %swap3A_1029 : i32 to index
          %swap3A_1031 = arith.index_cast %scan3A_710 : i32 to index
          %swap3A_1032 = arith.index_cast %multiple_of3A_961 : i32 to index
          %swap3A_1033 = tpu.vector_load %arg7[%swap3A_1030, %swap3A_1031, %swap3A_1032] {strides = array<i32>} : memref<8x8x1024xf32, #tpu.memory_space<vmem>>, vector<1x1x16xf32>,
          %swap3A_1034 = vector.shape_cast %swap3A_1033 : vector<1x1x16xf32> to vector<16xf32>
          %swap3A_1035 = vector.shape_cast %add3A_1028 : vector<16xf32> to vector<1x1x16xf32>
          tpu.vector_store %arg7[%swap3A_1030, %swap3A_1031, %swap3A_1032], %swap3A_1035 {strides = array<i32>} : memref<8x8x1024xf32, #tpu.memory_space<vmem>>, vector<1x1x16xf32>,
          %scan3A_1036 = arith.constant 0 : i32
          %scan3A_1037 = arith.constant 4 : i32
          %scan3A_1038 = arith.addi %scan3A_720, %scan3A_1037 : i32
          %mul3A_1039 = arith.constant 16 : i32
          %mul3A_1040 = arith.muli %scan3A_1038, %mul3A_1039 : i32
          %multiple_of3A_1041 = tpu.assume_multiple %mul3A_1040, 16 : i32
          %get3A_1042 = arith.constant 0 : i32
          %get3A_1043 = arith.index_cast %get3A_1042 : i32 to index
          %get3A_1044 = arith.index_cast %scan3A_710 : i32 to index
          %get3A_1045 = arith.index_cast %multiple_of3A_1041 : i32 to index
          %get3A_1046 = tpu.vector_load %arg8[%get3A_1043, %get3A_1044, %get3A_1045] {strides = array<i32>} : memref<2x8x1024xf32, #tpu.memory_space<vmem>>, vector<1x1x16xf32>,
          %get3A_1047 = vector.shape_cast %get3A_1046 : vector<1x1x16xf32> to vector<16xf32>
          %get3A_1048 = arith.constant 0 : i32
          %get3A_1049 = arith.index_cast %get3A_1048 : i32 to index
          %get3A_1050 = arith.index_cast %scan3A_710 : i32 to index
          %get3A_1051 = arith.index_cast %multiple_of3A_1041 : i32 to index
          %get3A_1052 = tpu.vector_load %arg7[%get3A_1049, %get3A_1050, %get3A_1051] {strides = array<i32>} : memref<8x8x1024xf32, #tpu.memory_space<vmem>>, vector<1x1x16xf32>,
          %get3A_1053 = vector.shape_cast %get3A_1052 : vector<1x1x16xf32> to vector<16xf32>
          %mul3A_1054 = arith.constant 3.200000e+01 : f32
          %mul3A_1055 = vector.broadcast %mul3A_1054 : f32 to vector<16xf32>
          %mul3A_1056 = arith.mulf %get3A_1053, %mul3A_1055 : vector<16xf32>
          %add3A_1057 = arith.addf %mul3A_1056, %get3A_1047 : vector<16xf32>
          %swap3A_1058 = arith.constant 0 : i32
          %swap3A_1059 = arith.index_cast %swap3A_1058 : i32 to index
          %swap3A_1060 = arith.index_cast %scan3A_710 : i32 to index
          %swap3A_1061 = arith.index_cast %multiple_of3A_1041 : i32 to index
          %swap3A_1062 = tpu.vector_load %arg7[%swap3A_1059, %swap3A_1060, %swap3A_1061] {strides = array<i32>} : memref<8x8x1024xf32, #tpu.memory_space<vmem>>, vector<1x1x16xf32>,
          %swap3A_1063 = vector.shape_cast %swap3A_1062 : vector<1x1x16xf32> to vector<16xf32>
          %swap3A_1064 = vector.shape_cast %add3A_1057 : vector<16xf32> to vector<1x1x16xf32>
          tpu.vector_store %arg7[%swap3A_1059, %swap3A_1060, %swap3A_1061], %swap3A_1064 {strides = array<i32>} : memref<8x8x1024xf32, #tpu.memory_space<vmem>>, vector<1x1x16xf32>,
          %get3A_1065 = arith.constant 1 : i32
          %get3A_1066 = arith.index_cast %get3A_1065 : i32 to index
          %get3A_1067 = arith.index_cast %scan3A_710 : i32 to index
          %get3A_1068 = arith.index_cast %multiple_of3A_1041 : i32 to index
          %get3A_1069 = tpu.vector_load %arg7[%get3A_1066, %get3A_1067, %get3A_1068] {strides = array<i32>} : memref<8x8x1024xf32, #tpu.memory_space<vmem>>, vector<1x1x16xf32>,
          %get3A_1070 = vector.shape_cast %get3A_1069 : vector<1x1x16xf32> to vector<16xf32>
          %mul3A_1071 = arith.constant 3.200000e+01 : f32
          %mul3A_1072 = vector.broadcast %mul3A_1071 : f32 to vector<16xf32>
          %mul3A_1073 = arith.mulf %get3A_1070, %mul3A_1072 : vector<16xf32>
          %add3A_1074 = arith.addf %mul3A_1073, %get3A_1047 : vector<16xf32>
          %swap3A_1075 = arith.constant 1 : i32
          %swap3A_1076 = arith.index_cast %swap3A_1075 : i32 to index
          %swap3A_1077 = arith.index_cast %scan3A_710 : i32 to index
          %swap3A_1078 = arith.index_cast %multiple_of3A_1041 : i32 to index
          %swap3A_1079 = tpu.vector_load %arg7[%swap3A_1076, %swap3A_1077, %swap3A_1078] {strides = array<i32>} : memref<8x8x1024xf32, #tpu.memory_space<vmem>>, vector<1x1x16xf32>,
          %swap3A_1080 = vector.shape_cast %swap3A_1079 : vector<1x1x16xf32> to vector<16xf32>
          %swap3A_1081 = vector.shape_cast %add3A_1074 : vector<16xf32> to vector<1x1x16xf32>
          tpu.vector_store %arg7[%swap3A_1076, %swap3A_1077, %swap3A_1078], %swap3A_1081 {strides = array<i32>} : memref<8x8x1024xf32, #tpu.memory_space<vmem>>, vector<1x1x16xf32>,
          %get3A_1082 = arith.constant 2 : i32
          %get3A_1083 = arith.index_cast %get3A_1082 : i32 to index
          %get3A_1084 = arith.index_cast %scan3A_710 : i32 to index
          %get3A_1085 = arith.index_cast %multiple_of3A_1041 : i32 to index
          %get3A_1086 = tpu.vector_load %arg7[%get3A_1083, %get3A_1084, %get3A_1085] {strides = array<i32>} : memref<8x8x1024xf32, #tpu.memory_space<vmem>>, vector<1x1x16xf32>,
          %get3A_1087 = vector.shape_cast %get3A_1086 : vector<1x1x16xf32> to vector<16xf32>
          %mul3A_1088 = arith.constant 3.200000e+01 : f32
          %mul3A_1089 = vector.broadcast %mul3A_1088 : f32 to vector<16xf32>
          %mul3A_1090 = arith.mulf %get3A_1087, %mul3A_1089 : vector<16xf32>
          %add3A_1091 = arith.addf %mul3A_1090, %get3A_1047 : vector<16xf32>
          %swap3A_1092 = arith.constant 2 : i32
          %swap3A_1093 = arith.index_cast %swap3A_1092 : i32 to index
          %swap3A_1094 = arith.index_cast %scan3A_710 : i32 to index
          %swap3A_1095 = arith.index_cast %multiple_of3A_1041 : i32 to index
          %swap3A_1096 = tpu.vector_load %arg7[%swap3A_1093, %swap3A_1094, %swap3A_1095] {strides = array<i32>} : memref<8x8x1024xf32, #tpu.memory_space<vmem>>, vector<1x1x16xf32>,
          %swap3A_1097 = vector.shape_cast %swap3A_1096 : vector<1x1x16xf32> to vector<16xf32>
          %swap3A_1098 = vector.shape_cast %add3A_1091 : vector<16xf32> to vector<1x1x16xf32>
          tpu.vector_store %arg7[%swap3A_1093, %swap3A_1094, %swap3A_1095], %swap3A_1098 {strides = array<i32>} : memref<8x8x1024xf32, #tpu.memory_space<vmem>>, vector<1x1x16xf32>,
          %get3A_1099 = arith.constant 3 : i32
          %get3A_1100 = arith.index_cast %get3A_1099 : i32 to index
          %get3A_1101 = arith.index_cast %scan3A_710 : i32 to index
          %get3A_1102 = arith.index_cast %multiple_of3A_1041 : i32 to index
          %get3A_1103 = tpu.vector_load %arg7[%get3A_1100, %get3A_1101, %get3A_1102] {strides = array<i32>} : memref<8x8x1024xf32, #tpu.memory_space<vmem>>, vector<1x1x16xf32>,
          %get3A_1104 = vector.shape_cast %get3A_1103 : vector<1x1x16xf32> to vector<16xf32>
          %mul3A_1105 = arith.constant 3.200000e+01 : f32
          %mul3A_1106 = vector.broadcast %mul3A_1105 : f32 to vector<16xf32>
          %mul3A_1107 = arith.mulf %get3A_1104, %mul3A_1106 : vector<16xf32>
          %add3A_1108 = arith.addf %mul3A_1107, %get3A_1047 : vector<16xf32>
          %swap3A_1109 = arith.constant 3 : i32
          %swap3A_1110 = arith.index_cast %swap3A_1109 : i32 to index
          %swap3A_1111 = arith.index_cast %scan3A_710 : i32 to index
          %swap3A_1112 = arith.index_cast %multiple_of3A_1041 : i32 to index
          %swap3A_1113 = tpu.vector_load %arg7[%swap3A_1110, %swap3A_1111, %swap3A_1112] {strides = array<i32>} : memref<8x8x1024xf32, #tpu.memory_space<vmem>>, vector<1x1x16xf32>,
          %swap3A_1114 = vector.shape_cast %swap3A_1113 : vector<1x1x16xf32> to vector<16xf32>
          %swap3A_1115 = vector.shape_cast %add3A_1108 : vector<16xf32> to vector<1x1x16xf32>
          tpu.vector_store %arg7[%swap3A_1110, %swap3A_1111, %swap3A_1112], %swap3A_1115 {strides = array<i32>} : memref<8x8x1024xf32, #tpu.memory_space<vmem>>, vector<1x1x16xf32>,
          %scan3A_1116 = arith.constant 0 : i32
          %scan3A_1117 = arith.constant 5 : i32
          %scan3A_1118 = arith.addi %scan3A_720, %scan3A_1117 : i32
          %mul3A_1119 = arith.constant 16 : i32
          %mul3A_1120 = arith.muli %scan3A_1118, %mul3A_1119 : i32
          %multiple_of3A_1121 = tpu.assume_multiple %mul3A_1120, 16 : i32
          %get3A_1122 = arith.constant 0 : i32
          %get3A_1123 = arith.index_cast %get3A_1122 : i32 to index
          %get3A_1124 = arith.index_cast %scan3A_710 : i32 to index
          %get3A_1125 = arith.index_cast %multiple_of3A_1121 : i32 to index
          %get3A_1126 = tpu.vector_load %arg8[%get3A_1123, %get3A_1124, %get3A_1125] {strides = array<i32>} : memref<2x8x1024xf32, #tpu.memory_space<vmem>>, vector<1x1x16xf32>,
          %get3A_1127 = vector.shape_cast %get3A_1126 : vector<1x1x16xf32> to vector<16xf32>
          %get3A_1128 = arith.constant 0 : i32
          %get3A_1129 = arith.index_cast %get3A_1128 : i32 to index
          %get3A_1130 = arith.index_cast %scan3A_710 : i32 to index
          %get3A_1131 = arith.index_cast %multiple_of3A_1121 : i32 to index
          %get3A_1132 = tpu.vector_load %arg7[%get3A_1129, %get3A_1130, %get3A_1131] {strides = array<i32>} : memref<8x8x1024xf32, #tpu.memory_space<vmem>>, vector<1x1x16xf32>,
          %get3A_1133 = vector.shape_cast %get3A_1132 : vector<1x1x16xf32> to vector<16xf32>
          %mul3A_1134 = arith.constant 3.200000e+01 : f32
          %mul3A_1135 = vector.broadcast %mul3A_1134 : f32 to vector<16xf32>
          %mul3A_1136 = arith.mulf %get3A_1133, %mul3A_1135 : vector<16xf32>
          %add3A_1137 = arith.addf %mul3A_1136, %get3A_1127 : vector<16xf32>
          %swap3A_1138 = arith.constant 0 : i32
          %swap3A_1139 = arith.index_cast %swap3A_1138 : i32 to index
          %swap3A_1140 = arith.index_cast %scan3A_710 : i32 to index
          %swap3A_1141 = arith.index_cast %multiple_of3A_1121 : i32 to index
          %swap3A_1142 = tpu.vector_load %arg7[%swap3A_1139, %swap3A_1140, %swap3A_1141] {strides = array<i32>} : memref<8x8x1024xf32, #tpu.memory_space<vmem>>, vector<1x1x16xf32>,
          %swap3A_1143 = vector.shape_cast %swap3A_1142 : vector<1x1x16xf32> to vector<16xf32>
          %swap3A_1144 = vector.shape_cast %add3A_1137 : vector<16xf32> to vector<1x1x16xf32>
          tpu.vector_store %arg7[%swap3A_1139, %swap3A_1140, %swap3A_1141], %swap3A_1144 {strides = array<i32>} : memref<8x8x1024xf32, #tpu.memory_space<vmem>>, vector<1x1x16xf32>,
          %get3A_1145 = arith.constant 1 : i32
          %get3A_1146 = arith.index_cast %get3A_1145 : i32 to index
          %get3A_1147 = arith.index_cast %scan3A_710 : i32 to index
          %get3A_1148 = arith.index_cast %multiple_of3A_1121 : i32 to index
          %get3A_1149 = tpu.vector_load %arg7[%get3A_1146, %get3A_1147, %get3A_1148] {strides = array<i32>} : memref<8x8x1024xf32, #tpu.memory_space<vmem>>, vector<1x1x16xf32>,
          %get3A_1150 = vector.shape_cast %get3A_1149 : vector<1x1x16xf32> to vector<16xf32>
          %mul3A_1151 = arith.constant 3.200000e+01 : f32
          %mul3A_1152 = vector.broadcast %mul3A_1151 : f32 to vector<16xf32>
          %mul3A_1153 = arith.mulf %get3A_1150, %mul3A_1152 : vector<16xf32>
          %add3A_1154 = arith.addf %mul3A_1153, %get3A_1127 : vector<16xf32>
          %swap3A_1155 = arith.constant 1 : i32
          %swap3A_1156 = arith.index_cast %swap3A_1155 : i32 to index
          %swap3A_1157 = arith.index_cast %scan3A_710 : i32 to index
          %swap3A_1158 = arith.index_cast %multiple_of3A_1121 : i32 to index
          %swap3A_1159 = tpu.vector_load %arg7[%swap3A_1156, %swap3A_1157, %swap3A_1158] {strides = array<i32>} : memref<8x8x1024xf32, #tpu.memory_space<vmem>>, vector<1x1x16xf32>,
          %swap3A_1160 = vector.shape_cast %swap3A_1159 : vector<1x1x16xf32> to vector<16xf32>
          %swap3A_1161 = vector.shape_cast %add3A_1154 : vector<16xf32> to vector<1x1x16xf32>
          tpu.vector_store %arg7[%swap3A_1156, %swap3A_1157, %swap3A_1158], %swap3A_1161 {strides = array<i32>} : memref<8x8x1024xf32, #tpu.memory_space<vmem>>, vector<1x1x16xf32>,
          %get3A_1162 = arith.constant 2 : i32
          %get3A_1163 = arith.index_cast %get3A_1162 : i32 to index
          %get3A_1164 = arith.index_cast %scan3A_710 : i32 to index
          %get3A_1165 = arith.index_cast %multiple_of3A_1121 : i32 to index
          %get3A_1166 = tpu.vector_load %arg7[%get3A_1163, %get3A_1164, %get3A_1165] {strides = array<i32>} : memref<8x8x1024xf32, #tpu.memory_space<vmem>>, vector<1x1x16xf32>,
          %get3A_1167 = vector.shape_cast %get3A_1166 : vector<1x1x16xf32> to vector<16xf32>
          %mul3A_1168 = arith.constant 3.200000e+01 : f32
          %mul3A_1169 = vector.broadcast %mul3A_1168 : f32 to vector<16xf32>
          %mul3A_1170 = arith.mulf %get3A_1167, %mul3A_1169 : vector<16xf32>
          %add3A_1171 = arith.addf %mul3A_1170, %get3A_1127 : vector<16xf32>
          %swap3A_1172 = arith.constant 2 : i32
          %swap3A_1173 = arith.index_cast %swap3A_1172 : i32 to index
          %swap3A_1174 = arith.index_cast %scan3A_710 : i32 to index
          %swap3A_1175 = arith.index_cast %multiple_of3A_1121 : i32 to index
          %swap3A_1176 = tpu.vector_load %arg7[%swap3A_1173, %swap3A_1174, %swap3A_1175] {strides = array<i32>} : memref<8x8x1024xf32, #tpu.memory_space<vmem>>, vector<1x1x16xf32>,
          %swap3A_1177 = vector.shape_cast %swap3A_1176 : vector<1x1x16xf32> to vector<16xf32>
          %swap3A_1178 = vector.shape_cast %add3A_1171 : vector<16xf32> to vector<1x1x16xf32>
          tpu.vector_store %arg7[%swap3A_1173, %swap3A_1174, %swap3A_1175], %swap3A_1178 {strides = array<i32>} : memref<8x8x1024xf32, #tpu.memory_space<vmem>>, vector<1x1x16xf32>,
          %get3A_1179 = arith.constant 3 : i32
          %get3A_1180 = arith.index_cast %get3A_1179 : i32 to index
          %get3A_1181 = arith.index_cast %scan3A_710 : i32 to index
          %get3A_1182 = arith.index_cast %multiple_of3A_1121 : i32 to index
          %get3A_1183 = tpu.vector_load %arg7[%get3A_1180, %get3A_1181, %get3A_1182] {strides = array<i32>} : memref<8x8x1024xf32, #tpu.memory_space<vmem>>, vector<1x1x16xf32>,
          %get3A_1184 = vector.shape_cast %get3A_1183 : vector<1x1x16xf32> to vector<16xf32>
          %mul3A_1185 = arith.constant 3.200000e+01 : f32
          %mul3A_1186 = vector.broadcast %mul3A_1185 : f32 to vector<16xf32>
          %mul3A_1187 = arith.mulf %get3A_1184, %mul3A_1186 : vector<16xf32>
          %add3A_1188 = arith.addf %mul3A_1187, %get3A_1127 : vector<16xf32>
          %swap3A_1189 = arith.constant 3 : i32
          %swap3A_1190 = arith.index_cast %swap3A_1189 : i32 to index
          %swap3A_1191 = arith.index_cast %scan3A_710 : i32 to index
          %swap3A_1192 = arith.index_cast %multiple_of3A_1121 : i32 to index
          %swap3A_1193 = tpu.vector_load %arg7[%swap3A_1190, %swap3A_1191, %swap3A_1192] {strides = array<i32>} : memref<8x8x1024xf32, #tpu.memory_space<vmem>>, vector<1x1x16xf32>,
          %swap3A_1194 = vector.shape_cast %swap3A_1193 : vector<1x1x16xf32> to vector<16xf32>
          %swap3A_1195 = vector.shape_cast %add3A_1188 : vector<16xf32> to vector<1x1x16xf32>
          tpu.vector_store %arg7[%swap3A_1190, %swap3A_1191, %swap3A_1192], %swap3A_1195 {strides = array<i32>} : memref<8x8x1024xf32, #tpu.memory_space<vmem>>, vector<1x1x16xf32>,
          %scan3A_1196 = arith.constant 0 : i32
          %scan3A_1197 = arith.constant 6 : i32
          %scan3A_1198 = arith.addi %scan3A_720, %scan3A_1197 : i32
          %mul3A_1199 = arith.constant 16 : i32
          %mul3A_1200 = arith.muli %scan3A_1198, %mul3A_1199 : i32
          %multiple_of3A_1201 = tpu.assume_multiple %mul3A_1200, 16 : i32
          %get3A_1202 = arith.constant 0 : i32
          %get3A_1203 = arith.index_cast %get3A_1202 : i32 to index
          %get3A_1204 = arith.index_cast %scan3A_710 : i32 to index
          %get3A_1205 = arith.index_cast %multiple_of3A_1201 : i32 to index
          %get3A_1206 = tpu.vector_load %arg8[%get3A_1203, %get3A_1204, %get3A_1205] {strides = array<i32>} : memref<2x8x1024xf32, #tpu.memory_space<vmem>>, vector<1x1x16xf32>,
          %get3A_1207 = vector.shape_cast %get3A_1206 : vector<1x1x16xf32> to vector<16xf32>
          %get3A_1208 = arith.constant 0 : i32
          %get3A_1209 = arith.index_cast %get3A_1208 : i32 to index
          %get3A_1210 = arith.index_cast %scan3A_710 : i32 to index
          %get3A_1211 = arith.index_cast %multiple_of3A_1201 : i32 to index
          %get3A_1212 = tpu.vector_load %arg7[%get3A_1209, %get3A_1210, %get3A_1211] {strides = array<i32>} : memref<8x8x1024xf32, #tpu.memory_space<vmem>>, vector<1x1x16xf32>,
          %get3A_1213 = vector.shape_cast %get3A_1212 : vector<1x1x16xf32> to vector<16xf32>
          %mul3A_1214 = arith.constant 3.200000e+01 : f32
          %mul3A_1215 = vector.broadcast %mul3A_1214 : f32 to vector<16xf32>
          %mul3A_1216 = arith.mulf %get3A_1213, %mul3A_1215 : vector<16xf32>
          %add3A_1217 = arith.addf %mul3A_1216, %get3A_1207 : vector<16xf32>
          %swap3A_1218 = arith.constant 0 : i32
          %swap3A_1219 = arith.index_cast %swap3A_1218 : i32 to index
          %swap3A_1220 = arith.index_cast %scan3A_710 : i32 to index
          %swap3A_1221 = arith.index_cast %multiple_of3A_1201 : i32 to index
          %swap3A_1222 = tpu.vector_load %arg7[%swap3A_1219, %swap3A_1220, %swap3A_1221] {strides = array<i32>} : memref<8x8x1024xf32, #tpu.memory_space<vmem>>, vector<1x1x16xf32>,
          %swap3A_1223 = vector.shape_cast %swap3A_1222 : vector<1x1x16xf32> to vector<16xf32>
          %swap3A_1224 = vector.shape_cast %add3A_1217 : vector<16xf32> to vector<1x1x16xf32>
          tpu.vector_store %arg7[%swap3A_1219, %swap3A_1220, %swap3A_1221], %swap3A_1224 {strides = array<i32>} : memref<8x8x1024xf32, #tpu.memory_space<vmem>>, vector<1x1x16xf32>,
          %get3A_1225 = arith.constant 1 : i32
          %get3A_1226 = arith.index_cast %get3A_1225 : i32 to index
          %get3A_1227 = arith.index_cast %scan3A_710 : i32 to index
          %get3A_1228 = arith.index_cast %multiple_of3A_1201 : i32 to index
          %get3A_1229 = tpu.vector_load %arg7[%get3A_1226, %get3A_1227, %get3A_1228] {strides = array<i32>} : memref<8x8x1024xf32, #tpu.memory_space<vmem>>, vector<1x1x16xf32>,
          %get3A_1230 = vector.shape_cast %get3A_1229 : vector<1x1x16xf32> to vector<16xf32>
          %mul3A_1231 = arith.constant 3.200000e+01 : f32
          %mul3A_1232 = vector.broadcast %mul3A_1231 : f32 to vector<16xf32>
          %mul3A_1233 = arith.mulf %get3A_1230, %mul3A_1232 : vector<16xf32>
          %add3A_1234 = arith.addf %mul3A_1233, %get3A_1207 : vector<16xf32>
          %swap3A_1235 = arith.constant 1 : i32
          %swap3A_1236 = arith.index_cast %swap3A_1235 : i32 to index
          %swap3A_1237 = arith.index_cast %scan3A_710 : i32 to index
          %swap3A_1238 = arith.index_cast %multiple_of3A_1201 : i32 to index
          %swap3A_1239 = tpu.vector_load %arg7[%swap3A_1236, %swap3A_1237, %swap3A_1238] {strides = array<i32>} : memref<8x8x1024xf32, #tpu.memory_space<vmem>>, vector<1x1x16xf32>,
          %swap3A_1240 = vector.shape_cast %swap3A_1239 : vector<1x1x16xf32> to vector<16xf32>
          %swap3A_1241 = vector.shape_cast %add3A_1234 : vector<16xf32> to vector<1x1x16xf32>
          tpu.vector_store %arg7[%swap3A_1236, %swap3A_1237, %swap3A_1238], %swap3A_1241 {strides = array<i32>} : memref<8x8x1024xf32, #tpu.memory_space<vmem>>, vector<1x1x16xf32>,
          %get3A_1242 = arith.constant 2 : i32
          %get3A_1243 = arith.index_cast %get3A_1242 : i32 to index
          %get3A_1244 = arith.index_cast %scan3A_710 : i32 to index
          %get3A_1245 = arith.index_cast %multiple_of3A_1201 : i32 to index
          %get3A_1246 = tpu.vector_load %arg7[%get3A_1243, %get3A_1244, %get3A_1245] {strides = array<i32>} : memref<8x8x1024xf32, #tpu.memory_space<vmem>>, vector<1x1x16xf32>,
          %get3A_1247 = vector.shape_cast %get3A_1246 : vector<1x1x16xf32> to vector<16xf32>
          %mul3A_1248 = arith.constant 3.200000e+01 : f32
          %mul3A_1249 = vector.broadcast %mul3A_1248 : f32 to vector<16xf32>
          %mul3A_1250 = arith.mulf %get3A_1247, %mul3A_1249 : vector<16xf32>
          %add3A_1251 = arith.addf %mul3A_1250, %get3A_1207 : vector<16xf32>
          %swap3A_1252 = arith.constant 2 : i32
          %swap3A_1253 = arith.index_cast %swap3A_1252 : i32 to index
          %swap3A_1254 = arith.index_cast %scan3A_710 : i32 to index
          %swap3A_1255 = arith.index_cast %multiple_of3A_1201 : i32 to index
          %swap3A_1256 = tpu.vector_load %arg7[%swap3A_1253, %swap3A_1254, %swap3A_1255] {strides = array<i32>} : memref<8x8x1024xf32, #tpu.memory_space<vmem>>, vector<1x1x16xf32>,
          %swap3A_1257 = vector.shape_cast %swap3A_1256 : vector<1x1x16xf32> to vector<16xf32>
          %swap3A_1258 = vector.shape_cast %add3A_1251 : vector<16xf32> to vector<1x1x16xf32>
          tpu.vector_store %arg7[%swap3A_1253, %swap3A_1254, %swap3A_1255], %swap3A_1258 {strides = array<i32>} : memref<8x8x1024xf32, #tpu.memory_space<vmem>>, vector<1x1x16xf32>,
          %get3A_1259 = arith.constant 3 : i32
          %get3A_1260 = arith.index_cast %get3A_1259 : i32 to index
          %get3A_1261 = arith.index_cast %scan3A_710 : i32 to index
          %get3A_1262 = arith.index_cast %multiple_of3A_1201 : i32 to index
          %get3A_1263 = tpu.vector_load %arg7[%get3A_1260, %get3A_1261, %get3A_1262] {strides = array<i32>} : memref<8x8x1024xf32, #tpu.memory_space<vmem>>, vector<1x1x16xf32>,
          %get3A_1264 = vector.shape_cast %get3A_1263 : vector<1x1x16xf32> to vector<16xf32>
          %mul3A_1265 = arith.constant 3.200000e+01 : f32
          %mul3A_1266 = vector.broadcast %mul3A_1265 : f32 to vector<16xf32>
          %mul3A_1267 = arith.mulf %get3A_1264, %mul3A_1266 : vector<16xf32>
          %add3A_1268 = arith.addf %mul3A_1267, %get3A_1207 : vector<16xf32>
          %swap3A_1269 = arith.constant 3 : i32
          %swap3A_1270 = arith.index_cast %swap3A_1269 : i32 to index
          %swap3A_1271 = arith.index_cast %scan3A_710 : i32 to index
          %swap3A_1272 = arith.index_cast %multiple_of3A_1201 : i32 to index
          %swap3A_1273 = tpu.vector_load %arg7[%swap3A_1270, %swap3A_1271, %swap3A_1272] {strides = array<i32>} : memref<8x8x1024xf32, #tpu.memory_space<vmem>>, vector<1x1x16xf32>,
          %swap3A_1274 = vector.shape_cast %swap3A_1273 : vector<1x1x16xf32> to vector<16xf32>
          %swap3A_1275 = vector.shape_cast %add3A_1268 : vector<16xf32> to vector<1x1x16xf32>
          tpu.vector_store %arg7[%swap3A_1270, %swap3A_1271, %swap3A_1272], %swap3A_1275 {strides = array<i32>} : memref<8x8x1024xf32, #tpu.memory_space<vmem>>, vector<1x1x16xf32>,
          %scan3A_1276 = arith.constant 0 : i32
          %scan3A_1277 = arith.constant 7 : i32
          %scan3A_1278 = arith.addi %scan3A_720, %scan3A_1277 : i32
          %mul3A_1279 = arith.constant 16 : i32
          %mul3A_1280 = arith.muli %scan3A_1278, %mul3A_1279 : i32
          %multiple_of3A_1281 = tpu.assume_multiple %mul3A_1280, 16 : i32
          %get3A_1282 = arith.constant 0 : i32
          %get3A_1283 = arith.index_cast %get3A_1282 : i32 to index
          %get3A_1284 = arith.index_cast %scan3A_710 : i32 to index
          %get3A_1285 = arith.index_cast %multiple_of3A_1281 : i32 to index
          %get3A_1286 = tpu.vector_load %arg8[%get3A_1283, %get3A_1284, %get3A_1285] {strides = array<i32>} : memref<2x8x1024xf32, #tpu.memory_space<vmem>>, vector<1x1x16xf32>,
          %get3A_1287 = vector.shape_cast %get3A_1286 : vector<1x1x16xf32> to vector<16xf32>
          %get3A_1288 = arith.constant 0 : i32
          %get3A_1289 = arith.index_cast %get3A_1288 : i32 to index
          %get3A_1290 = arith.index_cast %scan3A_710 : i32 to index
          %get3A_1291 = arith.index_cast %multiple_of3A_1281 : i32 to index
          %get3A_1292 = tpu.vector_load %arg7[%get3A_1289, %get3A_1290, %get3A_1291] {strides = array<i32>} : memref<8x8x1024xf32, #tpu.memory_space<vmem>>, vector<1x1x16xf32>,
          %get3A_1293 = vector.shape_cast %get3A_1292 : vector<1x1x16xf32> to vector<16xf32>
          %mul3A_1294 = arith.constant 3.200000e+01 : f32
          %mul3A_1295 = vector.broadcast %mul3A_1294 : f32 to vector<16xf32>
          %mul3A_1296 = arith.mulf %get3A_1293, %mul3A_1295 : vector<16xf32>
          %add3A_1297 = arith.addf %mul3A_1296, %get3A_1287 : vector<16xf32>
          %swap3A_1298 = arith.constant 0 : i32
          %swap3A_1299 = arith.index_cast %swap3A_1298 : i32 to index
          %swap3A_1300 = arith.index_cast %scan3A_710 : i32 to index
          %swap3A_1301 = arith.index_cast %multiple_of3A_1281 : i32 to index
          %swap3A_1302 = tpu.vector_load %arg7[%swap3A_1299, %swap3A_1300, %swap3A_1301] {strides = array<i32>} : memref<8x8x1024xf32, #tpu.memory_space<vmem>>, vector<1x1x16xf32>,
          %swap3A_1303 = vector.shape_cast %swap3A_1302 : vector<1x1x16xf32> to vector<16xf32>
          %swap3A_1304 = vector.shape_cast %add3A_1297 : vector<16xf32> to vector<1x1x16xf32>
          tpu.vector_store %arg7[%swap3A_1299, %swap3A_1300, %swap3A_1301], %swap3A_1304 {strides = array<i32>} : memref<8x8x1024xf32, #tpu.memory_space<vmem>>, vector<1x1x16xf32>,
          %get3A_1305 = arith.constant 1 : i32
          %get3A_1306 = arith.index_cast %get3A_1305 : i32 to index
          %get3A_1307 = arith.index_cast %scan3A_710 : i32 to index
          %get3A_1308 = arith.index_cast %multiple_of3A_1281 : i32 to index
          %get3A_1309 = tpu.vector_load %arg7[%get3A_1306, %get3A_1307, %get3A_1308] {strides = array<i32>} : memref<8x8x1024xf32, #tpu.memory_space<vmem>>, vector<1x1x16xf32>,
          %get3A_1310 = vector.shape_cast %get3A_1309 : vector<1x1x16xf32> to vector<16xf32>
          %mul3A_1311 = arith.constant 3.200000e+01 : f32
          %mul3A_1312 = vector.broadcast %mul3A_1311 : f32 to vector<16xf32>
          %mul3A_1313 = arith.mulf %get3A_1310, %mul3A_1312 : vector<16xf32>
          %add3A_1314 = arith.addf %mul3A_1313, %get3A_1287 : vector<16xf32>
          %swap3A_1315 = arith.constant 1 : i32
          %swap3A_1316 = arith.index_cast %swap3A_1315 : i32 to index
          %swap3A_1317 = arith.index_cast %scan3A_710 : i32 to index
          %swap3A_1318 = arith.index_cast %multiple_of3A_1281 : i32 to index
          %swap3A_1319 = tpu.vector_load %arg7[%swap3A_1316, %swap3A_1317, %swap3A_1318] {strides = array<i32>} : memref<8x8x1024xf32, #tpu.memory_space<vmem>>, vector<1x1x16xf32>,
          %swap3A_1320 = vector.shape_cast %swap3A_1319 : vector<1x1x16xf32> to vector<16xf32>
          %swap3A_1321 = vector.shape_cast %add3A_1314 : vector<16xf32> to vector<1x1x16xf32>
          tpu.vector_store %arg7[%swap3A_1316, %swap3A_1317, %swap3A_1318], %swap3A_1321 {strides = array<i32>} : memref<8x8x1024xf32, #tpu.memory_space<vmem>>, vector<1x1x16xf32>,
          %get3A_1322 = arith.constant 2 : i32
          %get3A_1323 = arith.index_cast %get3A_1322 : i32 to index
          %get3A_1324 = arith.index_cast %scan3A_710 : i32 to index
          %get3A_1325 = arith.index_cast %multiple_of3A_1281 : i32 to index
          %get3A_1326 = tpu.vector_load %arg7[%get3A_1323, %get3A_1324, %get3A_1325] {strides = array<i32>} : memref<8x8x1024xf32, #tpu.memory_space<vmem>>, vector<1x1x16xf32>,
          %get3A_1327 = vector.shape_cast %get3A_1326 : vector<1x1x16xf32> to vector<16xf32>
          %mul3A_1328 = arith.constant 3.200000e+01 : f32
          %mul3A_1329 = vector.broadcast %mul3A_1328 : f32 to vector<16xf32>
          %mul3A_1330 = arith.mulf %get3A_1327, %mul3A_1329 : vector<16xf32>
          %add3A_1331 = arith.addf %mul3A_1330, %get3A_1287 : vector<16xf32>
          %swap3A_1332 = arith.constant 2 : i32
          %swap3A_1333 = arith.index_cast %swap3A_1332 : i32 to index
          %swap3A_1334 = arith.index_cast %scan3A_710 : i32 to index
          %swap3A_1335 = arith.index_cast %multiple_of3A_1281 : i32 to index
          %swap3A_1336 = tpu.vector_load %arg7[%swap3A_1333, %swap3A_1334, %swap3A_1335] {strides = array<i32>} : memref<8x8x1024xf32, #tpu.memory_space<vmem>>, vector<1x1x16xf32>,
          %swap3A_1337 = vector.shape_cast %swap3A_1336 : vector<1x1x16xf32> to vector<16xf32>
          %swap3A_1338 = vector.shape_cast %add3A_1331 : vector<16xf32> to vector<1x1x16xf32>
          tpu.vector_store %arg7[%swap3A_1333, %swap3A_1334, %swap3A_1335], %swap3A_1338 {strides = array<i32>} : memref<8x8x1024xf32, #tpu.memory_space<vmem>>, vector<1x1x16xf32>,
          %get3A_1339 = arith.constant 3 : i32
          %get3A_1340 = arith.index_cast %get3A_1339 : i32 to index
          %get3A_1341 = arith.index_cast %scan3A_710 : i32 to index
          %get3A_1342 = arith.index_cast %multiple_of3A_1281 : i32 to index
          %get3A_1343 = tpu.vector_load %arg7[%get3A_1340, %get3A_1341, %get3A_1342] {strides = array<i32>} : memref<8x8x1024xf32, #tpu.memory_space<vmem>>, vector<1x1x16xf32>,
          %get3A_1344 = vector.shape_cast %get3A_1343 : vector<1x1x16xf32> to vector<16xf32>
          %mul3A_1345 = arith.constant 3.200000e+01 : f32
          %mul3A_1346 = vector.broadcast %mul3A_1345 : f32 to vector<16xf32>
          %mul3A_1347 = arith.mulf %get3A_1344, %mul3A_1346 : vector<16xf32>
          %add3A_1348 = arith.addf %mul3A_1347, %get3A_1287 : vector<16xf32>
          %swap3A_1349 = arith.constant 3 : i32
          %swap3A_1350 = arith.index_cast %swap3A_1349 : i32 to index
          %swap3A_1351 = arith.index_cast %scan3A_710 : i32 to index
          %swap3A_1352 = arith.index_cast %multiple_of3A_1281 : i32 to index
          %swap3A_1353 = tpu.vector_load %arg7[%swap3A_1350, %swap3A_1351, %swap3A_1352] {strides = array<i32>} : memref<8x8x1024xf32, #tpu.memory_space<vmem>>, vector<1x1x16xf32>,
          %swap3A_1354 = vector.shape_cast %swap3A_1353 : vector<1x1x16xf32> to vector<16xf32>
          %swap3A_1355 = vector.shape_cast %add3A_1348 : vector<16xf32> to vector<1x1x16xf32>
          tpu.vector_store %arg7[%swap3A_1350, %swap3A_1351, %swap3A_1352], %swap3A_1355 {strides = array<i32>} : memref<8x8x1024xf32, #tpu.memory_space<vmem>>, vector<1x1x16xf32>,
          %scan3A_1356 = arith.constant 0 : i32
          scf.yield %scan3A_1356 : i32
        }
        %scan3A_718 = arith.constant 64 : i32
        %scan3A_719 = arith.constant 0 : i32
        scf.yield %scan3A_719 : i32
      }
      %scan3A_325 = arith.constant 8 : i32
      %add3A_326 = arith.constant 0 : i32
      %add3A_327 = arith.addi %add3A_326, %mul3A_2 : i32
      %mul3A_328 = arith.constant 8 : i32
      %mul3A_329 = arith.muli %add3A_184, %mul3A_328 : i32
      %add3A_330 = arith.addi %add3A_327, %mul3A_329 : i32
      %dma_start3A_331 = arith.constant 0 : i32
      %dma_start3A_332 = arith.constant 0 : i32
      %dma_start3A_333 = arith.constant 0 : i32
      %dma_start3A_334 = arith.constant 0 : i32
      %dma_start3A_335 = tpu.memref_slice %arg7[%dma_start3A_331, %dma_start3A_333, %dma_start3A_334] : memref<8x8x1024xf32, #tpu.memory_space<vmem>> -> memref<1x8x1024xf32, #tpu.memory_space<vmem>>
      %dma_start3A_336 = tpu.memref_squeeze %dma_start3A_335 : memref<1x8x1024xf32, #tpu.memory_space<vmem>> -> memref<8x1024xf32, #tpu.memory_space<vmem>>
      %dma_start3A_337 = arith.constant 0 : i32
      %dma_start3A_338 = tpu.memref_slice %arg5[%add3A_330, %dma_start3A_337] : memref<16384x1024xf32, #tpu.memory_space<hbm>> -> memref<8x1024xf32, #tpu.memory_space<hbm>>
      %dma_start3A_339 = tpu.memref_slice %arg10[%dma_start3A_332] : memref<8x!tpu.dma_semaphore, #tpu.memory_space<semaphore_mem>> -> memref<1x!tpu.dma_semaphore, #tpu.memory_space<semaphore_mem>>
      %dma_start3A_340 = tpu.memref_squeeze %dma_start3A_339 : memref<1x!tpu.dma_semaphore, #tpu.memory_space<semaphore_mem>> -> memref<!tpu.dma_semaphore, #tpu.memory_space<semaphore_mem>>
      %dma_start3A_341 = arith.constant 0 : i32
      %dma_start3A_342 = tpu.memref_slice %arg5[%add3A_330, %dma_start3A_341] : memref<16384x1024xf32, #tpu.memory_space<hbm>> -> memref<8x1024xf32, #tpu.memory_space<hbm>>
      %dma_start3A_343 = arith.constant 0 : i32
      %dma_start3A_344 = arith.constant 0 : i32
      %dma_start3A_345 = tpu.memref_slice %arg7[%dma_start3A_331, %dma_start3A_343, %dma_start3A_344] : memref<8x8x1024xf32, #tpu.memory_space<vmem>> -> memref<1x8x1024xf32, #tpu.memory_space<vmem>>
      %dma_start3A_346 = tpu.memref_squeeze %dma_start3A_345 : memref<1x8x1024xf32, #tpu.memory_space<vmem>> -> memref<8x1024xf32, #tpu.memory_space<vmem>>
      tpu.enqueue_dma source(%dma_start3A_346 : memref<8x1024xf32, #tpu.memory_space<vmem>>) target(%dma_start3A_342 : memref<8x1024xf32, #tpu.memory_space<hbm>>) target_semaphore(%dma_start3A_340 : memref<!tpu.dma_semaphore, #tpu.memory_space<semaphore_mem>>)
      %add3A_347 = arith.constant 4096 : i32
      %add3A_348 = arith.addi %add3A_347, %mul3A_2 : i32
      %mul3A_349 = arith.constant 8 : i32
      %mul3A_350 = arith.muli %add3A_184, %mul3A_349 : i32
      %add3A_351 = arith.addi %add3A_348, %mul3A_350 : i32
      %dma_start3A_352 = arith.constant 1 : i32
      %dma_start3A_353 = arith.constant 1 : i32
      %dma_start3A_354 = arith.constant 0 : i32
      %dma_start3A_355 = arith.constant 0 : i32
      %dma_start3A_356 = tpu.memref_slice %arg7[%dma_start3A_352, %dma_start3A_354, %dma_start3A_355] : memref<8x8x1024xf32, #tpu.memory_space<vmem>> -> memref<1x8x1024xf32, #tpu.memory_space<vmem>>
      %dma_start3A_357 = tpu.memref_squeeze %dma_start3A_356 : memref<1x8x1024xf32, #tpu.memory_space<vmem>> -> memref<8x1024xf32, #tpu.memory_space<vmem>>
      %dma_start3A_358 = arith.constant 0 : i32
      %dma_start3A_359 = tpu.memref_slice %arg5[%add3A_351, %dma_start3A_358] : memref<16384x1024xf32, #tpu.memory_space<hbm>> -> memref<8x1024xf32, #tpu.memory_space<hbm>>
      %dma_start3A_360 = tpu.memref_slice %arg10[%dma_start3A_353] : memref<8x!tpu.dma_semaphore, #tpu.memory_space<semaphore_mem>> -> memref<1x!tpu.dma_semaphore, #tpu.memory_space<semaphore_mem>>
      %dma_start3A_361 = tpu.memref_squeeze %dma_start3A_360 : memref<1x!tpu.dma_semaphore, #tpu.memory_space<semaphore_mem>> -> memref<!tpu.dma_semaphore, #tpu.memory_space<semaphore_mem>>
      %dma_start3A_362 = arith.constant 0 : i32
      %dma_start3A_363 = tpu.memref_slice %arg5[%add3A_351, %dma_start3A_362] : memref<16384x1024xf32, #tpu.memory_space<hbm>> -> memref<8x1024xf32, #tpu.memory_space<hbm>>
      %dma_start3A_364 = arith.constant 0 : i32
      %dma_start3A_365 = arith.constant 0 : i32
      %dma_start3A_366 = tpu.memref_slice %arg7[%dma_start3A_352, %dma_start3A_364, %dma_start3A_365] : memref<8x8x1024xf32, #tpu.memory_space<vmem>> -> memref<1x8x1024xf32, #tpu.memory_space<vmem>>
      %dma_start3A_367 = tpu.memref_squeeze %dma_start3A_366 : memref<1x8x1024xf32, #tpu.memory_space<vmem>> -> memref<8x1024xf32, #tpu.memory_space<vmem>>
      tpu.enqueue_dma source(%dma_start3A_367 : memref<8x1024xf32, #tpu.memory_space<vmem>>) target(%dma_start3A_363 : memref<8x1024xf32, #tpu.memory_space<hbm>>) target_semaphore(%dma_start3A_361 : memref<!tpu.dma_semaphore, #tpu.memory_space<semaphore_mem>>)
      %add3A_368 = arith.constant 8192 : i32
      %add3A_369 = arith.addi %add3A_368, %mul3A_2 : i32
      %mul3A_370 = arith.constant 8 : i32
      %mul3A_371 = arith.muli %add3A_184, %mul3A_370 : i32
      %add3A_372 = arith.addi %add3A_369, %mul3A_371 : i32
      %dma_start3A_373 = arith.constant 2 : i32
      %dma_start3A_374 = arith.constant 2 : i32
      %dma_start3A_375 = arith.constant 0 : i32
      %dma_start3A_376 = arith.constant 0 : i32
      %dma_start3A_377 = tpu.memref_slice %arg7[%dma_start3A_373, %dma_start3A_375, %dma_start3A_376] : memref<8x8x1024xf32, #tpu.memory_space<vmem>> -> memref<1x8x1024xf32, #tpu.memory_space<vmem>>
      %dma_start3A_378 = tpu.memref_squeeze %dma_start3A_377 : memref<1x8x1024xf32, #tpu.memory_space<vmem>> -> memref<8x1024xf32, #tpu.memory_space<vmem>>
      %dma_start3A_379 = arith.constant 0 : i32
      %dma_start3A_380 = tpu.memref_slice %arg5[%add3A_372, %dma_start3A_379] : memref<16384x1024xf32, #tpu.memory_space<hbm>> -> memref<8x1024xf32, #tpu.memory_space<hbm>>
      %dma_start3A_381 = tpu.memref_slice %arg10[%dma_start3A_374] : memref<8x!tpu.dma_semaphore, #tpu.memory_space<semaphore_mem>> -> memref<1x!tpu.dma_semaphore, #tpu.memory_space<semaphore_mem>>
      %dma_start3A_382 = tpu.memref_squeeze %dma_start3A_381 : memref<1x!tpu.dma_semaphore, #tpu.memory_space<semaphore_mem>> -> memref<!tpu.dma_semaphore, #tpu.memory_space<semaphore_mem>>
      %dma_start3A_383 = arith.constant 0 : i32
      %dma_start3A_384 = tpu.memref_slice %arg5[%add3A_372, %dma_start3A_383] : memref<16384x1024xf32, #tpu.memory_space<hbm>> -> memref<8x1024xf32, #tpu.memory_space<hbm>>
      %dma_start3A_385 = arith.constant 0 : i32
      %dma_start3A_386 = arith.constant 0 : i32
      %dma_start3A_387 = tpu.memref_slice %arg7[%dma_start3A_373, %dma_start3A_385, %dma_start3A_386] : memref<8x8x1024xf32, #tpu.memory_space<vmem>> -> memref<1x8x1024xf32, #tpu.memory_space<vmem>>
      %dma_start3A_388 = tpu.memref_squeeze %dma_start3A_387 : memref<1x8x1024xf32, #tpu.memory_space<vmem>> -> memref<8x1024xf32, #tpu.memory_space<vmem>>
      tpu.enqueue_dma source(%dma_start3A_388 : memref<8x1024xf32, #tpu.memory_space<vmem>>) target(%dma_start3A_384 : memref<8x1024xf32, #tpu.memory_space<hbm>>) target_semaphore(%dma_start3A_382 : memref<!tpu.dma_semaphore, #tpu.memory_space<semaphore_mem>>)
      %add3A_389 = arith.constant 12288 : i32
      %add3A_390 = arith.addi %add3A_389, %mul3A_2 : i32
      %mul3A_391 = arith.constant 8 : i32
      %mul3A_392 = arith.muli %add3A_184, %mul3A_391 : i32
      %add3A_393 = arith.addi %add3A_390, %mul3A_392 : i32
      %dma_start3A_394 = arith.constant 3 : i32
      %dma_start3A_395 = arith.constant 3 : i32
      %dma_start3A_396 = arith.constant 0 : i32
      %dma_start3A_397 = arith.constant 0 : i32
      %dma_start3A_398 = tpu.memref_slice %arg7[%dma_start3A_394, %dma_start3A_396, %dma_start3A_397] : memref<8x8x1024xf32, #tpu.memory_space<vmem>> -> memref<1x8x1024xf32, #tpu.memory_space<vmem>>
      %dma_start3A_399 = tpu.memref_squeeze %dma_start3A_398 : memref<1x8x1024xf32, #tpu.memory_space<vmem>> -> memref<8x1024xf32, #tpu.memory_space<vmem>>
      %dma_start3A_400 = arith.constant 0 : i32
      %dma_start3A_401 = tpu.memref_slice %arg5[%add3A_393, %dma_start3A_400] : memref<16384x1024xf32, #tpu.memory_space<hbm>> -> memref<8x1024xf32, #tpu.memory_space<hbm>>
      %dma_start3A_402 = tpu.memref_slice %arg10[%dma_start3A_395] : memref<8x!tpu.dma_semaphore, #tpu.memory_space<semaphore_mem>> -> memref<1x!tpu.dma_semaphore, #tpu.memory_space<semaphore_mem>>
      %dma_start3A_403 = tpu.memref_squeeze %dma_start3A_402 : memref<1x!tpu.dma_semaphore, #tpu.memory_space<semaphore_mem>> -> memref<!tpu.dma_semaphore, #tpu.memory_space<semaphore_mem>>
      %dma_start3A_404 = arith.constant 0 : i32
      %dma_start3A_405 = tpu.memref_slice %arg5[%add3A_393, %dma_start3A_404] : memref<16384x1024xf32, #tpu.memory_space<hbm>> -> memref<8x1024xf32, #tpu.memory_space<hbm>>
      %dma_start3A_406 = arith.constant 0 : i32
      %dma_start3A_407 = arith.constant 0 : i32
      %dma_start3A_408 = tpu.memref_slice %arg7[%dma_start3A_394, %dma_start3A_406, %dma_start3A_407] : memref<8x8x1024xf32, #tpu.memory_space<vmem>> -> memref<1x8x1024xf32, #tpu.memory_space<vmem>>
      %dma_start3A_409 = tpu.memref_squeeze %dma_start3A_408 : memref<1x8x1024xf32, #tpu.memory_space<vmem>> -> memref<8x1024xf32, #tpu.memory_space<vmem>>
      tpu.enqueue_dma source(%dma_start3A_409 : memref<8x1024xf32, #tpu.memory_space<vmem>>) target(%dma_start3A_405 : memref<8x1024xf32, #tpu.memory_space<hbm>>) target_semaphore(%dma_start3A_403 : memref<!tpu.dma_semaphore, #tpu.memory_space<semaphore_mem>>)
      %add3A_410 = arith.constant 2 : i32
      %add3A_411 = arith.addi %add3A_184, %add3A_410 : i32
      %lt3A_412 = arith.constant 16 : i32
      %lt3A_413 = arith.cmpi slt, %add3A_411, %lt3A_412 : i32
      %convert_element_type3A_414 = arith.extui %lt3A_413 : i1 to i32
      %cond3A_415 = arith.constant 0 : i32
      %cond3A_416 = arith.cmpi ne, %convert_element_type3A_414, %cond3A_415 : i32
      scf.if %cond3A_416 {
        %add3A_710 = arith.constant 2 : i32
        %add3A_711 = arith.addi %add3A_184, %add3A_710 : i32
        %mul3A_712 = arith.constant 8 : i32
        %mul3A_713 = arith.muli %add3A_711, %mul3A_712 : i32
        %add3A_714 = arith.addi %mul3A_2, %mul3A_713 : i32
        %dma_start3A_715 = arith.constant 0 : i32
        %dma_start3A_716 = arith.constant 0 : i32
        %dma_start3A_717 = arith.constant 0 : i32
        %dma_start3A_718 = arith.constant 0 : i32
        %dma_start3A_719 = tpu.memref_slice %arg8[%dma_start3A_715, %dma_start3A_717, %dma_start3A_718] : memref<2x8x1024xf32, #tpu.memory_space<vmem>> -> memref<1x8x1024xf32, #tpu.memory_space<vmem>>
        %dma_start3A_720 = tpu.memref_squeeze %dma_start3A_719 : memref<1x8x1024xf32, #tpu.memory_space<vmem>> -> memref<8x1024xf32, #tpu.memory_space<vmem>>
        %dma_start3A_721 = arith.constant 0 : i32
        %dma_start3A_722 = tpu.memref_slice %arg4[%add3A_714, %dma_start3A_721] : memref<8192x1024xf32, #tpu.memory_space<hbm>> -> memref<8x1024xf32, #tpu.memory_space<hbm>>
        %dma_start3A_723 = tpu.memref_slice %arg11[%dma_start3A_716] : memref<2x!tpu.dma_semaphore, #tpu.memory_space<semaphore_mem>> -> memref<1x!tpu.dma_semaphore, #tpu.memory_space<semaphore_mem>>
        %dma_start3A_724 = tpu.memref_squeeze %dma_start3A_723 : memref<1x!tpu.dma_semaphore, #tpu.memory_space<semaphore_mem>> -> memref<!tpu.dma_semaphore, #tpu.memory_space<semaphore_mem>>
        %dma_start3A_725 = arith.constant 0 : i32
        %dma_start3A_726 = arith.constant 0 : i32
        %dma_start3A_727 = tpu.memref_slice %arg8[%dma_start3A_715, %dma_start3A_725, %dma_start3A_726] : memref<2x8x1024xf32, #tpu.memory_space<vmem>> -> memref<1x8x1024xf32, #tpu.memory_space<vmem>>
        %dma_start3A_728 = tpu.memref_squeeze %dma_start3A_727 : memref<1x8x1024xf32, #tpu.memory_space<vmem>> -> memref<8x1024xf32, #tpu.memory_space<vmem>>
        %dma_start3A_729 = arith.constant 0 : i32
        %dma_start3A_730 = tpu.memref_slice %arg4[%add3A_714, %dma_start3A_729] : memref<8192x1024xf32, #tpu.memory_space<hbm>> -> memref<8x1024xf32, #tpu.memory_space<hbm>>
        tpu.enqueue_dma source(%dma_start3A_730 : memref<8x1024xf32, #tpu.memory_space<hbm>>) target(%dma_start3A_728 : memref<8x1024xf32, #tpu.memory_space<vmem>>) target_semaphore(%dma_start3A_724 : memref<!tpu.dma_semaphore, #tpu.memory_space<semaphore_mem>>)
      } else {
      }
      %mul3A_417 = arith.constant 2 : i32
      %mul3A_418 = arith.muli %scan3A_179, %mul3A_417 : i32
      %add3A_419 = arith.constant 1 : i32
      %add3A_420 = arith.addi %mul3A_418, %add3A_419 : i32
      %dma_wait3A_421 = arith.constant 1 : i32
      %dma_wait3A_422 = arith.constant 1 : i32
      %dma_wait3A_423 = arith.constant 0 : i32
      %dma_wait3A_424 = arith.constant 0 : i32
      %dma_wait3A_425 = tpu.memref_slice %arg8[%dma_wait3A_421, %dma_wait3A_423, %dma_wait3A_424] : memref<2x8x1024xf32, #tpu.memory_space<vmem>> -> memref<1x8x1024xf32, #tpu.memory_space<vmem>>
      %dma_wait3A_426 = tpu.memref_squeeze %dma_wait3A_425 : memref<1x8x1024xf32, #tpu.memory_space<vmem>> -> memref<8x1024xf32, #tpu.memory_space<vmem>>
      %dma_wait3A_427 = arith.constant 0 : i32
      %dma_wait3A_428 = arith.constant 0 : i32
      %dma_wait3A_429 = tpu.memref_slice %arg4[%dma_wait3A_427, %dma_wait3A_428] : memref<8192x1024xf32, #tpu.memory_space<hbm>> -> memref<8x1024xf32, #tpu.memory_space<hbm>>
      %dma_wait3A_430 = tpu.memref_slice %arg11[%dma_wait3A_422] : memref<2x!tpu.dma_semaphore, #tpu.memory_space<semaphore_mem>> -> memref<1x!tpu.dma_semaphore, #tpu.memory_space<semaphore_mem>>
      %dma_wait3A_431 = tpu.memref_squeeze %dma_wait3A_430 : memref<1x!tpu.dma_semaphore, #tpu.memory_space<semaphore_mem>> -> memref<!tpu.dma_semaphore, #tpu.memory_space<semaphore_mem>>
      %dma_wait3A_432 = arith.constant 0 : i32
      %dma_wait3A_433 = arith.constant 0 : i32
      %dma_wait3A_434 = tpu.memref_slice %arg8[%dma_wait3A_421, %dma_wait3A_432, %dma_wait3A_433] : memref<2x8x1024xf32, #tpu.memory_space<vmem>> -> memref<1x8x1024xf32, #tpu.memory_space<vmem>>
      %dma_wait3A_435 = tpu.memref_squeeze %dma_wait3A_434 : memref<1x8x1024xf32, #tpu.memory_space<vmem>> -> memref<8x1024xf32, #tpu.memory_space<vmem>>
      %dma_wait3A_436 = arith.constant 0 : i32
      %dma_wait3A_437 = arith.constant 0 : i32
      %dma_wait3A_438 = tpu.memref_slice %arg4[%dma_wait3A_436, %dma_wait3A_437] : memref<8192x1024xf32, #tpu.memory_space<hbm>> -> memref<8x1024xf32, #tpu.memory_space<hbm>>
      tpu.wait_dma2 semaphore(%dma_wait3A_431 : memref<!tpu.dma_semaphore, #tpu.memory_space<semaphore_mem>>) src(%dma_wait3A_438 : memref<8x1024xf32, #tpu.memory_space<hbm>>) dst(%dma_wait3A_435 : memref<8x1024xf32, #tpu.memory_space<vmem>>)
      %dma_wait3A_439 = arith.constant 0 : i32
      %dma_wait3A_440 = arith.constant 0 : i32
      %dma_wait3A_441 = arith.constant 0 : i32
      %dma_wait3A_442 = arith.constant 0 : i32
      %dma_wait3A_443 = tpu.memref_slice %arg7[%dma_wait3A_439, %dma_wait3A_441, %dma_wait3A_442] : memref<8x8x1024xf32, #tpu.memory_space<vmem>> -> memref<1x8x1024xf32, #tpu.memory_space<vmem>>
      %dma_wait3A_444 = tpu.memref_squeeze %dma_wait3A_443 : memref<1x8x1024xf32, #tpu.memory_space<vmem>> -> memref<8x1024xf32, #tpu.memory_space<vmem>>
      %dma_wait3A_445 = arith.constant 0 : i32
      %dma_wait3A_446 = arith.constant 0 : i32
      %dma_wait3A_447 = tpu.memref_slice %arg5[%dma_wait3A_445, %dma_wait3A_446] : memref<16384x1024xf32, #tpu.memory_space<hbm>> -> memref<8x1024xf32, #tpu.memory_space<hbm>>
      %dma_wait3A_448 = tpu.memref_slice %arg10[%dma_wait3A_440] : memref<8x!tpu.dma_semaphore, #tpu.memory_space<semaphore_mem>> -> memref<1x!tpu.dma_semaphore, #tpu.memory_space<semaphore_mem>>
      %dma_wait3A_449 = tpu.memref_squeeze %dma_wait3A_448 : memref<1x!tpu.dma_semaphore, #tpu.memory_space<semaphore_mem>> -> memref<!tpu.dma_semaphore, #tpu.memory_space<semaphore_mem>>
      %dma_wait3A_450 = arith.constant 0 : i32
      %dma_wait3A_451 = arith.constant 0 : i32
      %dma_wait3A_452 = tpu.memref_slice %arg5[%dma_wait3A_450, %dma_wait3A_451] : memref<16384x1024xf32, #tpu.memory_space<hbm>> -> memref<8x1024xf32, #tpu.memory_space<hbm>>
      %dma_wait3A_453 = arith.constant 0 : i32
      %dma_wait3A_454 = arith.constant 0 : i32
      %dma_wait3A_455 = tpu.memref_slice %arg7[%dma_wait3A_439, %dma_wait3A_453, %dma_wait3A_454] : memref<8x8x1024xf32, #tpu.memory_space<vmem>> -> memref<1x8x1024xf32, #tpu.memory_space<vmem>>
      %dma_wait3A_456 = tpu.memref_squeeze %dma_wait3A_455 : memref<1x8x1024xf32, #tpu.memory_space<vmem>> -> memref<8x1024xf32, #tpu.memory_space<vmem>>
      tpu.wait_dma2 semaphore(%dma_wait3A_449 : memref<!tpu.dma_semaphore, #tpu.memory_space<semaphore_mem>>) src(%dma_wait3A_456 : memref<8x1024xf32, #tpu.memory_space<vmem>>) dst(%dma_wait3A_452 : memref<8x1024xf32, #tpu.memory_space<hbm>>)
      %add3A_457 = arith.constant 1 : i32
      %add3A_458 = arith.addi %add3A_420, %add3A_457 : i32
      %lt3A_459 = arith.constant 16 : i32
      %lt3A_460 = arith.cmpi slt, %add3A_458, %lt3A_459 : i32
      %convert_element_type3A_461 = arith.extui %lt3A_460 : i1 to i32
      %cond3A_462 = arith.constant 0 : i32
      %cond3A_463 = arith.cmpi ne, %convert_element_type3A_461, %cond3A_462 : i32
      scf.if %cond3A_463 {
        %add3A_710 = arith.constant 1 : i32
        %add3A_711 = arith.addi %add3A_420, %add3A_710 : i32
        %add3A_712 = arith.constant 0 : i32
        %add3A_713 = arith.addi %add3A_712, %add3A_711 : i32
        %dma_start3A_714 = arith.constant 0 : i32
        %dma_start3A_715 = arith.constant 0 : i32
        %dma_start3A_716 = arith.constant 0 : i32
        %dma_start3A_717 = arith.constant 0 : i32
        %dma_start3A_718 = tpu.memref_slice %arg7[%dma_start3A_714, %dma_start3A_716, %dma_start3A_717] : memref<8x8x1024xf32, #tpu.memory_space<vmem>> -> memref<1x8x1024xf32, #tpu.memory_space<vmem>>
        %dma_start3A_719 = tpu.memref_squeeze %dma_start3A_718 : memref<1x8x1024xf32, #tpu.memory_space<vmem>> -> memref<8x1024xf32, #tpu.memory_space<vmem>>
        %dma_start3A_720 = arith.constant 0 : i32
        %dma_start3A_721 = tpu.memref_slice %arg6[%add3A_713, %dma_start3A_720] : memref<64x8xi32, #tpu.memory_space<vmem>> -> memref<1x8xi32, #tpu.memory_space<vmem>>
        %dma_start3A_722 = tpu.memref_squeeze %dma_start3A_721 : memref<1x8xi32, #tpu.memory_space<vmem>> -> memref<8xi32, #tpu.memory_space<vmem>>
        %dma_start3A_723 = arith.constant 0 : i32
        %dma_start3A_724 = arith.constant 0 : i32
        %dma_start3A_725 = tpu.memref_slice %arg3[%dma_start3A_723, %dma_start3A_724] : memref<100000x1024xf32, #tpu.memory_space<hbm>> -> memref<100000x1024xf32, #tpu.memory_space<hbm>>
        %dma_start3A_726 = tpu.memref_slice %arg9[%dma_start3A_715] : memref<8x!tpu.dma_semaphore, #tpu.memory_space<semaphore_mem>> -> memref<1x!tpu.dma_semaphore, #tpu.memory_space<semaphore_mem>>
        %dma_start3A_727 = tpu.memref_squeeze %dma_start3A_726 : memref<1x!tpu.dma_semaphore, #tpu.memory_space<semaphore_mem>> -> memref<!tpu.dma_semaphore, #tpu.memory_space<semaphore_mem>>
        tpu.enqueue_indirect_dma source(%dma_start3A_725 : memref<100000x1024xf32, #tpu.memory_space<hbm>>) target(%dma_start3A_719 : memref<8x1024xf32, #tpu.memory_space<vmem>>) offsets(%dma_start3A_722 : memref<8xi32, #tpu.memory_space<vmem>>) semaphore(%dma_start3A_727 : memref<!tpu.dma_semaphore, #tpu.memory_space<semaphore_mem>>)
      } else {
      }
      %dma_wait3A_464 = arith.constant 1 : i32
      %dma_wait3A_465 = arith.constant 1 : i32
      %dma_wait3A_466 = arith.constant 0 : i32
      %dma_wait3A_467 = arith.constant 0 : i32
      %dma_wait3A_468 = tpu.memref_slice %arg7[%dma_wait3A_464, %dma_wait3A_466, %dma_wait3A_467] : memref<8x8x1024xf32, #tpu.memory_space<vmem>> -> memref<1x8x1024xf32, #tpu.memory_space<vmem>>
      %dma_wait3A_469 = tpu.memref_squeeze %dma_wait3A_468 : memref<1x8x1024xf32, #tpu.memory_space<vmem>> -> memref<8x1024xf32, #tpu.memory_space<vmem>>
      %dma_wait3A_470 = arith.constant 0 : i32
      %dma_wait3A_471 = arith.constant 0 : i32
      %dma_wait3A_472 = tpu.memref_slice %arg5[%dma_wait3A_470, %dma_wait3A_471] : memref<16384x1024xf32, #tpu.memory_space<hbm>> -> memref<8x1024xf32, #tpu.memory_space<hbm>>
      %dma_wait3A_473 = tpu.memref_slice %arg10[%dma_wait3A_465] : memref<8x!tpu.dma_semaphore, #tpu.memory_space<semaphore_mem>> -> memref<1x!tpu.dma_semaphore, #tpu.memory_space<semaphore_mem>>
      %dma_wait3A_474 = tpu.memref_squeeze %dma_wait3A_473 : memref<1x!tpu.dma_semaphore, #tpu.memory_space<semaphore_mem>> -> memref<!tpu.dma_semaphore, #tpu.memory_space<semaphore_mem>>
      %dma_wait3A_475 = arith.constant 0 : i32
      %dma_wait3A_476 = arith.constant 0 : i32
      %dma_wait3A_477 = tpu.memref_slice %arg5[%dma_wait3A_475, %dma_wait3A_476] : memref<16384x1024xf32, #tpu.memory_space<hbm>> -> memref<8x1024xf32, #tpu.memory_space<hbm>>
      %dma_wait3A_478 = arith.constant 0 : i32
      %dma_wait3A_479 = arith.constant 0 : i32
      %dma_wait3A_480 = tpu.memref_slice %arg7[%dma_wait3A_464, %dma_wait3A_478, %dma_wait3A_479] : memref<8x8x1024xf32, #tpu.memory_space<vmem>> -> memref<1x8x1024xf32, #tpu.memory_space<vmem>>
      %dma_wait3A_481 = tpu.memref_squeeze %dma_wait3A_480 : memref<1x8x1024xf32, #tpu.memory_space<vmem>> -> memref<8x1024xf32, #tpu.memory_space<vmem>>
      tpu.wait_dma2 semaphore(%dma_wait3A_474 : memref<!tpu.dma_semaphore, #tpu.memory_space<semaphore_mem>>) src(%dma_wait3A_481 : memref<8x1024xf32, #tpu.memory_space<vmem>>) dst(%dma_wait3A_477 : memref<8x1024xf32, #tpu.memory_space<hbm>>)
      %add3A_482 = arith.constant 1 : i32
      %add3A_483 = arith.addi %add3A_420, %add3A_482 : i32
      %lt3A_484 = arith.constant 16 : i32
      %lt3A_485 = arith.cmpi slt, %add3A_483, %lt3A_484 : i32
      %convert_element_type3A_486 = arith.extui %lt3A_485 : i1 to i32
      %cond3A_487 = arith.constant 0 : i32
      %cond3A_488 = arith.cmpi ne, %convert_element_type3A_486, %cond3A_487 : i32
      scf.if %cond3A_488 {
        %add3A_710 = arith.constant 1 : i32
        %add3A_711 = arith.addi %add3A_420, %add3A_710 : i32
        %add3A_712 = arith.constant 16 : i32
        %add3A_713 = arith.addi %add3A_712, %add3A_711 : i32
        %dma_start3A_714 = arith.constant 1 : i32
        %dma_start3A_715 = arith.constant 1 : i32
        %dma_start3A_716 = arith.constant 0 : i32
        %dma_start3A_717 = arith.constant 0 : i32
        %dma_start3A_718 = tpu.memref_slice %arg7[%dma_start3A_714, %dma_start3A_716, %dma_start3A_717] : memref<8x8x1024xf32, #tpu.memory_space<vmem>> -> memref<1x8x1024xf32, #tpu.memory_space<vmem>>
        %dma_start3A_719 = tpu.memref_squeeze %dma_start3A_718 : memref<1x8x1024xf32, #tpu.memory_space<vmem>> -> memref<8x1024xf32, #tpu.memory_space<vmem>>
        %dma_start3A_720 = arith.constant 0 : i32
        %dma_start3A_721 = tpu.memref_slice %arg6[%add3A_713, %dma_start3A_720] : memref<64x8xi32, #tpu.memory_space<vmem>> -> memref<1x8xi32, #tpu.memory_space<vmem>>
        %dma_start3A_722 = tpu.memref_squeeze %dma_start3A_721 : memref<1x8xi32, #tpu.memory_space<vmem>> -> memref<8xi32, #tpu.memory_space<vmem>>
        %dma_start3A_723 = arith.constant 0 : i32
        %dma_start3A_724 = arith.constant 0 : i32
        %dma_start3A_725 = tpu.memref_slice %arg3[%dma_start3A_723, %dma_start3A_724] : memref<100000x1024xf32, #tpu.memory_space<hbm>> -> memref<100000x1024xf32, #tpu.memory_space<hbm>>
        %dma_start3A_726 = tpu.memref_slice %arg9[%dma_start3A_715] : memref<8x!tpu.dma_semaphore, #tpu.memory_space<semaphore_mem>> -> memref<1x!tpu.dma_semaphore, #tpu.memory_space<semaphore_mem>>
        %dma_start3A_727 = tpu.memref_squeeze %dma_start3A_726 : memref<1x!tpu.dma_semaphore, #tpu.memory_space<semaphore_mem>> -> memref<!tpu.dma_semaphore, #tpu.memory_space<semaphore_mem>>
        tpu.enqueue_indirect_dma source(%dma_start3A_725 : memref<100000x1024xf32, #tpu.memory_space<hbm>>) target(%dma_start3A_719 : memref<8x1024xf32, #tpu.memory_space<vmem>>) offsets(%dma_start3A_722 : memref<8xi32, #tpu.memory_space<vmem>>) semaphore(%dma_start3A_727 : memref<!tpu.dma_semaphore, #tpu.memory_space<semaphore_mem>>)
      } else {
      }
      %dma_wait3A_489 = arith.constant 2 : i32
      %dma_wait3A_490 = arith.constant 2 : i32
      %dma_wait3A_491 = arith.constant 0 : i32
      %dma_wait3A_492 = arith.constant 0 : i32
      %dma_wait3A_493 = tpu.memref_slice %arg7[%dma_wait3A_489, %dma_wait3A_491, %dma_wait3A_492] : memref<8x8x1024xf32, #tpu.memory_space<vmem>> -> memref<1x8x1024xf32, #tpu.memory_space<vmem>>
      %dma_wait3A_494 = tpu.memref_squeeze %dma_wait3A_493 : memref<1x8x1024xf32, #tpu.memory_space<vmem>> -> memref<8x1024xf32, #tpu.memory_space<vmem>>
      %dma_wait3A_495 = arith.constant 0 : i32
      %dma_wait3A_496 = arith.constant 0 : i32
      %dma_wait3A_497 = tpu.memref_slice %arg5[%dma_wait3A_495, %dma_wait3A_496] : memref<16384x1024xf32, #tpu.memory_space<hbm>> -> memref<8x1024xf32, #tpu.memory_space<hbm>>
      %dma_wait3A_498 = tpu.memref_slice %arg10[%dma_wait3A_490] : memref<8x!tpu.dma_semaphore, #tpu.memory_space<semaphore_mem>> -> memref<1x!tpu.dma_semaphore, #tpu.memory_space<semaphore_mem>>
      %dma_wait3A_499 = tpu.memref_squeeze %dma_wait3A_498 : memref<1x!tpu.dma_semaphore, #tpu.memory_space<semaphore_mem>> -> memref<!tpu.dma_semaphore, #tpu.memory_space<semaphore_mem>>
      %dma_wait3A_500 = arith.constant 0 : i32
      %dma_wait3A_501 = arith.constant 0 : i32
      %dma_wait3A_502 = tpu.memref_slice %arg5[%dma_wait3A_500, %dma_wait3A_501] : memref<16384x1024xf32, #tpu.memory_space<hbm>> -> memref<8x1024xf32, #tpu.memory_space<hbm>>
      %dma_wait3A_503 = arith.constant 0 : i32
      %dma_wait3A_504 = arith.constant 0 : i32
      %dma_wait3A_505 = tpu.memref_slice %arg7[%dma_wait3A_489, %dma_wait3A_503, %dma_wait3A_504] : memref<8x8x1024xf32, #tpu.memory_space<vmem>> -> memref<1x8x1024xf32, #tpu.memory_space<vmem>>
      %dma_wait3A_506 = tpu.memref_squeeze %dma_wait3A_505 : memref<1x8x1024xf32, #tpu.memory_space<vmem>> -> memref<8x1024xf32, #tpu.memory_space<vmem>>
      tpu.wait_dma2 semaphore(%dma_wait3A_499 : memref<!tpu.dma_semaphore, #tpu.memory_space<semaphore_mem>>) src(%dma_wait3A_506 : memref<8x1024xf32, #tpu.memory_space<vmem>>) dst(%dma_wait3A_502 : memref<8x1024xf32, #tpu.memory_space<hbm>>)
      %add3A_507 = arith.constant 1 : i32
      %add3A_508 = arith.addi %add3A_420, %add3A_507 : i32
      %lt3A_509 = arith.constant 16 : i32
      %lt3A_510 = arith.cmpi slt, %add3A_508, %lt3A_509 : i32
      %convert_element_type3A_511 = arith.extui %lt3A_510 : i1 to i32
      %cond3A_512 = arith.constant 0 : i32
      %cond3A_513 = arith.cmpi ne, %convert_element_type3A_511, %cond3A_512 : i32
      scf.if %cond3A_513 {
        %add3A_710 = arith.constant 1 : i32
        %add3A_711 = arith.addi %add3A_420, %add3A_710 : i32
        %add3A_712 = arith.constant 32 : i32
        %add3A_713 = arith.addi %add3A_712, %add3A_711 : i32
        %dma_start3A_714 = arith.constant 2 : i32
        %dma_start3A_715 = arith.constant 2 : i32
        %dma_start3A_716 = arith.constant 0 : i32
        %dma_start3A_717 = arith.constant 0 : i32
        %dma_start3A_718 = tpu.memref_slice %arg7[%dma_start3A_714, %dma_start3A_716, %dma_start3A_717] : memref<8x8x1024xf32, #tpu.memory_space<vmem>> -> memref<1x8x1024xf32, #tpu.memory_space<vmem>>
        %dma_start3A_719 = tpu.memref_squeeze %dma_start3A_718 : memref<1x8x1024xf32, #tpu.memory_space<vmem>> -> memref<8x1024xf32, #tpu.memory_space<vmem>>
        %dma_start3A_720 = arith.constant 0 : i32
        %dma_start3A_721 = tpu.memref_slice %arg6[%add3A_713, %dma_start3A_720] : memref<64x8xi32, #tpu.memory_space<vmem>> -> memref<1x8xi32, #tpu.memory_space<vmem>>
        %dma_start3A_722 = tpu.memref_squeeze %dma_start3A_721 : memref<1x8xi32, #tpu.memory_space<vmem>> -> memref<8xi32, #tpu.memory_space<vmem>>
        %dma_start3A_723 = arith.constant 0 : i32
        %dma_start3A_724 = arith.constant 0 : i32
        %dma_start3A_725 = tpu.memref_slice %arg3[%dma_start3A_723, %dma_start3A_724] : memref<100000x1024xf32, #tpu.memory_space<hbm>> -> memref<100000x1024xf32, #tpu.memory_space<hbm>>
        %dma_start3A_726 = tpu.memref_slice %arg9[%dma_start3A_715] : memref<8x!tpu.dma_semaphore, #tpu.memory_space<semaphore_mem>> -> memref<1x!tpu.dma_semaphore, #tpu.memory_space<semaphore_mem>>
        %dma_start3A_727 = tpu.memref_squeeze %dma_start3A_726 : memref<1x!tpu.dma_semaphore, #tpu.memory_space<semaphore_mem>> -> memref<!tpu.dma_semaphore, #tpu.memory_space<semaphore_mem>>
        tpu.enqueue_indirect_dma source(%dma_start3A_725 : memref<100000x1024xf32, #tpu.memory_space<hbm>>) target(%dma_start3A_719 : memref<8x1024xf32, #tpu.memory_space<vmem>>) offsets(%dma_start3A_722 : memref<8xi32, #tpu.memory_space<vmem>>) semaphore(%dma_start3A_727 : memref<!tpu.dma_semaphore, #tpu.memory_space<semaphore_mem>>)
      } else {
      }
      %dma_wait3A_514 = arith.constant 3 : i32
      %dma_wait3A_515 = arith.constant 3 : i32
      %dma_wait3A_516 = arith.constant 0 : i32
      %dma_wait3A_517 = arith.constant 0 : i32
      %dma_wait3A_518 = tpu.memref_slice %arg7[%dma_wait3A_514, %dma_wait3A_516, %dma_wait3A_517] : memref<8x8x1024xf32, #tpu.memory_space<vmem>> -> memref<1x8x1024xf32, #tpu.memory_space<vmem>>
      %dma_wait3A_519 = tpu.memref_squeeze %dma_wait3A_518 : memref<1x8x1024xf32, #tpu.memory_space<vmem>> -> memref<8x1024xf32, #tpu.memory_space<vmem>>
      %dma_wait3A_520 = arith.constant 0 : i32
      %dma_wait3A_521 = arith.constant 0 : i32
      %dma_wait3A_522 = tpu.memref_slice %arg5[%dma_wait3A_520, %dma_wait3A_521] : memref<16384x1024xf32, #tpu.memory_space<hbm>> -> memref<8x1024xf32, #tpu.memory_space<hbm>>
      %dma_wait3A_523 = tpu.memref_slice %arg10[%dma_wait3A_515] : memref<8x!tpu.dma_semaphore, #tpu.memory_space<semaphore_mem>> -> memref<1x!tpu.dma_semaphore, #tpu.memory_space<semaphore_mem>>
      %dma_wait3A_524 = tpu.memref_squeeze %dma_wait3A_523 : memref<1x!tpu.dma_semaphore, #tpu.memory_space<semaphore_mem>> -> memref<!tpu.dma_semaphore, #tpu.memory_space<semaphore_mem>>
      %dma_wait3A_525 = arith.constant 0 : i32
      %dma_wait3A_526 = arith.constant 0 : i32
      %dma_wait3A_527 = tpu.memref_slice %arg5[%dma_wait3A_525, %dma_wait3A_526] : memref<16384x1024xf32, #tpu.memory_space<hbm>> -> memref<8x1024xf32, #tpu.memory_space<hbm>>
      %dma_wait3A_528 = arith.constant 0 : i32
      %dma_wait3A_529 = arith.constant 0 : i32
      %dma_wait3A_530 = tpu.memref_slice %arg7[%dma_wait3A_514, %dma_wait3A_528, %dma_wait3A_529] : memref<8x8x1024xf32, #tpu.memory_space<vmem>> -> memref<1x8x1024xf32, #tpu.memory_space<vmem>>
      %dma_wait3A_531 = tpu.memref_squeeze %dma_wait3A_530 : memref<1x8x1024xf32, #tpu.memory_space<vmem>> -> memref<8x1024xf32, #tpu.memory_space<vmem>>
      tpu.wait_dma2 semaphore(%dma_wait3A_524 : memref<!tpu.dma_semaphore, #tpu.memory_space<semaphore_mem>>) src(%dma_wait3A_531 : memref<8x1024xf32, #tpu.memory_space<vmem>>) dst(%dma_wait3A_527 : memref<8x1024xf32, #tpu.memory_space<hbm>>)
      %add3A_532 = arith.constant 1 : i32
      %add3A_533 = arith.addi %add3A_420, %add3A_532 : i32
      %lt3A_534 = arith.constant 16 : i32
      %lt3A_535 = arith.cmpi slt, %add3A_533, %lt3A_534 : i32
      %convert_element_type3A_536 = arith.extui %lt3A_535 : i1 to i32
      %cond3A_537 = arith.constant 0 : i32
      %cond3A_538 = arith.cmpi ne, %convert_element_type3A_536, %cond3A_537 : i32
      scf.if %cond3A_538 {
        %add3A_710 = arith.constant 1 : i32
        %add3A_711 = arith.addi %add3A_420, %add3A_710 : i32
        %add3A_712 = arith.constant 48 : i32
        %add3A_713 = arith.addi %add3A_712, %add3A_711 : i32
        %dma_start3A_714 = arith.constant 3 : i32
        %dma_start3A_715 = arith.constant 3 : i32
        %dma_start3A_716 = arith.constant 0 : i32
        %dma_start3A_717 = arith.constant 0 : i32
        %dma_start3A_718 = tpu.memref_slice %arg7[%dma_start3A_714, %dma_start3A_716, %dma_start3A_717] : memref<8x8x1024xf32, #tpu.memory_space<vmem>> -> memref<1x8x1024xf32, #tpu.memory_space<vmem>>
        %dma_start3A_719 = tpu.memref_squeeze %dma_start3A_718 : memref<1x8x1024xf32, #tpu.memory_space<vmem>> -> memref<8x1024xf32, #tpu.memory_space<vmem>>
        %dma_start3A_720 = arith.constant 0 : i32
        %dma_start3A_721 = tpu.memref_slice %arg6[%add3A_713, %dma_start3A_720] : memref<64x8xi32, #tpu.memory_space<vmem>> -> memref<1x8xi32, #tpu.memory_space<vmem>>
        %dma_start3A_722 = tpu.memref_squeeze %dma_start3A_721 : memref<1x8xi32, #tpu.memory_space<vmem>> -> memref<8xi32, #tpu.memory_space<vmem>>
        %dma_start3A_723 = arith.constant 0 : i32
        %dma_start3A_724 = arith.constant 0 : i32
        %dma_start3A_725 = tpu.memref_slice %arg3[%dma_start3A_723, %dma_start3A_724] : memref<100000x1024xf32, #tpu.memory_space<hbm>> -> memref<100000x1024xf32, #tpu.memory_space<hbm>>
        %dma_start3A_726 = tpu.memref_slice %arg9[%dma_start3A_715] : memref<8x!tpu.dma_semaphore, #tpu.memory_space<semaphore_mem>> -> memref<1x!tpu.dma_semaphore, #tpu.memory_space<semaphore_mem>>
        %dma_start3A_727 = tpu.memref_squeeze %dma_start3A_726 : memref<1x!tpu.dma_semaphore, #tpu.memory_space<semaphore_mem>> -> memref<!tpu.dma_semaphore, #tpu.memory_space<semaphore_mem>>
        tpu.enqueue_indirect_dma source(%dma_start3A_725 : memref<100000x1024xf32, #tpu.memory_space<hbm>>) target(%dma_start3A_719 : memref<8x1024xf32, #tpu.memory_space<vmem>>) offsets(%dma_start3A_722 : memref<8xi32, #tpu.memory_space<vmem>>) semaphore(%dma_start3A_727 : memref<!tpu.dma_semaphore, #tpu.memory_space<semaphore_mem>>)
      } else {
      }
      %dma_wait3A_539 = arith.constant 4 : i32
      %dma_wait3A_540 = arith.constant 4 : i32
      %dma_wait3A_541 = arith.constant 0 : i32
      %dma_wait3A_542 = arith.constant 0 : i32
      %dma_wait3A_543 = tpu.memref_slice %arg7[%dma_wait3A_539, %dma_wait3A_541, %dma_wait3A_542] : memref<8x8x1024xf32, #tpu.memory_space<vmem>> -> memref<1x8x1024xf32, #tpu.memory_space<vmem>>
      %dma_wait3A_544 = tpu.memref_squeeze %dma_wait3A_543 : memref<1x8x1024xf32, #tpu.memory_space<vmem>> -> memref<8x1024xf32, #tpu.memory_space<vmem>>
      %dma_wait3A_545 = arith.constant 0 : i32
      %dma_wait3A_546 = arith.constant 0 : i32
      %dma_wait3A_547 = tpu.memref_slice %arg3[%dma_wait3A_545, %dma_wait3A_546] : memref<100000x1024xf32, #tpu.memory_space<hbm>> -> memref<8x1024xf32, #tpu.memory_space<hbm>>
      %dma_wait3A_548 = tpu.memref_slice %arg9[%dma_wait3A_540] : memref<8x!tpu.dma_semaphore, #tpu.memory_space<semaphore_mem>> -> memref<1x!tpu.dma_semaphore, #tpu.memory_space<semaphore_mem>>
      %dma_wait3A_549 = tpu.memref_squeeze %dma_wait3A_548 : memref<1x!tpu.dma_semaphore, #tpu.memory_space<semaphore_mem>> -> memref<!tpu.dma_semaphore, #tpu.memory_space<semaphore_mem>>
      %dma_wait3A_550 = arith.constant 0 : i32
      %dma_wait3A_551 = arith.constant 0 : i32
      %dma_wait3A_552 = tpu.memref_slice %arg7[%dma_wait3A_539, %dma_wait3A_550, %dma_wait3A_551] : memref<8x8x1024xf32, #tpu.memory_space<vmem>> -> memref<1x8x1024xf32, #tpu.memory_space<vmem>>
      %dma_wait3A_553 = tpu.memref_squeeze %dma_wait3A_552 : memref<1x8x1024xf32, #tpu.memory_space<vmem>> -> memref<8x1024xf32, #tpu.memory_space<vmem>>
      %dma_wait3A_554 = arith.constant 0 : i32
      %dma_wait3A_555 = arith.constant 0 : i32
      %dma_wait3A_556 = tpu.memref_slice %arg3[%dma_wait3A_554, %dma_wait3A_555] : memref<100000x1024xf32, #tpu.memory_space<hbm>> -> memref<8x1024xf32, #tpu.memory_space<hbm>>
      tpu.wait_dma2 semaphore(%dma_wait3A_549 : memref<!tpu.dma_semaphore, #tpu.memory_space<semaphore_mem>>) src(%dma_wait3A_556 : memref<8x1024xf32, #tpu.memory_space<hbm>>) dst(%dma_wait3A_553 : memref<8x1024xf32, #tpu.memory_space<vmem>>)
      %dma_wait3A_557 = arith.constant 5 : i32
      %dma_wait3A_558 = arith.constant 5 : i32
      %dma_wait3A_559 = arith.constant 0 : i32
      %dma_wait3A_560 = arith.constant 0 : i32
      %dma_wait3A_561 = tpu.memref_slice %arg7[%dma_wait3A_557, %dma_wait3A_559, %dma_wait3A_560] : memref<8x8x1024xf32, #tpu.memory_space<vmem>> -> memref<1x8x1024xf32, #tpu.memory_space<vmem>>
      %dma_wait3A_562 = tpu.memref_squeeze %dma_wait3A_561 : memref<1x8x1024xf32, #tpu.memory_space<vmem>> -> memref<8x1024xf32, #tpu.memory_space<vmem>>
      %dma_wait3A_563 = arith.constant 0 : i32
      %dma_wait3A_564 = arith.constant 0 : i32
      %dma_wait3A_565 = tpu.memref_slice %arg3[%dma_wait3A_563, %dma_wait3A_564] : memref<100000x1024xf32, #tpu.memory_space<hbm>> -> memref<8x1024xf32, #tpu.memory_space<hbm>>
      %dma_wait3A_566 = tpu.memref_slice %arg9[%dma_wait3A_558] : memref<8x!tpu.dma_semaphore, #tpu.memory_space<semaphore_mem>> -> memref<1x!tpu.dma_semaphore, #tpu.memory_space<semaphore_mem>>
      %dma_wait3A_567 = tpu.memref_squeeze %dma_wait3A_566 : memref<1x!tpu.dma_semaphore, #tpu.memory_space<semaphore_mem>> -> memref<!tpu.dma_semaphore, #tpu.memory_space<semaphore_mem>>
      %dma_wait3A_568 = arith.constant 0 : i32
      %dma_wait3A_569 = arith.constant 0 : i32
      %dma_wait3A_570 = tpu.memref_slice %arg7[%dma_wait3A_557, %dma_wait3A_568, %dma_wait3A_569] : memref<8x8x1024xf32, #tpu.memory_space<vmem>> -> memref<1x8x1024xf32, #tpu.memory_space<vmem>>
      %dma_wait3A_571 = tpu.memref_squeeze %dma_wait3A_570 : memref<1x8x1024xf32, #tpu.memory_space<vmem>> -> memref<8x1024xf32, #tpu.memory_space<vmem>>
      %dma_wait3A_572 = arith.constant 0 : i32
      %dma_wait3A_573 = arith.constant 0 : i32
      %dma_wait3A_574 = tpu.memref_slice %arg3[%dma_wait3A_572, %dma_wait3A_573] : memref<100000x1024xf32, #tpu.memory_space<hbm>> -> memref<8x1024xf32, #tpu.memory_space<hbm>>
      tpu.wait_dma2 semaphore(%dma_wait3A_567 : memref<!tpu.dma_semaphore, #tpu.memory_space<semaphore_mem>>) src(%dma_wait3A_574 : memref<8x1024xf32, #tpu.memory_space<hbm>>) dst(%dma_wait3A_571 : memref<8x1024xf32, #tpu.memory_space<vmem>>)
      %dma_wait3A_575 = arith.constant 6 : i32
      %dma_wait3A_576 = arith.constant 6 : i32
      %dma_wait3A_577 = arith.constant 0 : i32
      %dma_wait3A_578 = arith.constant 0 : i32
      %dma_wait3A_579 = tpu.memref_slice %arg7[%dma_wait3A_575, %dma_wait3A_577, %dma_wait3A_578] : memref<8x8x1024xf32, #tpu.memory_space<vmem>> -> memref<1x8x1024xf32, #tpu.memory_space<vmem>>
      %dma_wait3A_580 = tpu.memref_squeeze %dma_wait3A_579 : memref<1x8x1024xf32, #tpu.memory_space<vmem>> -> memref<8x1024xf32, #tpu.memory_space<vmem>>
      %dma_wait3A_581 = arith.constant 0 : i32
      %dma_wait3A_582 = arith.constant 0 : i32
      %dma_wait3A_583 = tpu.memref_slice %arg3[%dma_wait3A_581, %dma_wait3A_582] : memref<100000x1024xf32, #tpu.memory_space<hbm>> -> memref<8x1024xf32, #tpu.memory_space<hbm>>
      %dma_wait3A_584 = tpu.memref_slice %arg9[%dma_wait3A_576] : memref<8x!tpu.dma_semaphore, #tpu.memory_space<semaphore_mem>> -> memref<1x!tpu.dma_semaphore, #tpu.memory_space<semaphore_mem>>
      %dma_wait3A_585 = tpu.memref_squeeze %dma_wait3A_584 : memref<1x!tpu.dma_semaphore, #tpu.memory_space<semaphore_mem>> -> memref<!tpu.dma_semaphore, #tpu.memory_space<semaphore_mem>>
      %dma_wait3A_586 = arith.constant 0 : i32
      %dma_wait3A_587 = arith.constant 0 : i32
      %dma_wait3A_588 = tpu.memref_slice %arg7[%dma_wait3A_575, %dma_wait3A_586, %dma_wait3A_587] : memref<8x8x1024xf32, #tpu.memory_space<vmem>> -> memref<1x8x1024xf32, #tpu.memory_space<vmem>>
      %dma_wait3A_589 = tpu.memref_squeeze %dma_wait3A_588 : memref<1x8x1024xf32, #tpu.memory_space<vmem>> -> memref<8x1024xf32, #tpu.memory_space<vmem>>
      %dma_wait3A_590 = arith.constant 0 : i32
      %dma_wait3A_591 = arith.constant 0 : i32
      %dma_wait3A_592 = tpu.memref_slice %arg3[%dma_wait3A_590, %dma_wait3A_591] : memref<100000x1024xf32, #tpu.memory_space<hbm>> -> memref<8x1024xf32, #tpu.memory_space<hbm>>
      tpu.wait_dma2 semaphore(%dma_wait3A_585 : memref<!tpu.dma_semaphore, #tpu.memory_space<semaphore_mem>>) src(%dma_wait3A_592 : memref<8x1024xf32, #tpu.memory_space<hbm>>) dst(%dma_wait3A_589 : memref<8x1024xf32, #tpu.memory_space<vmem>>)
      %dma_wait3A_593 = arith.constant 7 : i32
      %dma_wait3A_594 = arith.constant 7 : i32
      %dma_wait3A_595 = arith.constant 0 : i32
      %dma_wait3A_596 = arith.constant 0 : i32
      %dma_wait3A_597 = tpu.memref_slice %arg7[%dma_wait3A_593, %dma_wait3A_595, %dma_wait3A_596] : memref<8x8x1024xf32, #tpu.memory_space<vmem>> -> memref<1x8x1024xf32, #tpu.memory_space<vmem>>
      %dma_wait3A_598 = tpu.memref_squeeze %dma_wait3A_597 : memref<1x8x1024xf32, #tpu.memory_space<vmem>> -> memref<8x1024xf32, #tpu.memory_space<vmem>>
      %dma_wait3A_599 = arith.constant 0 : i32
      %dma_wait3A_600 = arith.constant 0 : i32
      %dma_wait3A_601 = tpu.memref_slice %arg3[%dma_wait3A_599, %dma_wait3A_600] : memref<100000x1024xf32, #tpu.memory_space<hbm>> -> memref<8x1024xf32, #tpu.memory_space<hbm>>
      %dma_wait3A_602 = tpu.memref_slice %arg9[%dma_wait3A_594] : memref<8x!tpu.dma_semaphore, #tpu.memory_space<semaphore_mem>> -> memref<1x!tpu.dma_semaphore, #tpu.memory_space<semaphore_mem>>
      %dma_wait3A_603 = tpu.memref_squeeze %dma_wait3A_602 : memref<1x!tpu.dma_semaphore, #tpu.memory_space<semaphore_mem>> -> memref<!tpu.dma_semaphore, #tpu.memory_space<semaphore_mem>>
      %dma_wait3A_604 = arith.constant 0 : i32
      %dma_wait3A_605 = arith.constant 0 : i32
      %dma_wait3A_606 = tpu.memref_slice %arg7[%dma_wait3A_593, %dma_wait3A_604, %dma_wait3A_605] : memref<8x8x1024xf32, #tpu.memory_space<vmem>> -> memref<1x8x1024xf32, #tpu.memory_space<vmem>>
      %dma_wait3A_607 = tpu.memref_squeeze %dma_wait3A_606 : memref<1x8x1024xf32, #tpu.memory_space<vmem>> -> memref<8x1024xf32, #tpu.memory_space<vmem>>
      %dma_wait3A_608 = arith.constant 0 : i32
      %dma_wait3A_609 = arith.constant 0 : i32
      %dma_wait3A_610 = tpu.memref_slice %arg3[%dma_wait3A_608, %dma_wait3A_609] : memref<100000x1024xf32, #tpu.memory_space<hbm>> -> memref<8x1024xf32, #tpu.memory_space<hbm>>
      tpu.wait_dma2 semaphore(%dma_wait3A_603 : memref<!tpu.dma_semaphore, #tpu.memory_space<semaphore_mem>>) src(%dma_wait3A_610 : memref<8x1024xf32, #tpu.memory_space<hbm>>) dst(%dma_wait3A_607 : memref<8x1024xf32, #tpu.memory_space<vmem>>)
      %scan3A_611 = arith.constant 0 : i32
      %scan3A_612 = arith.constant 0 : i32
      %scan3A_613 = arith.constant 8 : i32
      %scan3A_614 = arith.addi %scan3A_612, %scan3A_613 : i32
      %scan3A_615 = arith.constant 1 : i32
      %scan3A_616 = scf.for %scan3A_710 = %scan3A_612 to %scan3A_614 step %scan3A_615 iter_args(%scan3A_711 = %scan3A_611) -> (i32)  : i32 {
        %scan3A_712 = arith.constant 0 : i32
        %scan3A_713 = arith.constant 0 : i32
        %scan3A_714 = arith.constant 64 : i32
        %scan3A_715 = arith.addi %scan3A_713, %scan3A_714 : i32
        %scan3A_716 = arith.constant 8 : i32
        %scan3A_717 = scf.for %scan3A_720 = %scan3A_713 to %scan3A_715 step %scan3A_716 iter_args(%scan3A_721 = %scan3A_712) -> (i32)  : i32 {
          %mul3A_722 = arith.constant 16 : i32
          %mul3A_723 = arith.muli %scan3A_720, %mul3A_722 : i32
          %multiple_of3A = tpu.assume_multiple %mul3A_723, 16 : i32
          %get3A = arith.constant 1 : i32
          %get3A_724 = arith.index_cast %get3A : i32 to index
          %get3A_725 = arith.index_cast %scan3A_710 : i32 to index
          %get3A_726 = arith.index_cast %multiple_of3A : i32 to index
          %get3A_727 = tpu.vector_load %arg8[%get3A_724, %get3A_725, %get3A_726] {strides = array<i32>} : memref<2x8x1024xf32, #tpu.memory_space<vmem>>, vector<1x1x16xf32>,
          %get3A_728 = vector.shape_cast %get3A_727 : vector<1x1x16xf32> to vector<16xf32>
          %get3A_729 = arith.constant 4 : i32
          %get3A_730 = arith.index_cast %get3A_729 : i32 to index
          %get3A_731 = arith.index_cast %scan3A_710 : i32 to index
          %get3A_732 = arith.index_cast %multiple_of3A : i32 to index
          %get3A_733 = tpu.vector_load %arg7[%get3A_730, %get3A_731, %get3A_732] {strides = array<i32>} : memref<8x8x1024xf32, #tpu.memory_space<vmem>>, vector<1x1x16xf32>,
          %get3A_734 = vector.shape_cast %get3A_733 : vector<1x1x16xf32> to vector<16xf32>
          %mul3A_735 = arith.constant 3.200000e+01 : f32
          %mul3A_736 = vector.broadcast %mul3A_735 : f32 to vector<16xf32>
          %mul3A_737 = arith.mulf %get3A_734, %mul3A_736 : vector<16xf32>
          %add3A_738 = arith.addf %mul3A_737, %get3A_728 : vector<16xf32>
          %swap3A = arith.constant 4 : i32
          %swap3A_739 = arith.index_cast %swap3A : i32 to index
          %swap3A_740 = arith.index_cast %scan3A_710 : i32 to index
          %swap3A_741 = arith.index_cast %multiple_of3A : i32 to index
          %swap3A_742 = tpu.vector_load %arg7[%swap3A_739, %swap3A_740, %swap3A_741] {strides = array<i32>} : memref<8x8x1024xf32, #tpu.memory_space<vmem>>, vector<1x1x16xf32>,
          %swap3A_743 = vector.shape_cast %swap3A_742 : vector<1x1x16xf32> to vector<16xf32>
          %swap3A_744 = vector.shape_cast %add3A_738 : vector<16xf32> to vector<1x1x16xf32>
          tpu.vector_store %arg7[%swap3A_739, %swap3A_740, %swap3A_741], %swap3A_744 {strides = array<i32>} : memref<8x8x1024xf32, #tpu.memory_space<vmem>>, vector<1x1x16xf32>,
          %get3A_745 = arith.constant 5 : i32
          %get3A_746 = arith.index_cast %get3A_745 : i32 to index
          %get3A_747 = arith.index_cast %scan3A_710 : i32 to index
          %get3A_748 = arith.index_cast %multiple_of3A : i32 to index
          %get3A_749 = tpu.vector_load %arg7[%get3A_746, %get3A_747, %get3A_748] {strides = array<i32>} : memref<8x8x1024xf32, #tpu.memory_space<vmem>>, vector<1x1x16xf32>,
          %get3A_750 = vector.shape_cast %get3A_749 : vector<1x1x16xf32> to vector<16xf32>
          %mul3A_751 = arith.constant 3.200000e+01 : f32
          %mul3A_752 = vector.broadcast %mul3A_751 : f32 to vector<16xf32>
          %mul3A_753 = arith.mulf %get3A_750, %mul3A_752 : vector<16xf32>
          %add3A_754 = arith.addf %mul3A_753, %get3A_728 : vector<16xf32>
          %swap3A_755 = arith.constant 5 : i32
          %swap3A_756 = arith.index_cast %swap3A_755 : i32 to index
          %swap3A_757 = arith.index_cast %scan3A_710 : i32 to index
          %swap3A_758 = arith.index_cast %multiple_of3A : i32 to index
          %swap3A_759 = tpu.vector_load %arg7[%swap3A_756, %swap3A_757, %swap3A_758] {strides = array<i32>} : memref<8x8x1024xf32, #tpu.memory_space<vmem>>, vector<1x1x16xf32>,
          %swap3A_760 = vector.shape_cast %swap3A_759 : vector<1x1x16xf32> to vector<16xf32>
          %swap3A_761 = vector.shape_cast %add3A_754 : vector<16xf32> to vector<1x1x16xf32>
          tpu.vector_store %arg7[%swap3A_756, %swap3A_757, %swap3A_758], %swap3A_761 {strides = array<i32>} : memref<8x8x1024xf32, #tpu.memory_space<vmem>>, vector<1x1x16xf32>,
          %get3A_762 = arith.constant 6 : i32
          %get3A_763 = arith.index_cast %get3A_762 : i32 to index
          %get3A_764 = arith.index_cast %scan3A_710 : i32 to index
          %get3A_765 = arith.index_cast %multiple_of3A : i32 to index
          %get3A_766 = tpu.vector_load %arg7[%get3A_763, %get3A_764, %get3A_765] {strides = array<i32>} : memref<8x8x1024xf32, #tpu.memory_space<vmem>>, vector<1x1x16xf32>,
          %get3A_767 = vector.shape_cast %get3A_766 : vector<1x1x16xf32> to vector<16xf32>
          %mul3A_768 = arith.constant 3.200000e+01 : f32
          %mul3A_769 = vector.broadcast %mul3A_768 : f32 to vector<16xf32>
          %mul3A_770 = arith.mulf %get3A_767, %mul3A_769 : vector<16xf32>
          %add3A_771 = arith.addf %mul3A_770, %get3A_728 : vector<16xf32>
          %swap3A_772 = arith.constant 6 : i32
          %swap3A_773 = arith.index_cast %swap3A_772 : i32 to index
          %swap3A_774 = arith.index_cast %scan3A_710 : i32 to index
          %swap3A_775 = arith.index_cast %multiple_of3A : i32 to index
          %swap3A_776 = tpu.vector_load %arg7[%swap3A_773, %swap3A_774, %swap3A_775] {strides = array<i32>} : memref<8x8x1024xf32, #tpu.memory_space<vmem>>, vector<1x1x16xf32>,
          %swap3A_777 = vector.shape_cast %swap3A_776 : vector<1x1x16xf32> to vector<16xf32>
          %swap3A_778 = vector.shape_cast %add3A_771 : vector<16xf32> to vector<1x1x16xf32>
          tpu.vector_store %arg7[%swap3A_773, %swap3A_774, %swap3A_775], %swap3A_778 {strides = array<i32>} : memref<8x8x1024xf32, #tpu.memory_space<vmem>>, vector<1x1x16xf32>,
          %get3A_779 = arith.constant 7 : i32
          %get3A_780 = arith.index_cast %get3A_779 : i32 to index
          %get3A_781 = arith.index_cast %scan3A_710 : i32 to index
          %get3A_782 = arith.index_cast %multiple_of3A : i32 to index
          %get3A_783 = tpu.vector_load %arg7[%get3A_780, %get3A_781, %get3A_782] {strides = array<i32>} : memref<8x8x1024xf32, #tpu.memory_space<vmem>>, vector<1x1x16xf32>,
          %get3A_784 = vector.shape_cast %get3A_783 : vector<1x1x16xf32> to vector<16xf32>
          %mul3A_785 = arith.constant 3.200000e+01 : f32
          %mul3A_786 = vector.broadcast %mul3A_785 : f32 to vector<16xf32>
          %mul3A_787 = arith.mulf %get3A_784, %mul3A_786 : vector<16xf32>
          %add3A_788 = arith.addf %mul3A_787, %get3A_728 : vector<16xf32>
          %swap3A_789 = arith.constant 7 : i32
          %swap3A_790 = arith.index_cast %swap3A_789 : i32 to index
          %swap3A_791 = arith.index_cast %scan3A_710 : i32 to index
          %swap3A_792 = arith.index_cast %multiple_of3A : i32 to index
          %swap3A_793 = tpu.vector_load %arg7[%swap3A_790, %swap3A_791, %swap3A_792] {strides = array<i32>} : memref<8x8x1024xf32, #tpu.memory_space<vmem>>, vector<1x1x16xf32>,
          %swap3A_794 = vector.shape_cast %swap3A_793 : vector<1x1x16xf32> to vector<16xf32>
          %swap3A_795 = vector.shape_cast %add3A_788 : vector<16xf32> to vector<1x1x16xf32>
          tpu.vector_store %arg7[%swap3A_790, %swap3A_791, %swap3A_792], %swap3A_795 {strides = array<i32>} : memref<8x8x1024xf32, #tpu.memory_space<vmem>>, vector<1x1x16xf32>,
          %scan3A_796 = arith.constant 0 : i32
          %scan3A_797 = arith.constant 1 : i32
          %scan3A_798 = arith.addi %scan3A_720, %scan3A_797 : i32
          %mul3A_799 = arith.constant 16 : i32
          %mul3A_800 = arith.muli %scan3A_798, %mul3A_799 : i32
          %multiple_of3A_801 = tpu.assume_multiple %mul3A_800, 16 : i32
          %get3A_802 = arith.constant 1 : i32
          %get3A_803 = arith.index_cast %get3A_802 : i32 to index
          %get3A_804 = arith.index_cast %scan3A_710 : i32 to index
          %get3A_805 = arith.index_cast %multiple_of3A_801 : i32 to index
          %get3A_806 = tpu.vector_load %arg8[%get3A_803, %get3A_804, %get3A_805] {strides = array<i32>} : memref<2x8x1024xf32, #tpu.memory_space<vmem>>, vector<1x1x16xf32>,
          %get3A_807 = vector.shape_cast %get3A_806 : vector<1x1x16xf32> to vector<16xf32>
          %get3A_808 = arith.constant 4 : i32
          %get3A_809 = arith.index_cast %get3A_808 : i32 to index
          %get3A_810 = arith.index_cast %scan3A_710 : i32 to index
          %get3A_811 = arith.index_cast %multiple_of3A_801 : i32 to index
          %get3A_812 = tpu.vector_load %arg7[%get3A_809, %get3A_810, %get3A_811] {strides = array<i32>} : memref<8x8x1024xf32, #tpu.memory_space<vmem>>, vector<1x1x16xf32>,
          %get3A_813 = vector.shape_cast %get3A_812 : vector<1x1x16xf32> to vector<16xf32>
          %mul3A_814 = arith.constant 3.200000e+01 : f32
          %mul3A_815 = vector.broadcast %mul3A_814 : f32 to vector<16xf32>
          %mul3A_816 = arith.mulf %get3A_813, %mul3A_815 : vector<16xf32>
          %add3A_817 = arith.addf %mul3A_816, %get3A_807 : vector<16xf32>
          %swap3A_818 = arith.constant 4 : i32
          %swap3A_819 = arith.index_cast %swap3A_818 : i32 to index
          %swap3A_820 = arith.index_cast %scan3A_710 : i32 to index
          %swap3A_821 = arith.index_cast %multiple_of3A_801 : i32 to index
          %swap3A_822 = tpu.vector_load %arg7[%swap3A_819, %swap3A_820, %swap3A_821] {strides = array<i32>} : memref<8x8x1024xf32, #tpu.memory_space<vmem>>, vector<1x1x16xf32>,
          %swap3A_823 = vector.shape_cast %swap3A_822 : vector<1x1x16xf32> to vector<16xf32>
          %swap3A_824 = vector.shape_cast %add3A_817 : vector<16xf32> to vector<1x1x16xf32>
          tpu.vector_store %arg7[%swap3A_819, %swap3A_820, %swap3A_821], %swap3A_824 {strides = array<i32>} : memref<8x8x1024xf32, #tpu.memory_space<vmem>>, vector<1x1x16xf32>,
          %get3A_825 = arith.constant 5 : i32
          %get3A_826 = arith.index_cast %get3A_825 : i32 to index
          %get3A_827 = arith.index_cast %scan3A_710 : i32 to index
          %get3A_828 = arith.index_cast %multiple_of3A_801 : i32 to index
          %get3A_829 = tpu.vector_load %arg7[%get3A_826, %get3A_827, %get3A_828] {strides = array<i32>} : memref<8x8x1024xf32, #tpu.memory_space<vmem>>, vector<1x1x16xf32>,
          %get3A_830 = vector.shape_cast %get3A_829 : vector<1x1x16xf32> to vector<16xf32>
          %mul3A_831 = arith.constant 3.200000e+01 : f32
          %mul3A_832 = vector.broadcast %mul3A_831 : f32 to vector<16xf32>
          %mul3A_833 = arith.mulf %get3A_830, %mul3A_832 : vector<16xf32>
          %add3A_834 = arith.addf %mul3A_833, %get3A_807 : vector<16xf32>
          %swap3A_835 = arith.constant 5 : i32
          %swap3A_836 = arith.index_cast %swap3A_835 : i32 to index
          %swap3A_837 = arith.index_cast %scan3A_710 : i32 to index
          %swap3A_838 = arith.index_cast %multiple_of3A_801 : i32 to index
          %swap3A_839 = tpu.vector_load %arg7[%swap3A_836, %swap3A_837, %swap3A_838] {strides = array<i32>} : memref<8x8x1024xf32, #tpu.memory_space<vmem>>, vector<1x1x16xf32>,
          %swap3A_840 = vector.shape_cast %swap3A_839 : vector<1x1x16xf32> to vector<16xf32>
          %swap3A_841 = vector.shape_cast %add3A_834 : vector<16xf32> to vector<1x1x16xf32>
          tpu.vector_store %arg7[%swap3A_836, %swap3A_837, %swap3A_838], %swap3A_841 {strides = array<i32>} : memref<8x8x1024xf32, #tpu.memory_space<vmem>>, vector<1x1x16xf32>,
          %get3A_842 = arith.constant 6 : i32
          %get3A_843 = arith.index_cast %get3A_842 : i32 to index
          %get3A_844 = arith.index_cast %scan3A_710 : i32 to index
          %get3A_845 = arith.index_cast %multiple_of3A_801 : i32 to index
          %get3A_846 = tpu.vector_load %arg7[%get3A_843, %get3A_844, %get3A_845] {strides = array<i32>} : memref<8x8x1024xf32, #tpu.memory_space<vmem>>, vector<1x1x16xf32>,
          %get3A_847 = vector.shape_cast %get3A_846 : vector<1x1x16xf32> to vector<16xf32>
          %mul3A_848 = arith.constant 3.200000e+01 : f32
          %mul3A_849 = vector.broadcast %mul3A_848 : f32 to vector<16xf32>
          %mul3A_850 = arith.mulf %get3A_847, %mul3A_849 : vector<16xf32>
          %add3A_851 = arith.addf %mul3A_850, %get3A_807 : vector<16xf32>
          %swap3A_852 = arith.constant 6 : i32
          %swap3A_853 = arith.index_cast %swap3A_852 : i32 to index
          %swap3A_854 = arith.index_cast %scan3A_710 : i32 to index
          %swap3A_855 = arith.index_cast %multiple_of3A_801 : i32 to index
          %swap3A_856 = tpu.vector_load %arg7[%swap3A_853, %swap3A_854, %swap3A_855] {strides = array<i32>} : memref<8x8x1024xf32, #tpu.memory_space<vmem>>, vector<1x1x16xf32>,
          %swap3A_857 = vector.shape_cast %swap3A_856 : vector<1x1x16xf32> to vector<16xf32>
          %swap3A_858 = vector.shape_cast %add3A_851 : vector<16xf32> to vector<1x1x16xf32>
          tpu.vector_store %arg7[%swap3A_853, %swap3A_854, %swap3A_855], %swap3A_858 {strides = array<i32>} : memref<8x8x1024xf32, #tpu.memory_space<vmem>>, vector<1x1x16xf32>,
          %get3A_859 = arith.constant 7 : i32
          %get3A_860 = arith.index_cast %get3A_859 : i32 to index
          %get3A_861 = arith.index_cast %scan3A_710 : i32 to index
          %get3A_862 = arith.index_cast %multiple_of3A_801 : i32 to index
          %get3A_863 = tpu.vector_load %arg7[%get3A_860, %get3A_861, %get3A_862] {strides = array<i32>} : memref<8x8x1024xf32, #tpu.memory_space<vmem>>, vector<1x1x16xf32>,
          %get3A_864 = vector.shape_cast %get3A_863 : vector<1x1x16xf32> to vector<16xf32>
          %mul3A_865 = arith.constant 3.200000e+01 : f32
          %mul3A_866 = vector.broadcast %mul3A_865 : f32 to vector<16xf32>
          %mul3A_867 = arith.mulf %get3A_864, %mul3A_866 : vector<16xf32>
          %add3A_868 = arith.addf %mul3A_867, %get3A_807 : vector<16xf32>
          %swap3A_869 = arith.constant 7 : i32
          %swap3A_870 = arith.index_cast %swap3A_869 : i32 to index
          %swap3A_871 = arith.index_cast %scan3A_710 : i32 to index
          %swap3A_872 = arith.index_cast %multiple_of3A_801 : i32 to index
          %swap3A_873 = tpu.vector_load %arg7[%swap3A_870, %swap3A_871, %swap3A_872] {strides = array<i32>} : memref<8x8x1024xf32, #tpu.memory_space<vmem>>, vector<1x1x16xf32>,
          %swap3A_874 = vector.shape_cast %swap3A_873 : vector<1x1x16xf32> to vector<16xf32>
          %swap3A_875 = vector.shape_cast %add3A_868 : vector<16xf32> to vector<1x1x16xf32>
          tpu.vector_store %arg7[%swap3A_870, %swap3A_871, %swap3A_872], %swap3A_875 {strides = array<i32>} : memref<8x8x1024xf32, #tpu.memory_space<vmem>>, vector<1x1x16xf32>,
          %scan3A_876 = arith.constant 0 : i32
          %scan3A_877 = arith.constant 2 : i32
          %scan3A_878 = arith.addi %scan3A_720, %scan3A_877 : i32
          %mul3A_879 = arith.constant 16 : i32
          %mul3A_880 = arith.muli %scan3A_878, %mul3A_879 : i32
          %multiple_of3A_881 = tpu.assume_multiple %mul3A_880, 16 : i32
          %get3A_882 = arith.constant 1 : i32
          %get3A_883 = arith.index_cast %get3A_882 : i32 to index
          %get3A_884 = arith.index_cast %scan3A_710 : i32 to index
          %get3A_885 = arith.index_cast %multiple_of3A_881 : i32 to index
          %get3A_886 = tpu.vector_load %arg8[%get3A_883, %get3A_884, %get3A_885] {strides = array<i32>} : memref<2x8x1024xf32, #tpu.memory_space<vmem>>, vector<1x1x16xf32>,
          %get3A_887 = vector.shape_cast %get3A_886 : vector<1x1x16xf32> to vector<16xf32>
          %get3A_888 = arith.constant 4 : i32
          %get3A_889 = arith.index_cast %get3A_888 : i32 to index
          %get3A_890 = arith.index_cast %scan3A_710 : i32 to index
          %get3A_891 = arith.index_cast %multiple_of3A_881 : i32 to index
          %get3A_892 = tpu.vector_load %arg7[%get3A_889, %get3A_890, %get3A_891] {strides = array<i32>} : memref<8x8x1024xf32, #tpu.memory_space<vmem>>, vector<1x1x16xf32>,
          %get3A_893 = vector.shape_cast %get3A_892 : vector<1x1x16xf32> to vector<16xf32>
          %mul3A_894 = arith.constant 3.200000e+01 : f32
          %mul3A_895 = vector.broadcast %mul3A_894 : f32 to vector<16xf32>
          %mul3A_896 = arith.mulf %get3A_893, %mul3A_895 : vector<16xf32>
          %add3A_897 = arith.addf %mul3A_896, %get3A_887 : vector<16xf32>
          %swap3A_898 = arith.constant 4 : i32
          %swap3A_899 = arith.index_cast %swap3A_898 : i32 to index
          %swap3A_900 = arith.index_cast %scan3A_710 : i32 to index
          %swap3A_901 = arith.index_cast %multiple_of3A_881 : i32 to index
          %swap3A_902 = tpu.vector_load %arg7[%swap3A_899, %swap3A_900, %swap3A_901] {strides = array<i32>} : memref<8x8x1024xf32, #tpu.memory_space<vmem>>, vector<1x1x16xf32>,
          %swap3A_903 = vector.shape_cast %swap3A_902 : vector<1x1x16xf32> to vector<16xf32>
          %swap3A_904 = vector.shape_cast %add3A_897 : vector<16xf32> to vector<1x1x16xf32>
          tpu.vector_store %arg7[%swap3A_899, %swap3A_900, %swap3A_901], %swap3A_904 {strides = array<i32>} : memref<8x8x1024xf32, #tpu.memory_space<vmem>>, vector<1x1x16xf32>,
          %get3A_905 = arith.constant 5 : i32
          %get3A_906 = arith.index_cast %get3A_905 : i32 to index
          %get3A_907 = arith.index_cast %scan3A_710 : i32 to index
          %get3A_908 = arith.index_cast %multiple_of3A_881 : i32 to index
          %get3A_909 = tpu.vector_load %arg7[%get3A_906, %get3A_907, %get3A_908] {strides = array<i32>} : memref<8x8x1024xf32, #tpu.memory_space<vmem>>, vector<1x1x16xf32>,
          %get3A_910 = vector.shape_cast %get3A_909 : vector<1x1x16xf32> to vector<16xf32>
          %mul3A_911 = arith.constant 3.200000e+01 : f32
          %mul3A_912 = vector.broadcast %mul3A_911 : f32 to vector<16xf32>
          %mul3A_913 = arith.mulf %get3A_910, %mul3A_912 : vector<16xf32>
          %add3A_914 = arith.addf %mul3A_913, %get3A_887 : vector<16xf32>
          %swap3A_915 = arith.constant 5 : i32
          %swap3A_916 = arith.index_cast %swap3A_915 : i32 to index
          %swap3A_917 = arith.index_cast %scan3A_710 : i32 to index
          %swap3A_918 = arith.index_cast %multiple_of3A_881 : i32 to index
          %swap3A_919 = tpu.vector_load %arg7[%swap3A_916, %swap3A_917, %swap3A_918] {strides = array<i32>} : memref<8x8x1024xf32, #tpu.memory_space<vmem>>, vector<1x1x16xf32>,
          %swap3A_920 = vector.shape_cast %swap3A_919 : vector<1x1x16xf32> to vector<16xf32>
          %swap3A_921 = vector.shape_cast %add3A_914 : vector<16xf32> to vector<1x1x16xf32>
          tpu.vector_store %arg7[%swap3A_916, %swap3A_917, %swap3A_918], %swap3A_921 {strides = array<i32>} : memref<8x8x1024xf32, #tpu.memory_space<vmem>>, vector<1x1x16xf32>,
          %get3A_922 = arith.constant 6 : i32
          %get3A_923 = arith.index_cast %get3A_922 : i32 to index
          %get3A_924 = arith.index_cast %scan3A_710 : i32 to index
          %get3A_925 = arith.index_cast %multiple_of3A_881 : i32 to index
          %get3A_926 = tpu.vector_load %arg7[%get3A_923, %get3A_924, %get3A_925] {strides = array<i32>} : memref<8x8x1024xf32, #tpu.memory_space<vmem>>, vector<1x1x16xf32>,
          %get3A_927 = vector.shape_cast %get3A_926 : vector<1x1x16xf32> to vector<16xf32>
          %mul3A_928 = arith.constant 3.200000e+01 : f32
          %mul3A_929 = vector.broadcast %mul3A_928 : f32 to vector<16xf32>
          %mul3A_930 = arith.mulf %get3A_927, %mul3A_929 : vector<16xf32>
          %add3A_931 = arith.addf %mul3A_930, %get3A_887 : vector<16xf32>
          %swap3A_932 = arith.constant 6 : i32
          %swap3A_933 = arith.index_cast %swap3A_932 : i32 to index
          %swap3A_934 = arith.index_cast %scan3A_710 : i32 to index
          %swap3A_935 = arith.index_cast %multiple_of3A_881 : i32 to index
          %swap3A_936 = tpu.vector_load %arg7[%swap3A_933, %swap3A_934, %swap3A_935] {strides = array<i32>} : memref<8x8x1024xf32, #tpu.memory_space<vmem>>, vector<1x1x16xf32>,
          %swap3A_937 = vector.shape_cast %swap3A_936 : vector<1x1x16xf32> to vector<16xf32>
          %swap3A_938 = vector.shape_cast %add3A_931 : vector<16xf32> to vector<1x1x16xf32>
          tpu.vector_store %arg7[%swap3A_933, %swap3A_934, %swap3A_935], %swap3A_938 {strides = array<i32>} : memref<8x8x1024xf32, #tpu.memory_space<vmem>>, vector<1x1x16xf32>,
          %get3A_939 = arith.constant 7 : i32
          %get3A_940 = arith.index_cast %get3A_939 : i32 to index
          %get3A_941 = arith.index_cast %scan3A_710 : i32 to index
          %get3A_942 = arith.index_cast %multiple_of3A_881 : i32 to index
          %get3A_943 = tpu.vector_load %arg7[%get3A_940, %get3A_941, %get3A_942] {strides = array<i32>} : memref<8x8x1024xf32, #tpu.memory_space<vmem>>, vector<1x1x16xf32>,
          %get3A_944 = vector.shape_cast %get3A_943 : vector<1x1x16xf32> to vector<16xf32>
          %mul3A_945 = arith.constant 3.200000e+01 : f32
          %mul3A_946 = vector.broadcast %mul3A_945 : f32 to vector<16xf32>
          %mul3A_947 = arith.mulf %get3A_944, %mul3A_946 : vector<16xf32>
          %add3A_948 = arith.addf %mul3A_947, %get3A_887 : vector<16xf32>
          %swap3A_949 = arith.constant 7 : i32
          %swap3A_950 = arith.index_cast %swap3A_949 : i32 to index
          %swap3A_951 = arith.index_cast %scan3A_710 : i32 to index
          %swap3A_952 = arith.index_cast %multiple_of3A_881 : i32 to index
          %swap3A_953 = tpu.vector_load %arg7[%swap3A_950, %swap3A_951, %swap3A_952] {strides = array<i32>} : memref<8x8x1024xf32, #tpu.memory_space<vmem>>, vector<1x1x16xf32>,
          %swap3A_954 = vector.shape_cast %swap3A_953 : vector<1x1x16xf32> to vector<16xf32>
          %swap3A_955 = vector.shape_cast %add3A_948 : vector<16xf32> to vector<1x1x16xf32>
          tpu.vector_store %arg7[%swap3A_950, %swap3A_951, %swap3A_952], %swap3A_955 {strides = array<i32>} : memref<8x8x1024xf32, #tpu.memory_space<vmem>>, vector<1x1x16xf32>,
          %scan3A_956 = arith.constant 0 : i32
          %scan3A_957 = arith.constant 3 : i32
          %scan3A_958 = arith.addi %scan3A_720, %scan3A_957 : i32
          %mul3A_959 = arith.constant 16 : i32
          %mul3A_960 = arith.muli %scan3A_958, %mul3A_959 : i32
          %multiple_of3A_961 = tpu.assume_multiple %mul3A_960, 16 : i32
          %get3A_962 = arith.constant 1 : i32
          %get3A_963 = arith.index_cast %get3A_962 : i32 to index
          %get3A_964 = arith.index_cast %scan3A_710 : i32 to index
          %get3A_965 = arith.index_cast %multiple_of3A_961 : i32 to index
          %get3A_966 = tpu.vector_load %arg8[%get3A_963, %get3A_964, %get3A_965] {strides = array<i32>} : memref<2x8x1024xf32, #tpu.memory_space<vmem>>, vector<1x1x16xf32>,
          %get3A_967 = vector.shape_cast %get3A_966 : vector<1x1x16xf32> to vector<16xf32>
          %get3A_968 = arith.constant 4 : i32
          %get3A_969 = arith.index_cast %get3A_968 : i32 to index
          %get3A_970 = arith.index_cast %scan3A_710 : i32 to index
          %get3A_971 = arith.index_cast %multiple_of3A_961 : i32 to index
          %get3A_972 = tpu.vector_load %arg7[%get3A_969, %get3A_970, %get3A_971] {strides = array<i32>} : memref<8x8x1024xf32, #tpu.memory_space<vmem>>, vector<1x1x16xf32>,
          %get3A_973 = vector.shape_cast %get3A_972 : vector<1x1x16xf32> to vector<16xf32>
          %mul3A_974 = arith.constant 3.200000e+01 : f32
          %mul3A_975 = vector.broadcast %mul3A_974 : f32 to vector<16xf32>
          %mul3A_976 = arith.mulf %get3A_973, %mul3A_975 : vector<16xf32>
          %add3A_977 = arith.addf %mul3A_976, %get3A_967 : vector<16xf32>
          %swap3A_978 = arith.constant 4 : i32
          %swap3A_979 = arith.index_cast %swap3A_978 : i32 to index
          %swap3A_980 = arith.index_cast %scan3A_710 : i32 to index
          %swap3A_981 = arith.index_cast %multiple_of3A_961 : i32 to index
          %swap3A_982 = tpu.vector_load %arg7[%swap3A_979, %swap3A_980, %swap3A_981] {strides = array<i32>} : memref<8x8x1024xf32, #tpu.memory_space<vmem>>, vector<1x1x16xf32>,
          %swap3A_983 = vector.shape_cast %swap3A_982 : vector<1x1x16xf32> to vector<16xf32>
          %swap3A_984 = vector.shape_cast %add3A_977 : vector<16xf32> to vector<1x1x16xf32>
          tpu.vector_store %arg7[%swap3A_979, %swap3A_980, %swap3A_981], %swap3A_984 {strides = array<i32>} : memref<8x8x1024xf32, #tpu.memory_space<vmem>>, vector<1x1x16xf32>,
          %get3A_985 = arith.constant 5 : i32
          %get3A_986 = arith.index_cast %get3A_985 : i32 to index
          %get3A_987 = arith.index_cast %scan3A_710 : i32 to index
          %get3A_988 = arith.index_cast %multiple_of3A_961 : i32 to index
          %get3A_989 = tpu.vector_load %arg7[%get3A_986, %get3A_987, %get3A_988] {strides = array<i32>} : memref<8x8x1024xf32, #tpu.memory_space<vmem>>, vector<1x1x16xf32>,
          %get3A_990 = vector.shape_cast %get3A_989 : vector<1x1x16xf32> to vector<16xf32>
          %mul3A_991 = arith.constant 3.200000e+01 : f32
          %mul3A_992 = vector.broadcast %mul3A_991 : f32 to vector<16xf32>
          %mul3A_993 = arith.mulf %get3A_990, %mul3A_992 : vector<16xf32>
          %add3A_994 = arith.addf %mul3A_993, %get3A_967 : vector<16xf32>
          %swap3A_995 = arith.constant 5 : i32
          %swap3A_996 = arith.index_cast %swap3A_995 : i32 to index
          %swap3A_997 = arith.index_cast %scan3A_710 : i32 to index
          %swap3A_998 = arith.index_cast %multiple_of3A_961 : i32 to index
          %swap3A_999 = tpu.vector_load %arg7[%swap3A_996, %swap3A_997, %swap3A_998] {strides = array<i32>} : memref<8x8x1024xf32, #tpu.memory_space<vmem>>, vector<1x1x16xf32>,
          %swap3A_1000 = vector.shape_cast %swap3A_999 : vector<1x1x16xf32> to vector<16xf32>
          %swap3A_1001 = vector.shape_cast %add3A_994 : vector<16xf32> to vector<1x1x16xf32>
          tpu.vector_store %arg7[%swap3A_996, %swap3A_997, %swap3A_998], %swap3A_1001 {strides = array<i32>} : memref<8x8x1024xf32, #tpu.memory_space<vmem>>, vector<1x1x16xf32>,
          %get3A_1002 = arith.constant 6 : i32
          %get3A_1003 = arith.index_cast %get3A_1002 : i32 to index
          %get3A_1004 = arith.index_cast %scan3A_710 : i32 to index
          %get3A_1005 = arith.index_cast %multiple_of3A_961 : i32 to index
          %get3A_1006 = tpu.vector_load %arg7[%get3A_1003, %get3A_1004, %get3A_1005] {strides = array<i32>} : memref<8x8x1024xf32, #tpu.memory_space<vmem>>, vector<1x1x16xf32>,
          %get3A_1007 = vector.shape_cast %get3A_1006 : vector<1x1x16xf32> to vector<16xf32>
          %mul3A_1008 = arith.constant 3.200000e+01 : f32
          %mul3A_1009 = vector.broadcast %mul3A_1008 : f32 to vector<16xf32>
          %mul3A_1010 = arith.mulf %get3A_1007, %mul3A_1009 : vector<16xf32>
          %add3A_1011 = arith.addf %mul3A_1010, %get3A_967 : vector<16xf32>
          %swap3A_1012 = arith.constant 6 : i32
          %swap3A_1013 = arith.index_cast %swap3A_1012 : i32 to index
          %swap3A_1014 = arith.index_cast %scan3A_710 : i32 to index
          %swap3A_1015 = arith.index_cast %multiple_of3A_961 : i32 to index
          %swap3A_1016 = tpu.vector_load %arg7[%swap3A_1013, %swap3A_1014, %swap3A_1015] {strides = array<i32>} : memref<8x8x1024xf32, #tpu.memory_space<vmem>>, vector<1x1x16xf32>,
          %swap3A_1017 = vector.shape_cast %swap3A_1016 : vector<1x1x16xf32> to vector<16xf32>
          %swap3A_1018 = vector.shape_cast %add3A_1011 : vector<16xf32> to vector<1x1x16xf32>
          tpu.vector_store %arg7[%swap3A_1013, %swap3A_1014, %swap3A_1015], %swap3A_1018 {strides = array<i32>} : memref<8x8x1024xf32, #tpu.memory_space<vmem>>, vector<1x1x16xf32>,
          %get3A_1019 = arith.constant 7 : i32
          %get3A_1020 = arith.index_cast %get3A_1019 : i32 to index
          %get3A_1021 = arith.index_cast %scan3A_710 : i32 to index
          %get3A_1022 = arith.index_cast %multiple_of3A_961 : i32 to index
          %get3A_1023 = tpu.vector_load %arg7[%get3A_1020, %get3A_1021, %get3A_1022] {strides = array<i32>} : memref<8x8x1024xf32, #tpu.memory_space<vmem>>, vector<1x1x16xf32>,
          %get3A_1024 = vector.shape_cast %get3A_1023 : vector<1x1x16xf32> to vector<16xf32>
          %mul3A_1025 = arith.constant 3.200000e+01 : f32
          %mul3A_1026 = vector.broadcast %mul3A_1025 : f32 to vector<16xf32>
          %mul3A_1027 = arith.mulf %get3A_1024, %mul3A_1026 : vector<16xf32>
          %add3A_1028 = arith.addf %mul3A_1027, %get3A_967 : vector<16xf32>
          %swap3A_1029 = arith.constant 7 : i32
          %swap3A_1030 = arith.index_cast %swap3A_1029 : i32 to index
          %swap3A_1031 = arith.index_cast %scan3A_710 : i32 to index
          %swap3A_1032 = arith.index_cast %multiple_of3A_961 : i32 to index
          %swap3A_1033 = tpu.vector_load %arg7[%swap3A_1030, %swap3A_1031, %swap3A_1032] {strides = array<i32>} : memref<8x8x1024xf32, #tpu.memory_space<vmem>>, vector<1x1x16xf32>,
          %swap3A_1034 = vector.shape_cast %swap3A_1033 : vector<1x1x16xf32> to vector<16xf32>
          %swap3A_1035 = vector.shape_cast %add3A_1028 : vector<16xf32> to vector<1x1x16xf32>
          tpu.vector_store %arg7[%swap3A_1030, %swap3A_1031, %swap3A_1032], %swap3A_1035 {strides = array<i32>} : memref<8x8x1024xf32, #tpu.memory_space<vmem>>, vector<1x1x16xf32>,
          %scan3A_1036 = arith.constant 0 : i32
          %scan3A_1037 = arith.constant 4 : i32
          %scan3A_1038 = arith.addi %scan3A_720, %scan3A_1037 : i32
          %mul3A_1039 = arith.constant 16 : i32
          %mul3A_1040 = arith.muli %scan3A_1038, %mul3A_1039 : i32
          %multiple_of3A_1041 = tpu.assume_multiple %mul3A_1040, 16 : i32
          %get3A_1042 = arith.constant 1 : i32
          %get3A_1043 = arith.index_cast %get3A_1042 : i32 to index
          %get3A_1044 = arith.index_cast %scan3A_710 : i32 to index
          %get3A_1045 = arith.index_cast %multiple_of3A_1041 : i32 to index
          %get3A_1046 = tpu.vector_load %arg8[%get3A_1043, %get3A_1044, %get3A_1045] {strides = array<i32>} : memref<2x8x1024xf32, #tpu.memory_space<vmem>>, vector<1x1x16xf32>,
          %get3A_1047 = vector.shape_cast %get3A_1046 : vector<1x1x16xf32> to vector<16xf32>
          %get3A_1048 = arith.constant 4 : i32
          %get3A_1049 = arith.index_cast %get3A_1048 : i32 to index
          %get3A_1050 = arith.index_cast %scan3A_710 : i32 to index
          %get3A_1051 = arith.index_cast %multiple_of3A_1041 : i32 to index
          %get3A_1052 = tpu.vector_load %arg7[%get3A_1049, %get3A_1050, %get3A_1051] {strides = array<i32>} : memref<8x8x1024xf32, #tpu.memory_space<vmem>>, vector<1x1x16xf32>,
          %get3A_1053 = vector.shape_cast %get3A_1052 : vector<1x1x16xf32> to vector<16xf32>
          %mul3A_1054 = arith.constant 3.200000e+01 : f32
          %mul3A_1055 = vector.broadcast %mul3A_1054 : f32 to vector<16xf32>
          %mul3A_1056 = arith.mulf %get3A_1053, %mul3A_1055 : vector<16xf32>
          %add3A_1057 = arith.addf %mul3A_1056, %get3A_1047 : vector<16xf32>
          %swap3A_1058 = arith.constant 4 : i32
          %swap3A_1059 = arith.index_cast %swap3A_1058 : i32 to index
          %swap3A_1060 = arith.index_cast %scan3A_710 : i32 to index
          %swap3A_1061 = arith.index_cast %multiple_of3A_1041 : i32 to index
          %swap3A_1062 = tpu.vector_load %arg7[%swap3A_1059, %swap3A_1060, %swap3A_1061] {strides = array<i32>} : memref<8x8x1024xf32, #tpu.memory_space<vmem>>, vector<1x1x16xf32>,
          %swap3A_1063 = vector.shape_cast %swap3A_1062 : vector<1x1x16xf32> to vector<16xf32>
          %swap3A_1064 = vector.shape_cast %add3A_1057 : vector<16xf32> to vector<1x1x16xf32>
          tpu.vector_store %arg7[%swap3A_1059, %swap3A_1060, %swap3A_1061], %swap3A_1064 {strides = array<i32>} : memref<8x8x1024xf32, #tpu.memory_space<vmem>>, vector<1x1x16xf32>,
          %get3A_1065 = arith.constant 5 : i32
          %get3A_1066 = arith.index_cast %get3A_1065 : i32 to index
          %get3A_1067 = arith.index_cast %scan3A_710 : i32 to index
          %get3A_1068 = arith.index_cast %multiple_of3A_1041 : i32 to index
          %get3A_1069 = tpu.vector_load %arg7[%get3A_1066, %get3A_1067, %get3A_1068] {strides = array<i32>} : memref<8x8x1024xf32, #tpu.memory_space<vmem>>, vector<1x1x16xf32>,
          %get3A_1070 = vector.shape_cast %get3A_1069 : vector<1x1x16xf32> to vector<16xf32>
          %mul3A_1071 = arith.constant 3.200000e+01 : f32
          %mul3A_1072 = vector.broadcast %mul3A_1071 : f32 to vector<16xf32>
          %mul3A_1073 = arith.mulf %get3A_1070, %mul3A_1072 : vector<16xf32>
          %add3A_1074 = arith.addf %mul3A_1073, %get3A_1047 : vector<16xf32>
          %swap3A_1075 = arith.constant 5 : i32
          %swap3A_1076 = arith.index_cast %swap3A_1075 : i32 to index
          %swap3A_1077 = arith.index_cast %scan3A_710 : i32 to index
          %swap3A_1078 = arith.index_cast %multiple_of3A_1041 : i32 to index
          %swap3A_1079 = tpu.vector_load %arg7[%swap3A_1076, %swap3A_1077, %swap3A_1078] {strides = array<i32>} : memref<8x8x1024xf32, #tpu.memory_space<vmem>>, vector<1x1x16xf32>,
          %swap3A_1080 = vector.shape_cast %swap3A_1079 : vector<1x1x16xf32> to vector<16xf32>
          %swap3A_1081 = vector.shape_cast %add3A_1074 : vector<16xf32> to vector<1x1x16xf32>
          tpu.vector_store %arg7[%swap3A_1076, %swap3A_1077, %swap3A_1078], %swap3A_1081 {strides = array<i32>} : memref<8x8x1024xf32, #tpu.memory_space<vmem>>, vector<1x1x16xf32>,
          %get3A_1082 = arith.constant 6 : i32
          %get3A_1083 = arith.index_cast %get3A_1082 : i32 to index
          %get3A_1084 = arith.index_cast %scan3A_710 : i32 to index
          %get3A_1085 = arith.index_cast %multiple_of3A_1041 : i32 to index
          %get3A_1086 = tpu.vector_load %arg7[%get3A_1083, %get3A_1084, %get3A_1085] {strides = array<i32>} : memref<8x8x1024xf32, #tpu.memory_space<vmem>>, vector<1x1x16xf32>,
          %get3A_1087 = vector.shape_cast %get3A_1086 : vector<1x1x16xf32> to vector<16xf32>
          %mul3A_1088 = arith.constant 3.200000e+01 : f32
          %mul3A_1089 = vector.broadcast %mul3A_1088 : f32 to vector<16xf32>
          %mul3A_1090 = arith.mulf %get3A_1087, %mul3A_1089 : vector<16xf32>
          %add3A_1091 = arith.addf %mul3A_1090, %get3A_1047 : vector<16xf32>
          %swap3A_1092 = arith.constant 6 : i32
          %swap3A_1093 = arith.index_cast %swap3A_1092 : i32 to index
          %swap3A_1094 = arith.index_cast %scan3A_710 : i32 to index
          %swap3A_1095 = arith.index_cast %multiple_of3A_1041 : i32 to index
          %swap3A_1096 = tpu.vector_load %arg7[%swap3A_1093, %swap3A_1094, %swap3A_1095] {strides = array<i32>} : memref<8x8x1024xf32, #tpu.memory_space<vmem>>, vector<1x1x16xf32>,
          %swap3A_1097 = vector.shape_cast %swap3A_1096 : vector<1x1x16xf32> to vector<16xf32>
          %swap3A_1098 = vector.shape_cast %add3A_1091 : vector<16xf32> to vector<1x1x16xf32>
          tpu.vector_store %arg7[%swap3A_1093, %swap3A_1094, %swap3A_1095], %swap3A_1098 {strides = array<i32>} : memref<8x8x1024xf32, #tpu.memory_space<vmem>>, vector<1x1x16xf32>,
          %get3A_1099 = arith.constant 7 : i32
          %get3A_1100 = arith.index_cast %get3A_1099 : i32 to index
          %get3A_1101 = arith.index_cast %scan3A_710 : i32 to index
          %get3A_1102 = arith.index_cast %multiple_of3A_1041 : i32 to index
          %get3A_1103 = tpu.vector_load %arg7[%get3A_1100, %get3A_1101, %get3A_1102] {strides = array<i32>} : memref<8x8x1024xf32, #tpu.memory_space<vmem>>, vector<1x1x16xf32>,
          %get3A_1104 = vector.shape_cast %get3A_1103 : vector<1x1x16xf32> to vector<16xf32>
          %mul3A_1105 = arith.constant 3.200000e+01 : f32
          %mul3A_1106 = vector.broadcast %mul3A_1105 : f32 to vector<16xf32>
          %mul3A_1107 = arith.mulf %get3A_1104, %mul3A_1106 : vector<16xf32>
          %add3A_1108 = arith.addf %mul3A_1107, %get3A_1047 : vector<16xf32>
          %swap3A_1109 = arith.constant 7 : i32
          %swap3A_1110 = arith.index_cast %swap3A_1109 : i32 to index
          %swap3A_1111 = arith.index_cast %scan3A_710 : i32 to index
          %swap3A_1112 = arith.index_cast %multiple_of3A_1041 : i32 to index
          %swap3A_1113 = tpu.vector_load %arg7[%swap3A_1110, %swap3A_1111, %swap3A_1112] {strides = array<i32>} : memref<8x8x1024xf32, #tpu.memory_space<vmem>>, vector<1x1x16xf32>,
          %swap3A_1114 = vector.shape_cast %swap3A_1113 : vector<1x1x16xf32> to vector<16xf32>
          %swap3A_1115 = vector.shape_cast %add3A_1108 : vector<16xf32> to vector<1x1x16xf32>
          tpu.vector_store %arg7[%swap3A_1110, %swap3A_1111, %swap3A_1112], %swap3A_1115 {strides = array<i32>} : memref<8x8x1024xf32, #tpu.memory_space<vmem>>, vector<1x1x16xf32>,
          %scan3A_1116 = arith.constant 0 : i32
          %scan3A_1117 = arith.constant 5 : i32
          %scan3A_1118 = arith.addi %scan3A_720, %scan3A_1117 : i32
          %mul3A_1119 = arith.constant 16 : i32
          %mul3A_1120 = arith.muli %scan3A_1118, %mul3A_1119 : i32
          %multiple_of3A_1121 = tpu.assume_multiple %mul3A_1120, 16 : i32
          %get3A_1122 = arith.constant 1 : i32
          %get3A_1123 = arith.index_cast %get3A_1122 : i32 to index
          %get3A_1124 = arith.index_cast %scan3A_710 : i32 to index
          %get3A_1125 = arith.index_cast %multiple_of3A_1121 : i32 to index
          %get3A_1126 = tpu.vector_load %arg8[%get3A_1123, %get3A_1124, %get3A_1125] {strides = array<i32>} : memref<2x8x1024xf32, #tpu.memory_space<vmem>>, vector<1x1x16xf32>,
          %get3A_1127 = vector.shape_cast %get3A_1126 : vector<1x1x16xf32> to vector<16xf32>
          %get3A_1128 = arith.constant 4 : i32
          %get3A_1129 = arith.index_cast %get3A_1128 : i32 to index
          %get3A_1130 = arith.index_cast %scan3A_710 : i32 to index
          %get3A_1131 = arith.index_cast %multiple_of3A_1121 : i32 to index
          %get3A_1132 = tpu.vector_load %arg7[%get3A_1129, %get3A_1130, %get3A_1131] {strides = array<i32>} : memref<8x8x1024xf32, #tpu.memory_space<vmem>>, vector<1x1x16xf32>,
          %get3A_1133 = vector.shape_cast %get3A_1132 : vector<1x1x16xf32> to vector<16xf32>
          %mul3A_1134 = arith.constant 3.200000e+01 : f32
          %mul3A_1135 = vector.broadcast %mul3A_1134 : f32 to vector<16xf32>
          %mul3A_1136 = arith.mulf %get3A_1133, %mul3A_1135 : vector<16xf32>
          %add3A_1137 = arith.addf %mul3A_1136, %get3A_1127 : vector<16xf32>
          %swap3A_1138 = arith.constant 4 : i32
          %swap3A_1139 = arith.index_cast %swap3A_1138 : i32 to index
          %swap3A_1140 = arith.index_cast %scan3A_710 : i32 to index
          %swap3A_1141 = arith.index_cast %multiple_of3A_1121 : i32 to index
          %swap3A_1142 = tpu.vector_load %arg7[%swap3A_1139, %swap3A_1140, %swap3A_1141] {strides = array<i32>} : memref<8x8x1024xf32, #tpu.memory_space<vmem>>, vector<1x1x16xf32>,
          %swap3A_1143 = vector.shape_cast %swap3A_1142 : vector<1x1x16xf32> to vector<16xf32>
          %swap3A_1144 = vector.shape_cast %add3A_1137 : vector<16xf32> to vector<1x1x16xf32>
          tpu.vector_store %arg7[%swap3A_1139, %swap3A_1140, %swap3A_1141], %swap3A_1144 {strides = array<i32>} : memref<8x8x1024xf32, #tpu.memory_space<vmem>>, vector<1x1x16xf32>,
          %get3A_1145 = arith.constant 5 : i32
          %get3A_1146 = arith.index_cast %get3A_1145 : i32 to index
          %get3A_1147 = arith.index_cast %scan3A_710 : i32 to index
          %get3A_1148 = arith.index_cast %multiple_of3A_1121 : i32 to index
          %get3A_1149 = tpu.vector_load %arg7[%get3A_1146, %get3A_1147, %get3A_1148] {strides = array<i32>} : memref<8x8x1024xf32, #tpu.memory_space<vmem>>, vector<1x1x16xf32>,
          %get3A_1150 = vector.shape_cast %get3A_1149 : vector<1x1x16xf32> to vector<16xf32>
          %mul3A_1151 = arith.constant 3.200000e+01 : f32
          %mul3A_1152 = vector.broadcast %mul3A_1151 : f32 to vector<16xf32>
          %mul3A_1153 = arith.mulf %get3A_1150, %mul3A_1152 : vector<16xf32>
          %add3A_1154 = arith.addf %mul3A_1153, %get3A_1127 : vector<16xf32>
          %swap3A_1155 = arith.constant 5 : i32
          %swap3A_1156 = arith.index_cast %swap3A_1155 : i32 to index
          %swap3A_1157 = arith.index_cast %scan3A_710 : i32 to index
          %swap3A_1158 = arith.index_cast %multiple_of3A_1121 : i32 to index
          %swap3A_1159 = tpu.vector_load %arg7[%swap3A_1156, %swap3A_1157, %swap3A_1158] {strides = array<i32>} : memref<8x8x1024xf32, #tpu.memory_space<vmem>>, vector<1x1x16xf32>,
          %swap3A_1160 = vector.shape_cast %swap3A_1159 : vector<1x1x16xf32> to vector<16xf32>
          %swap3A_1161 = vector.shape_cast %add3A_1154 : vector<16xf32> to vector<1x1x16xf32>
          tpu.vector_store %arg7[%swap3A_1156, %swap3A_1157, %swap3A_1158], %swap3A_1161 {strides = array<i32>} : memref<8x8x1024xf32, #tpu.memory_space<vmem>>, vector<1x1x16xf32>,
          %get3A_1162 = arith.constant 6 : i32
          %get3A_1163 = arith.index_cast %get3A_1162 : i32 to index
          %get3A_1164 = arith.index_cast %scan3A_710 : i32 to index
          %get3A_1165 = arith.index_cast %multiple_of3A_1121 : i32 to index
          %get3A_1166 = tpu.vector_load %arg7[%get3A_1163, %get3A_1164, %get3A_1165] {strides = array<i32>} : memref<8x8x1024xf32, #tpu.memory_space<vmem>>, vector<1x1x16xf32>,
          %get3A_1167 = vector.shape_cast %get3A_1166 : vector<1x1x16xf32> to vector<16xf32>
          %mul3A_1168 = arith.constant 3.200000e+01 : f32
          %mul3A_1169 = vector.broadcast %mul3A_1168 : f32 to vector<16xf32>
          %mul3A_1170 = arith.mulf %get3A_1167, %mul3A_1169 : vector<16xf32>
          %add3A_1171 = arith.addf %mul3A_1170, %get3A_1127 : vector<16xf32>
          %swap3A_1172 = arith.constant 6 : i32
          %swap3A_1173 = arith.index_cast %swap3A_1172 : i32 to index
          %swap3A_1174 = arith.index_cast %scan3A_710 : i32 to index
          %swap3A_1175 = arith.index_cast %multiple_of3A_1121 : i32 to index
          %swap3A_1176 = tpu.vector_load %arg7[%swap3A_1173, %swap3A_1174, %swap3A_1175] {strides = array<i32>} : memref<8x8x1024xf32, #tpu.memory_space<vmem>>, vector<1x1x16xf32>,
          %swap3A_1177 = vector.shape_cast %swap3A_1176 : vector<1x1x16xf32> to vector<16xf32>
          %swap3A_1178 = vector.shape_cast %add3A_1171 : vector<16xf32> to vector<1x1x16xf32>
          tpu.vector_store %arg7[%swap3A_1173, %swap3A_1174, %swap3A_1175], %swap3A_1178 {strides = array<i32>} : memref<8x8x1024xf32, #tpu.memory_space<vmem>>, vector<1x1x16xf32>,
          %get3A_1179 = arith.constant 7 : i32
          %get3A_1180 = arith.index_cast %get3A_1179 : i32 to index
          %get3A_1181 = arith.index_cast %scan3A_710 : i32 to index
          %get3A_1182 = arith.index_cast %multiple_of3A_1121 : i32 to index
          %get3A_1183 = tpu.vector_load %arg7[%get3A_1180, %get3A_1181, %get3A_1182] {strides = array<i32>} : memref<8x8x1024xf32, #tpu.memory_space<vmem>>, vector<1x1x16xf32>,
          %get3A_1184 = vector.shape_cast %get3A_1183 : vector<1x1x16xf32> to vector<16xf32>
          %mul3A_1185 = arith.constant 3.200000e+01 : f32
          %mul3A_1186 = vector.broadcast %mul3A_1185 : f32 to vector<16xf32>
          %mul3A_1187 = arith.mulf %get3A_1184, %mul3A_1186 : vector<16xf32>
          %add3A_1188 = arith.addf %mul3A_1187, %get3A_1127 : vector<16xf32>
          %swap3A_1189 = arith.constant 7 : i32
          %swap3A_1190 = arith.index_cast %swap3A_1189 : i32 to index
          %swap3A_1191 = arith.index_cast %scan3A_710 : i32 to index
          %swap3A_1192 = arith.index_cast %multiple_of3A_1121 : i32 to index
          %swap3A_1193 = tpu.vector_load %arg7[%swap3A_1190, %swap3A_1191, %swap3A_1192] {strides = array<i32>} : memref<8x8x1024xf32, #tpu.memory_space<vmem>>, vector<1x1x16xf32>,
          %swap3A_1194 = vector.shape_cast %swap3A_1193 : vector<1x1x16xf32> to vector<16xf32>
          %swap3A_1195 = vector.shape_cast %add3A_1188 : vector<16xf32> to vector<1x1x16xf32>
          tpu.vector_store %arg7[%swap3A_1190, %swap3A_1191, %swap3A_1192], %swap3A_1195 {strides = array<i32>} : memref<8x8x1024xf32, #tpu.memory_space<vmem>>, vector<1x1x16xf32>,
          %scan3A_1196 = arith.constant 0 : i32
          %scan3A_1197 = arith.constant 6 : i32
          %scan3A_1198 = arith.addi %scan3A_720, %scan3A_1197 : i32
          %mul3A_1199 = arith.constant 16 : i32
          %mul3A_1200 = arith.muli %scan3A_1198, %mul3A_1199 : i32
          %multiple_of3A_1201 = tpu.assume_multiple %mul3A_1200, 16 : i32
          %get3A_1202 = arith.constant 1 : i32
          %get3A_1203 = arith.index_cast %get3A_1202 : i32 to index
          %get3A_1204 = arith.index_cast %scan3A_710 : i32 to index
          %get3A_1205 = arith.index_cast %multiple_of3A_1201 : i32 to index
          %get3A_1206 = tpu.vector_load %arg8[%get3A_1203, %get3A_1204, %get3A_1205] {strides = array<i32>} : memref<2x8x1024xf32, #tpu.memory_space<vmem>>, vector<1x1x16xf32>,
          %get3A_1207 = vector.shape_cast %get3A_1206 : vector<1x1x16xf32> to vector<16xf32>
          %get3A_1208 = arith.constant 4 : i32
          %get3A_1209 = arith.index_cast %get3A_1208 : i32 to index
          %get3A_1210 = arith.index_cast %scan3A_710 : i32 to index
          %get3A_1211 = arith.index_cast %multiple_of3A_1201 : i32 to index
          %get3A_1212 = tpu.vector_load %arg7[%get3A_1209, %get3A_1210, %get3A_1211] {strides = array<i32>} : memref<8x8x1024xf32, #tpu.memory_space<vmem>>, vector<1x1x16xf32>,
          %get3A_1213 = vector.shape_cast %get3A_1212 : vector<1x1x16xf32> to vector<16xf32>
          %mul3A_1214 = arith.constant 3.200000e+01 : f32
          %mul3A_1215 = vector.broadcast %mul3A_1214 : f32 to vector<16xf32>
          %mul3A_1216 = arith.mulf %get3A_1213, %mul3A_1215 : vector<16xf32>
          %add3A_1217 = arith.addf %mul3A_1216, %get3A_1207 : vector<16xf32>
          %swap3A_1218 = arith.constant 4 : i32
          %swap3A_1219 = arith.index_cast %swap3A_1218 : i32 to index
          %swap3A_1220 = arith.index_cast %scan3A_710 : i32 to index
          %swap3A_1221 = arith.index_cast %multiple_of3A_1201 : i32 to index
          %swap3A_1222 = tpu.vector_load %arg7[%swap3A_1219, %swap3A_1220, %swap3A_1221] {strides = array<i32>} : memref<8x8x1024xf32, #tpu.memory_space<vmem>>, vector<1x1x16xf32>,
          %swap3A_1223 = vector.shape_cast %swap3A_1222 : vector<1x1x16xf32> to vector<16xf32>
          %swap3A_1224 = vector.shape_cast %add3A_1217 : vector<16xf32> to vector<1x1x16xf32>
          tpu.vector_store %arg7[%swap3A_1219, %swap3A_1220, %swap3A_1221], %swap3A_1224 {strides = array<i32>} : memref<8x8x1024xf32, #tpu.memory_space<vmem>>, vector<1x1x16xf32>,
          %get3A_1225 = arith.constant 5 : i32
          %get3A_1226 = arith.index_cast %get3A_1225 : i32 to index
          %get3A_1227 = arith.index_cast %scan3A_710 : i32 to index
          %get3A_1228 = arith.index_cast %multiple_of3A_1201 : i32 to index
          %get3A_1229 = tpu.vector_load %arg7[%get3A_1226, %get3A_1227, %get3A_1228] {strides = array<i32>} : memref<8x8x1024xf32, #tpu.memory_space<vmem>>, vector<1x1x16xf32>,
          %get3A_1230 = vector.shape_cast %get3A_1229 : vector<1x1x16xf32> to vector<16xf32>
          %mul3A_1231 = arith.constant 3.200000e+01 : f32
          %mul3A_1232 = vector.broadcast %mul3A_1231 : f32 to vector<16xf32>
          %mul3A_1233 = arith.mulf %get3A_1230, %mul3A_1232 : vector<16xf32>
          %add3A_1234 = arith.addf %mul3A_1233, %get3A_1207 : vector<16xf32>
          %swap3A_1235 = arith.constant 5 : i32
          %swap3A_1236 = arith.index_cast %swap3A_1235 : i32 to index
          %swap3A_1237 = arith.index_cast %scan3A_710 : i32 to index
          %swap3A_1238 = arith.index_cast %multiple_of3A_1201 : i32 to index
          %swap3A_1239 = tpu.vector_load %arg7[%swap3A_1236, %swap3A_1237, %swap3A_1238] {strides = array<i32>} : memref<8x8x1024xf32, #tpu.memory_space<vmem>>, vector<1x1x16xf32>,
          %swap3A_1240 = vector.shape_cast %swap3A_1239 : vector<1x1x16xf32> to vector<16xf32>
          %swap3A_1241 = vector.shape_cast %add3A_1234 : vector<16xf32> to vector<1x1x16xf32>
          tpu.vector_store %arg7[%swap3A_1236, %swap3A_1237, %swap3A_1238], %swap3A_1241 {strides = array<i32>} : memref<8x8x1024xf32, #tpu.memory_space<vmem>>, vector<1x1x16xf32>,
          %get3A_1242 = arith.constant 6 : i32
          %get3A_1243 = arith.index_cast %get3A_1242 : i32 to index
          %get3A_1244 = arith.index_cast %scan3A_710 : i32 to index
          %get3A_1245 = arith.index_cast %multiple_of3A_1201 : i32 to index
          %get3A_1246 = tpu.vector_load %arg7[%get3A_1243, %get3A_1244, %get3A_1245] {strides = array<i32>} : memref<8x8x1024xf32, #tpu.memory_space<vmem>>, vector<1x1x16xf32>,
          %get3A_1247 = vector.shape_cast %get3A_1246 : vector<1x1x16xf32> to vector<16xf32>
          %mul3A_1248 = arith.constant 3.200000e+01 : f32
          %mul3A_1249 = vector.broadcast %mul3A_1248 : f32 to vector<16xf32>
          %mul3A_1250 = arith.mulf %get3A_1247, %mul3A_1249 : vector<16xf32>
          %add3A_1251 = arith.addf %mul3A_1250, %get3A_1207 : vector<16xf32>
          %swap3A_1252 = arith.constant 6 : i32
          %swap3A_1253 = arith.index_cast %swap3A_1252 : i32 to index
          %swap3A_1254 = arith.index_cast %scan3A_710 : i32 to index
          %swap3A_1255 = arith.index_cast %multiple_of3A_1201 : i32 to index
          %swap3A_1256 = tpu.vector_load %arg7[%swap3A_1253, %swap3A_1254, %swap3A_1255] {strides = array<i32>} : memref<8x8x1024xf32, #tpu.memory_space<vmem>>, vector<1x1x16xf32>,
          %swap3A_1257 = vector.shape_cast %swap3A_1256 : vector<1x1x16xf32> to vector<16xf32>
          %swap3A_1258 = vector.shape_cast %add3A_1251 : vector<16xf32> to vector<1x1x16xf32>
          tpu.vector_store %arg7[%swap3A_1253, %swap3A_1254, %swap3A_1255], %swap3A_1258 {strides = array<i32>} : memref<8x8x1024xf32, #tpu.memory_space<vmem>>, vector<1x1x16xf32>,
          %get3A_1259 = arith.constant 7 : i32
          %get3A_1260 = arith.index_cast %get3A_1259 : i32 to index
          %get3A_1261 = arith.index_cast %scan3A_710 : i32 to index
          %get3A_1262 = arith.index_cast %multiple_of3A_1201 : i32 to index
          %get3A_1263 = tpu.vector_load %arg7[%get3A_1260, %get3A_1261, %get3A_1262] {strides = array<i32>} : memref<8x8x1024xf32, #tpu.memory_space<vmem>>, vector<1x1x16xf32>,
          %get3A_1264 = vector.shape_cast %get3A_1263 : vector<1x1x16xf32> to vector<16xf32>
          %mul3A_1265 = arith.constant 3.200000e+01 : f32
          %mul3A_1266 = vector.broadcast %mul3A_1265 : f32 to vector<16xf32>
          %mul3A_1267 = arith.mulf %get3A_1264, %mul3A_1266 : vector<16xf32>
          %add3A_1268 = arith.addf %mul3A_1267, %get3A_1207 : vector<16xf32>
          %swap3A_1269 = arith.constant 7 : i32
          %swap3A_1270 = arith.index_cast %swap3A_1269 : i32 to index
          %swap3A_1271 = arith.index_cast %scan3A_710 : i32 to index
          %swap3A_1272 = arith.index_cast %multiple_of3A_1201 : i32 to index
          %swap3A_1273 = tpu.vector_load %arg7[%swap3A_1270, %swap3A_1271, %swap3A_1272] {strides = array<i32>} : memref<8x8x1024xf32, #tpu.memory_space<vmem>>, vector<1x1x16xf32>,
          %swap3A_1274 = vector.shape_cast %swap3A_1273 : vector<1x1x16xf32> to vector<16xf32>
          %swap3A_1275 = vector.shape_cast %add3A_1268 : vector<16xf32> to vector<1x1x16xf32>
          tpu.vector_store %arg7[%swap3A_1270, %swap3A_1271, %swap3A_1272], %swap3A_1275 {strides = array<i32>} : memref<8x8x1024xf32, #tpu.memory_space<vmem>>, vector<1x1x16xf32>,
          %scan3A_1276 = arith.constant 0 : i32
          %scan3A_1277 = arith.constant 7 : i32
          %scan3A_1278 = arith.addi %scan3A_720, %scan3A_1277 : i32
          %mul3A_1279 = arith.constant 16 : i32
          %mul3A_1280 = arith.muli %scan3A_1278, %mul3A_1279 : i32
          %multiple_of3A_1281 = tpu.assume_multiple %mul3A_1280, 16 : i32
          %get3A_1282 = arith.constant 1 : i32
          %get3A_1283 = arith.index_cast %get3A_1282 : i32 to index
          %get3A_1284 = arith.index_cast %scan3A_710 : i32 to index
          %get3A_1285 = arith.index_cast %multiple_of3A_1281 : i32 to index
          %get3A_1286 = tpu.vector_load %arg8[%get3A_1283, %get3A_1284, %get3A_1285] {strides = array<i32>} : memref<2x8x1024xf32, #tpu.memory_space<vmem>>, vector<1x1x16xf32>,
          %get3A_1287 = vector.shape_cast %get3A_1286 : vector<1x1x16xf32> to vector<16xf32>
          %get3A_1288 = arith.constant 4 : i32
          %get3A_1289 = arith.index_cast %get3A_1288 : i32 to index
          %get3A_1290 = arith.index_cast %scan3A_710 : i32 to index
          %get3A_1291 = arith.index_cast %multiple_of3A_1281 : i32 to index
          %get3A_1292 = tpu.vector_load %arg7[%get3A_1289, %get3A_1290, %get3A_1291] {strides = array<i32>} : memref<8x8x1024xf32, #tpu.memory_space<vmem>>, vector<1x1x16xf32>,
          %get3A_1293 = vector.shape_cast %get3A_1292 : vector<1x1x16xf32> to vector<16xf32>
          %mul3A_1294 = arith.constant 3.200000e+01 : f32
          %mul3A_1295 = vector.broadcast %mul3A_1294 : f32 to vector<16xf32>
          %mul3A_1296 = arith.mulf %get3A_1293, %mul3A_1295 : vector<16xf32>
          %add3A_1297 = arith.addf %mul3A_1296, %get3A_1287 : vector<16xf32>
          %swap3A_1298 = arith.constant 4 : i32
          %swap3A_1299 = arith.index_cast %swap3A_1298 : i32 to index
          %swap3A_1300 = arith.index_cast %scan3A_710 : i32 to index
          %swap3A_1301 = arith.index_cast %multiple_of3A_1281 : i32 to index
          %swap3A_1302 = tpu.vector_load %arg7[%swap3A_1299, %swap3A_1300, %swap3A_1301] {strides = array<i32>} : memref<8x8x1024xf32, #tpu.memory_space<vmem>>, vector<1x1x16xf32>,
          %swap3A_1303 = vector.shape_cast %swap3A_1302 : vector<1x1x16xf32> to vector<16xf32>
          %swap3A_1304 = vector.shape_cast %add3A_1297 : vector<16xf32> to vector<1x1x16xf32>
          tpu.vector_store %arg7[%swap3A_1299, %swap3A_1300, %swap3A_1301], %swap3A_1304 {strides = array<i32>} : memref<8x8x1024xf32, #tpu.memory_space<vmem>>, vector<1x1x16xf32>,
          %get3A_1305 = arith.constant 5 : i32
          %get3A_1306 = arith.index_cast %get3A_1305 : i32 to index
          %get3A_1307 = arith.index_cast %scan3A_710 : i32 to index
          %get3A_1308 = arith.index_cast %multiple_of3A_1281 : i32 to index
          %get3A_1309 = tpu.vector_load %arg7[%get3A_1306, %get3A_1307, %get3A_1308] {strides = array<i32>} : memref<8x8x1024xf32, #tpu.memory_space<vmem>>, vector<1x1x16xf32>,
          %get3A_1310 = vector.shape_cast %get3A_1309 : vector<1x1x16xf32> to vector<16xf32>
          %mul3A_1311 = arith.constant 3.200000e+01 : f32
          %mul3A_1312 = vector.broadcast %mul3A_1311 : f32 to vector<16xf32>
          %mul3A_1313 = arith.mulf %get3A_1310, %mul3A_1312 : vector<16xf32>
          %add3A_1314 = arith.addf %mul3A_1313, %get3A_1287 : vector<16xf32>
          %swap3A_1315 = arith.constant 5 : i32
          %swap3A_1316 = arith.index_cast %swap3A_1315 : i32 to index
          %swap3A_1317 = arith.index_cast %scan3A_710 : i32 to index
          %swap3A_1318 = arith.index_cast %multiple_of3A_1281 : i32 to index
          %swap3A_1319 = tpu.vector_load %arg7[%swap3A_1316, %swap3A_1317, %swap3A_1318] {strides = array<i32>} : memref<8x8x1024xf32, #tpu.memory_space<vmem>>, vector<1x1x16xf32>,
          %swap3A_1320 = vector.shape_cast %swap3A_1319 : vector<1x1x16xf32> to vector<16xf32>
          %swap3A_1321 = vector.shape_cast %add3A_1314 : vector<16xf32> to vector<1x1x16xf32>
          tpu.vector_store %arg7[%swap3A_1316, %swap3A_1317, %swap3A_1318], %swap3A_1321 {strides = array<i32>} : memref<8x8x1024xf32, #tpu.memory_space<vmem>>, vector<1x1x16xf32>,
          %get3A_1322 = arith.constant 6 : i32
          %get3A_1323 = arith.index_cast %get3A_1322 : i32 to index
          %get3A_1324 = arith.index_cast %scan3A_710 : i32 to index
          %get3A_1325 = arith.index_cast %multiple_of3A_1281 : i32 to index
          %get3A_1326 = tpu.vector_load %arg7[%get3A_1323, %get3A_1324, %get3A_1325] {strides = array<i32>} : memref<8x8x1024xf32, #tpu.memory_space<vmem>>, vector<1x1x16xf32>,
          %get3A_1327 = vector.shape_cast %get3A_1326 : vector<1x1x16xf32> to vector<16xf32>
          %mul3A_1328 = arith.constant 3.200000e+01 : f32
          %mul3A_1329 = vector.broadcast %mul3A_1328 : f32 to vector<16xf32>
          %mul3A_1330 = arith.mulf %get3A_1327, %mul3A_1329 : vector<16xf32>
          %add3A_1331 = arith.addf %mul3A_1330, %get3A_1287 : vector<16xf32>
          %swap3A_1332 = arith.constant 6 : i32
          %swap3A_1333 = arith.index_cast %swap3A_1332 : i32 to index
          %swap3A_1334 = arith.index_cast %scan3A_710 : i32 to index
          %swap3A_1335 = arith.index_cast %multiple_of3A_1281 : i32 to index
          %swap3A_1336 = tpu.vector_load %arg7[%swap3A_1333, %swap3A_1334, %swap3A_1335] {strides = array<i32>} : memref<8x8x1024xf32, #tpu.memory_space<vmem>>, vector<1x1x16xf32>,
          %swap3A_1337 = vector.shape_cast %swap3A_1336 : vector<1x1x16xf32> to vector<16xf32>
          %swap3A_1338 = vector.shape_cast %add3A_1331 : vector<16xf32> to vector<1x1x16xf32>
          tpu.vector_store %arg7[%swap3A_1333, %swap3A_1334, %swap3A_1335], %swap3A_1338 {strides = array<i32>} : memref<8x8x1024xf32, #tpu.memory_space<vmem>>, vector<1x1x16xf32>,
          %get3A_1339 = arith.constant 7 : i32
          %get3A_1340 = arith.index_cast %get3A_1339 : i32 to index
          %get3A_1341 = arith.index_cast %scan3A_710 : i32 to index
          %get3A_1342 = arith.index_cast %multiple_of3A_1281 : i32 to index
          %get3A_1343 = tpu.vector_load %arg7[%get3A_1340, %get3A_1341, %get3A_1342] {strides = array<i32>} : memref<8x8x1024xf32, #tpu.memory_space<vmem>>, vector<1x1x16xf32>,
          %get3A_1344 = vector.shape_cast %get3A_1343 : vector<1x1x16xf32> to vector<16xf32>
          %mul3A_1345 = arith.constant 3.200000e+01 : f32
          %mul3A_1346 = vector.broadcast %mul3A_1345 : f32 to vector<16xf32>
          %mul3A_1347 = arith.mulf %get3A_1344, %mul3A_1346 : vector<16xf32>
          %add3A_1348 = arith.addf %mul3A_1347, %get3A_1287 : vector<16xf32>
          %swap3A_1349 = arith.constant 7 : i32
          %swap3A_1350 = arith.index_cast %swap3A_1349 : i32 to index
          %swap3A_1351 = arith.index_cast %scan3A_710 : i32 to index
          %swap3A_1352 = arith.index_cast %multiple_of3A_1281 : i32 to index
          %swap3A_1353 = tpu.vector_load %arg7[%swap3A_1350, %swap3A_1351, %swap3A_1352] {strides = array<i32>} : memref<8x8x1024xf32, #tpu.memory_space<vmem>>, vector<1x1x16xf32>,
          %swap3A_1354 = vector.shape_cast %swap3A_1353 : vector<1x1x16xf32> to vector<16xf32>
          %swap3A_1355 = vector.shape_cast %add3A_1348 : vector<16xf32> to vector<1x1x16xf32>
          tpu.vector_store %arg7[%swap3A_1350, %swap3A_1351, %swap3A_1352], %swap3A_1355 {strides = array<i32>} : memref<8x8x1024xf32, #tpu.memory_space<vmem>>, vector<1x1x16xf32>,
          %scan3A_1356 = arith.constant 0 : i32
          scf.yield %scan3A_1356 : i32
        }
        %scan3A_718 = arith.constant 64 : i32
        %scan3A_719 = arith.constant 0 : i32
        scf.yield %scan3A_719 : i32
      }
      %scan3A_617 = arith.constant 8 : i32
      %add3A_618 = arith.constant 0 : i32
      %add3A_619 = arith.addi %add3A_618, %mul3A_2 : i32
      %mul3A_620 = arith.constant 8 : i32
      %mul3A_621 = arith.muli %add3A_420, %mul3A_620 : i32
      %add3A_622 = arith.addi %add3A_619, %mul3A_621 : i32
      %dma_start3A_623 = arith.constant 4 : i32
      %dma_start3A_624 = arith.constant 4 : i32
      %dma_start3A_625 = arith.constant 0 : i32
      %dma_start3A_626 = arith.constant 0 : i32
      %dma_start3A_627 = tpu.memref_slice %arg7[%dma_start3A_623, %dma_start3A_625, %dma_start3A_626] : memref<8x8x1024xf32, #tpu.memory_space<vmem>> -> memref<1x8x1024xf32, #tpu.memory_space<vmem>>
      %dma_start3A_628 = tpu.memref_squeeze %dma_start3A_627 : memref<1x8x1024xf32, #tpu.memory_space<vmem>> -> memref<8x1024xf32, #tpu.memory_space<vmem>>
      %dma_start3A_629 = arith.constant 0 : i32
      %dma_start3A_630 = tpu.memref_slice %arg5[%add3A_622, %dma_start3A_629] : memref<16384x1024xf32, #tpu.memory_space<hbm>> -> memref<8x1024xf32, #tpu.memory_space<hbm>>
      %dma_start3A_631 = tpu.memref_slice %arg10[%dma_start3A_624] : memref<8x!tpu.dma_semaphore, #tpu.memory_space<semaphore_mem>> -> memref<1x!tpu.dma_semaphore, #tpu.memory_space<semaphore_mem>>
      %dma_start3A_632 = tpu.memref_squeeze %dma_start3A_631 : memref<1x!tpu.dma_semaphore, #tpu.memory_space<semaphore_mem>> -> memref<!tpu.dma_semaphore, #tpu.memory_space<semaphore_mem>>
      %dma_start3A_633 = arith.constant 0 : i32
      %dma_start3A_634 = tpu.memref_slice %arg5[%add3A_622, %dma_start3A_633] : memref<16384x1024xf32, #tpu.memory_space<hbm>> -> memref<8x1024xf32, #tpu.memory_space<hbm>>
      %dma_start3A_635 = arith.constant 0 : i32
      %dma_start3A_636 = arith.constant 0 : i32
      %dma_start3A_637 = tpu.memref_slice %arg7[%dma_start3A_623, %dma_start3A_635, %dma_start3A_636] : memref<8x8x1024xf32, #tpu.memory_space<vmem>> -> memref<1x8x1024xf32, #tpu.memory_space<vmem>>
      %dma_start3A_638 = tpu.memref_squeeze %dma_start3A_637 : memref<1x8x1024xf32, #tpu.memory_space<vmem>> -> memref<8x1024xf32, #tpu.memory_space<vmem>>
      tpu.enqueue_dma source(%dma_start3A_638 : memref<8x1024xf32, #tpu.memory_space<vmem>>) target(%dma_start3A_634 : memref<8x1024xf32, #tpu.memory_space<hbm>>) target_semaphore(%dma_start3A_632 : memref<!tpu.dma_semaphore, #tpu.memory_space<semaphore_mem>>)
      %add3A_639 = arith.constant 4096 : i32
      %add3A_640 = arith.addi %add3A_639, %mul3A_2 : i32
      %mul3A_641 = arith.constant 8 : i32
      %mul3A_642 = arith.muli %add3A_420, %mul3A_641 : i32
      %add3A_643 = arith.addi %add3A_640, %mul3A_642 : i32
      %dma_start3A_644 = arith.constant 5 : i32
      %dma_start3A_645 = arith.constant 5 : i32
      %dma_start3A_646 = arith.constant 0 : i32
      %dma_start3A_647 = arith.constant 0 : i32
      %dma_start3A_648 = tpu.memref_slice %arg7[%dma_start3A_644, %dma_start3A_646, %dma_start3A_647] : memref<8x8x1024xf32, #tpu.memory_space<vmem>> -> memref<1x8x1024xf32, #tpu.memory_space<vmem>>
      %dma_start3A_649 = tpu.memref_squeeze %dma_start3A_648 : memref<1x8x1024xf32, #tpu.memory_space<vmem>> -> memref<8x1024xf32, #tpu.memory_space<vmem>>
      %dma_start3A_650 = arith.constant 0 : i32
      %dma_start3A_651 = tpu.memref_slice %arg5[%add3A_643, %dma_start3A_650] : memref<16384x1024xf32, #tpu.memory_space<hbm>> -> memref<8x1024xf32, #tpu.memory_space<hbm>>
      %dma_start3A_652 = tpu.memref_slice %arg10[%dma_start3A_645] : memref<8x!tpu.dma_semaphore, #tpu.memory_space<semaphore_mem>> -> memref<1x!tpu.dma_semaphore, #tpu.memory_space<semaphore_mem>>
      %dma_start3A_653 = tpu.memref_squeeze %dma_start3A_652 : memref<1x!tpu.dma_semaphore, #tpu.memory_space<semaphore_mem>> -> memref<!tpu.dma_semaphore, #tpu.memory_space<semaphore_mem>>
      %dma_start3A_654 = arith.constant 0 : i32
      %dma_start3A_655 = tpu.memref_slice %arg5[%add3A_643, %dma_start3A_654] : memref<16384x1024xf32, #tpu.memory_space<hbm>> -> memref<8x1024xf32, #tpu.memory_space<hbm>>
      %dma_start3A_656 = arith.constant 0 : i32
      %dma_start3A_657 = arith.constant 0 : i32
      %dma_start3A_658 = tpu.memref_slice %arg7[%dma_start3A_644, %dma_start3A_656, %dma_start3A_657] : memref<8x8x1024xf32, #tpu.memory_space<vmem>> -> memref<1x8x1024xf32, #tpu.memory_space<vmem>>
      %dma_start3A_659 = tpu.memref_squeeze %dma_start3A_658 : memref<1x8x1024xf32, #tpu.memory_space<vmem>> -> memref<8x1024xf32, #tpu.memory_space<vmem>>
      tpu.enqueue_dma source(%dma_start3A_659 : memref<8x1024xf32, #tpu.memory_space<vmem>>) target(%dma_start3A_655 : memref<8x1024xf32, #tpu.memory_space<hbm>>) target_semaphore(%dma_start3A_653 : memref<!tpu.dma_semaphore, #tpu.memory_space<semaphore_mem>>)
      %add3A_660 = arith.constant 8192 : i32
      %add3A_661 = arith.addi %add3A_660, %mul3A_2 : i32
      %mul3A_662 = arith.constant 8 : i32
      %mul3A_663 = arith.muli %add3A_420, %mul3A_662 : i32
      %add3A_664 = arith.addi %add3A_661, %mul3A_663 : i32
      %dma_start3A_665 = arith.constant 6 : i32
      %dma_start3A_666 = arith.constant 6 : i32
      %dma_start3A_667 = arith.constant 0 : i32
      %dma_start3A_668 = arith.constant 0 : i32
      %dma_start3A_669 = tpu.memref_slice %arg7[%dma_start3A_665, %dma_start3A_667, %dma_start3A_668] : memref<8x8x1024xf32, #tpu.memory_space<vmem>> -> memref<1x8x1024xf32, #tpu.memory_space<vmem>>
      %dma_start3A_670 = tpu.memref_squeeze %dma_start3A_669 : memref<1x8x1024xf32, #tpu.memory_space<vmem>> -> memref<8x1024xf32, #tpu.memory_space<vmem>>
      %dma_start3A_671 = arith.constant 0 : i32
      %dma_start3A_672 = tpu.memref_slice %arg5[%add3A_664, %dma_start3A_671] : memref<16384x1024xf32, #tpu.memory_space<hbm>> -> memref<8x1024xf32, #tpu.memory_space<hbm>>
      %dma_start3A_673 = tpu.memref_slice %arg10[%dma_start3A_666] : memref<8x!tpu.dma_semaphore, #tpu.memory_space<semaphore_mem>> -> memref<1x!tpu.dma_semaphore, #tpu.memory_space<semaphore_mem>>
      %dma_start3A_674 = tpu.memref_squeeze %dma_start3A_673 : memref<1x!tpu.dma_semaphore, #tpu.memory_space<semaphore_mem>> -> memref<!tpu.dma_semaphore, #tpu.memory_space<semaphore_mem>>
      %dma_start3A_675 = arith.constant 0 : i32
      %dma_start3A_676 = tpu.memref_slice %arg5[%add3A_664, %dma_start3A_675] : memref<16384x1024xf32, #tpu.memory_space<hbm>> -> memref<8x1024xf32, #tpu.memory_space<hbm>>
      %dma_start3A_677 = arith.constant 0 : i32
      %dma_start3A_678 = arith.constant 0 : i32
      %dma_start3A_679 = tpu.memref_slice %arg7[%dma_start3A_665, %dma_start3A_677, %dma_start3A_678] : memref<8x8x1024xf32, #tpu.memory_space<vmem>> -> memref<1x8x1024xf32, #tpu.memory_space<vmem>>
      %dma_start3A_680 = tpu.memref_squeeze %dma_start3A_679 : memref<1x8x1024xf32, #tpu.memory_space<vmem>> -> memref<8x1024xf32, #tpu.memory_space<vmem>>
      tpu.enqueue_dma source(%dma_start3A_680 : memref<8x1024xf32, #tpu.memory_space<vmem>>) target(%dma_start3A_676 : memref<8x1024xf32, #tpu.memory_space<hbm>>) target_semaphore(%dma_start3A_674 : memref<!tpu.dma_semaphore, #tpu.memory_space<semaphore_mem>>)
      %add3A_681 = arith.constant 12288 : i32
      %add3A_682 = arith.addi %add3A_681, %mul3A_2 : i32
      %mul3A_683 = arith.constant 8 : i32
      %mul3A_684 = arith.muli %add3A_420, %mul3A_683 : i32
      %add3A_685 = arith.addi %add3A_682, %mul3A_684 : i32
      %dma_start3A_686 = arith.constant 7 : i32
      %dma_start3A_687 = arith.constant 7 : i32
      %dma_start3A_688 = arith.constant 0 : i32
      %dma_start3A_689 = arith.constant 0 : i32
      %dma_start3A_690 = tpu.memref_slice %arg7[%dma_start3A_686, %dma_start3A_688, %dma_start3A_689] : memref<8x8x1024xf32, #tpu.memory_space<vmem>> -> memref<1x8x1024xf32, #tpu.memory_space<vmem>>
      %dma_start3A_691 = tpu.memref_squeeze %dma_start3A_690 : memref<1x8x1024xf32, #tpu.memory_space<vmem>> -> memref<8x1024xf32, #tpu.memory_space<vmem>>
      %dma_start3A_692 = arith.constant 0 : i32
      %dma_start3A_693 = tpu.memref_slice %arg5[%add3A_685, %dma_start3A_692] : memref<16384x1024xf32, #tpu.memory_space<hbm>> -> memref<8x1024xf32, #tpu.memory_space<hbm>>
      %dma_start3A_694 = tpu.memref_slice %arg10[%dma_start3A_687] : memref<8x!tpu.dma_semaphore, #tpu.memory_space<semaphore_mem>> -> memref<1x!tpu.dma_semaphore, #tpu.memory_space<semaphore_mem>>
      %dma_start3A_695 = tpu.memref_squeeze %dma_start3A_694 : memref<1x!tpu.dma_semaphore, #tpu.memory_space<semaphore_mem>> -> memref<!tpu.dma_semaphore, #tpu.memory_space<semaphore_mem>>
      %dma_start3A_696 = arith.constant 0 : i32
      %dma_start3A_697 = tpu.memref_slice %arg5[%add3A_685, %dma_start3A_696] : memref<16384x1024xf32, #tpu.memory_space<hbm>> -> memref<8x1024xf32, #tpu.memory_space<hbm>>
      %dma_start3A_698 = arith.constant 0 : i32
      %dma_start3A_699 = arith.constant 0 : i32
      %dma_start3A_700 = tpu.memref_slice %arg7[%dma_start3A_686, %dma_start3A_698, %dma_start3A_699] : memref<8x8x1024xf32, #tpu.memory_space<vmem>> -> memref<1x8x1024xf32, #tpu.memory_space<vmem>>
      %dma_start3A_701 = tpu.memref_squeeze %dma_start3A_700 : memref<1x8x1024xf32, #tpu.memory_space<vmem>> -> memref<8x1024xf32, #tpu.memory_space<vmem>>
      tpu.enqueue_dma source(%dma_start3A_701 : memref<8x1024xf32, #tpu.memory_space<vmem>>) target(%dma_start3A_697 : memref<8x1024xf32, #tpu.memory_space<hbm>>) target_semaphore(%dma_start3A_695 : memref<!tpu.dma_semaphore, #tpu.memory_space<semaphore_mem>>)
      %add3A_702 = arith.constant 2 : i32
      %add3A_703 = arith.addi %add3A_420, %add3A_702 : i32
      %lt3A_704 = arith.constant 16 : i32
      %lt3A_705 = arith.cmpi slt, %add3A_703, %lt3A_704 : i32
      %convert_element_type3A_706 = arith.extui %lt3A_705 : i1 to i32
      %cond3A_707 = arith.constant 0 : i32
      %cond3A_708 = arith.cmpi ne, %convert_element_type3A_706, %cond3A_707 : i32
      scf.if %cond3A_708 {
        %add3A_710 = arith.constant 2 : i32
        %add3A_711 = arith.addi %add3A_420, %add3A_710 : i32
        %mul3A_712 = arith.constant 8 : i32
        %mul3A_713 = arith.muli %add3A_711, %mul3A_712 : i32
        %add3A_714 = arith.addi %mul3A_2, %mul3A_713 : i32
        %dma_start3A_715 = arith.constant 1 : i32
        %dma_start3A_716 = arith.constant 1 : i32
        %dma_start3A_717 = arith.constant 0 : i32
        %dma_start3A_718 = arith.constant 0 : i32
        %dma_start3A_719 = tpu.memref_slice %arg8[%dma_start3A_715, %dma_start3A_717, %dma_start3A_718] : memref<2x8x1024xf32, #tpu.memory_space<vmem>> -> memref<1x8x1024xf32, #tpu.memory_space<vmem>>
        %dma_start3A_720 = tpu.memref_squeeze %dma_start3A_719 : memref<1x8x1024xf32, #tpu.memory_space<vmem>> -> memref<8x1024xf32, #tpu.memory_space<vmem>>
        %dma_start3A_721 = arith.constant 0 : i32
        %dma_start3A_722 = tpu.memref_slice %arg4[%add3A_714, %dma_start3A_721] : memref<8192x1024xf32, #tpu.memory_space<hbm>> -> memref<8x1024xf32, #tpu.memory_space<hbm>>
        %dma_start3A_723 = tpu.memref_slice %arg11[%dma_start3A_716] : memref<2x!tpu.dma_semaphore, #tpu.memory_space<semaphore_mem>> -> memref<1x!tpu.dma_semaphore, #tpu.memory_space<semaphore_mem>>
        %dma_start3A_724 = tpu.memref_squeeze %dma_start3A_723 : memref<1x!tpu.dma_semaphore, #tpu.memory_space<semaphore_mem>> -> memref<!tpu.dma_semaphore, #tpu.memory_space<semaphore_mem>>
        %dma_start3A_725 = arith.constant 0 : i32
        %dma_start3A_726 = arith.constant 0 : i32
        %dma_start3A_727 = tpu.memref_slice %arg8[%dma_start3A_715, %dma_start3A_725, %dma_start3A_726] : memref<2x8x1024xf32, #tpu.memory_space<vmem>> -> memref<1x8x1024xf32, #tpu.memory_space<vmem>>
        %dma_start3A_728 = tpu.memref_squeeze %dma_start3A_727 : memref<1x8x1024xf32, #tpu.memory_space<vmem>> -> memref<8x1024xf32, #tpu.memory_space<vmem>>
        %dma_start3A_729 = arith.constant 0 : i32
        %dma_start3A_730 = tpu.memref_slice %arg4[%add3A_714, %dma_start3A_729] : memref<8192x1024xf32, #tpu.memory_space<hbm>> -> memref<8x1024xf32, #tpu.memory_space<hbm>>
        tpu.enqueue_dma source(%dma_start3A_730 : memref<8x1024xf32, #tpu.memory_space<hbm>>) target(%dma_start3A_728 : memref<8x1024xf32, #tpu.memory_space<vmem>>) target_semaphore(%dma_start3A_724 : memref<!tpu.dma_semaphore, #tpu.memory_space<semaphore_mem>>)
      } else {
      }
      %scan3A_709 = arith.constant 0 : i32
      scf.yield %scan3A_709 : i32
    }
    %scan3A_107 = arith.constant 8 : i32
    %dma_wait3A = arith.constant 4 : i32
    %dma_wait3A_108 = arith.constant 4 : i32
    %dma_wait3A_109 = arith.constant 0 : i32
    %dma_wait3A_110 = arith.constant 0 : i32
    %dma_wait3A_111 = tpu.memref_slice %arg7[%dma_wait3A, %dma_wait3A_109, %dma_wait3A_110] : memref<8x8x1024xf32, #tpu.memory_space<vmem>> -> memref<1x8x1024xf32, #tpu.memory_space<vmem>>
    %dma_wait3A_112 = tpu.memref_squeeze %dma_wait3A_111 : memref<1x8x1024xf32, #tpu.memory_space<vmem>> -> memref<8x1024xf32, #tpu.memory_space<vmem>>
    %dma_wait3A_113 = arith.constant 0 : i32
    %dma_wait3A_114 = arith.constant 0 : i32
    %dma_wait3A_115 = tpu.memref_slice %arg5[%dma_wait3A_113, %dma_wait3A_114] : memref<16384x1024xf32, #tpu.memory_space<hbm>> -> memref<8x1024xf32, #tpu.memory_space<hbm>>
    %dma_wait3A_116 = tpu.memref_slice %arg10[%dma_wait3A_108] : memref<8x!tpu.dma_semaphore, #tpu.memory_space<semaphore_mem>> -> memref<1x!tpu.dma_semaphore, #tpu.memory_space<semaphore_mem>>
    %dma_wait3A_117 = tpu.memref_squeeze %dma_wait3A_116 : memref<1x!tpu.dma_semaphore, #tpu.memory_space<semaphore_mem>> -> memref<!tpu.dma_semaphore, #tpu.memory_space<semaphore_mem>>
    %dma_wait3A_118 = arith.constant 0 : i32
    %dma_wait3A_119 = arith.constant 0 : i32
    %dma_wait3A_120 = tpu.memref_slice %arg5[%dma_wait3A_118, %dma_wait3A_119] : memref<16384x1024xf32, #tpu.memory_space<hbm>> -> memref<8x1024xf32, #tpu.memory_space<hbm>>
    %dma_wait3A_121 = arith.constant 0 : i32
    %dma_wait3A_122 = arith.constant 0 : i32
    %dma_wait3A_123 = tpu.memref_slice %arg7[%dma_wait3A, %dma_wait3A_121, %dma_wait3A_122] : memref<8x8x1024xf32, #tpu.memory_space<vmem>> -> memref<1x8x1024xf32, #tpu.memory_space<vmem>>
    %dma_wait3A_124 = tpu.memref_squeeze %dma_wait3A_123 : memref<1x8x1024xf32, #tpu.memory_space<vmem>> -> memref<8x1024xf32, #tpu.memory_space<vmem>>
    tpu.wait_dma2 semaphore(%dma_wait3A_117 : memref<!tpu.dma_semaphore, #tpu.memory_space<semaphore_mem>>) src(%dma_wait3A_124 : memref<8x1024xf32, #tpu.memory_space<vmem>>) dst(%dma_wait3A_120 : memref<8x1024xf32, #tpu.memory_space<hbm>>)
    %dma_wait3A_125 = arith.constant 5 : i32
    %dma_wait3A_126 = arith.constant 5 : i32
    %dma_wait3A_127 = arith.constant 0 : i32
    %dma_wait3A_128 = arith.constant 0 : i32
    %dma_wait3A_129 = tpu.memref_slice %arg7[%dma_wait3A_125, %dma_wait3A_127, %dma_wait3A_128] : memref<8x8x1024xf32, #tpu.memory_space<vmem>> -> memref<1x8x1024xf32, #tpu.memory_space<vmem>>
    %dma_wait3A_130 = tpu.memref_squeeze %dma_wait3A_129 : memref<1x8x1024xf32, #tpu.memory_space<vmem>> -> memref<8x1024xf32, #tpu.memory_space<vmem>>
    %dma_wait3A_131 = arith.constant 0 : i32
    %dma_wait3A_132 = arith.constant 0 : i32
    %dma_wait3A_133 = tpu.memref_slice %arg5[%dma_wait3A_131, %dma_wait3A_132] : memref<16384x1024xf32, #tpu.memory_space<hbm>> -> memref<8x1024xf32, #tpu.memory_space<hbm>>
    %dma_wait3A_134 = tpu.memref_slice %arg10[%dma_wait3A_126] : memref<8x!tpu.dma_semaphore, #tpu.memory_space<semaphore_mem>> -> memref<1x!tpu.dma_semaphore, #tpu.memory_space<semaphore_mem>>
    %dma_wait3A_135 = tpu.memref_squeeze %dma_wait3A_134 : memref<1x!tpu.dma_semaphore, #tpu.memory_space<semaphore_mem>> -> memref<!tpu.dma_semaphore, #tpu.memory_space<semaphore_mem>>
    %dma_wait3A_136 = arith.constant 0 : i32
    %dma_wait3A_137 = arith.constant 0 : i32
    %dma_wait3A_138 = tpu.memref_slice %arg5[%dma_wait3A_136, %dma_wait3A_137] : memref<16384x1024xf32, #tpu.memory_space<hbm>> -> memref<8x1024xf32, #tpu.memory_space<hbm>>
    %dma_wait3A_139 = arith.constant 0 : i32
    %dma_wait3A_140 = arith.constant 0 : i32
    %dma_wait3A_141 = tpu.memref_slice %arg7[%dma_wait3A_125, %dma_wait3A_139, %dma_wait3A_140] : memref<8x8x1024xf32, #tpu.memory_space<vmem>> -> memref<1x8x1024xf32, #tpu.memory_space<vmem>>
    %dma_wait3A_142 = tpu.memref_squeeze %dma_wait3A_141 : memref<1x8x1024xf32, #tpu.memory_space<vmem>> -> memref<8x1024xf32, #tpu.memory_space<vmem>>
    tpu.wait_dma2 semaphore(%dma_wait3A_135 : memref<!tpu.dma_semaphore, #tpu.memory_space<semaphore_mem>>) src(%dma_wait3A_142 : memref<8x1024xf32, #tpu.memory_space<vmem>>) dst(%dma_wait3A_138 : memref<8x1024xf32, #tpu.memory_space<hbm>>)
    %dma_wait3A_143 = arith.constant 6 : i32
    %dma_wait3A_144 = arith.constant 6 : i32
    %dma_wait3A_145 = arith.constant 0 : i32
    %dma_wait3A_146 = arith.constant 0 : i32
    %dma_wait3A_147 = tpu.memref_slice %arg7[%dma_wait3A_143, %dma_wait3A_145, %dma_wait3A_146] : memref<8x8x1024xf32, #tpu.memory_space<vmem>> -> memref<1x8x1024xf32, #tpu.memory_space<vmem>>
    %dma_wait3A_148 = tpu.memref_squeeze %dma_wait3A_147 : memref<1x8x1024xf32, #tpu.memory_space<vmem>> -> memref<8x1024xf32, #tpu.memory_space<vmem>>
    %dma_wait3A_149 = arith.constant 0 : i32
    %dma_wait3A_150 = arith.constant 0 : i32
    %dma_wait3A_151 = tpu.memref_slice %arg5[%dma_wait3A_149, %dma_wait3A_150] : memref<16384x1024xf32, #tpu.memory_space<hbm>> -> memref<8x1024xf32, #tpu.memory_space<hbm>>
    %dma_wait3A_152 = tpu.memref_slice %arg10[%dma_wait3A_144] : memref<8x!tpu.dma_semaphore, #tpu.memory_space<semaphore_mem>> -> memref<1x!tpu.dma_semaphore, #tpu.memory_space<semaphore_mem>>
    %dma_wait3A_153 = tpu.memref_squeeze %dma_wait3A_152 : memref<1x!tpu.dma_semaphore, #tpu.memory_space<semaphore_mem>> -> memref<!tpu.dma_semaphore, #tpu.memory_space<semaphore_mem>>
    %dma_wait3A_154 = arith.constant 0 : i32
    %dma_wait3A_155 = arith.constant 0 : i32
    %dma_wait3A_156 = tpu.memref_slice %arg5[%dma_wait3A_154, %dma_wait3A_155] : memref<16384x1024xf32, #tpu.memory_space<hbm>> -> memref<8x1024xf32, #tpu.memory_space<hbm>>
    %dma_wait3A_157 = arith.constant 0 : i32
    %dma_wait3A_158 = arith.constant 0 : i32
    %dma_wait3A_159 = tpu.memref_slice %arg7[%dma_wait3A_143, %dma_wait3A_157, %dma_wait3A_158] : memref<8x8x1024xf32, #tpu.memory_space<vmem>> -> memref<1x8x1024xf32, #tpu.memory_space<vmem>>
    %dma_wait3A_160 = tpu.memref_squeeze %dma_wait3A_159 : memref<1x8x1024xf32, #tpu.memory_space<vmem>> -> memref<8x1024xf32, #tpu.memory_space<vmem>>
    tpu.wait_dma2 semaphore(%dma_wait3A_153 : memref<!tpu.dma_semaphore, #tpu.memory_space<semaphore_mem>>) src(%dma_wait3A_160 : memref<8x1024xf32, #tpu.memory_space<vmem>>) dst(%dma_wait3A_156 : memref<8x1024xf32, #tpu.memory_space<hbm>>)
    %dma_wait3A_161 = arith.constant 7 : i32
    %dma_wait3A_162 = arith.constant 7 : i32
    %dma_wait3A_163 = arith.constant 0 : i32
    %dma_wait3A_164 = arith.constant 0 : i32
    %dma_wait3A_165 = tpu.memref_slice %arg7[%dma_wait3A_161, %dma_wait3A_163, %dma_wait3A_164] : memref<8x8x1024xf32, #tpu.memory_space<vmem>> -> memref<1x8x1024xf32, #tpu.memory_space<vmem>>
    %dma_wait3A_166 = tpu.memref_squeeze %dma_wait3A_165 : memref<1x8x1024xf32, #tpu.memory_space<vmem>> -> memref<8x1024xf32, #tpu.memory_space<vmem>>
    %dma_wait3A_167 = arith.constant 0 : i32
    %dma_wait3A_168 = arith.constant 0 : i32
    %dma_wait3A_169 = tpu.memref_slice %arg5[%dma_wait3A_167, %dma_wait3A_168] : memref<16384x1024xf32, #tpu.memory_space<hbm>> -> memref<8x1024xf32, #tpu.memory_space<hbm>>
    %dma_wait3A_170 = tpu.memref_slice %arg10[%dma_wait3A_162] : memref<8x!tpu.dma_semaphore, #tpu.memory_space<semaphore_mem>> -> memref<1x!tpu.dma_semaphore, #tpu.memory_space<semaphore_mem>>
    %dma_wait3A_171 = tpu.memref_squeeze %dma_wait3A_170 : memref<1x!tpu.dma_semaphore, #tpu.memory_space<semaphore_mem>> -> memref<!tpu.dma_semaphore, #tpu.memory_space<semaphore_mem>>
    %dma_wait3A_172 = arith.constant 0 : i32
    %dma_wait3A_173 = arith.constant 0 : i32
    %dma_wait3A_174 = tpu.memref_slice %arg5[%dma_wait3A_172, %dma_wait3A_173] : memref<16384x1024xf32, #tpu.memory_space<hbm>> -> memref<8x1024xf32, #tpu.memory_space<hbm>>
    %dma_wait3A_175 = arith.constant 0 : i32
    %dma_wait3A_176 = arith.constant 0 : i32
    %dma_wait3A_177 = tpu.memref_slice %arg7[%dma_wait3A_161, %dma_wait3A_175, %dma_wait3A_176] : memref<8x8x1024xf32, #tpu.memory_space<vmem>> -> memref<1x8x1024xf32, #tpu.memory_space<vmem>>
    %dma_wait3A_178 = tpu.memref_squeeze %dma_wait3A_177 : memref<1x8x1024xf32, #tpu.memory_space<vmem>> -> memref<8x1024xf32, #tpu.memory_space<vmem>>
    tpu.wait_dma2 semaphore(%dma_wait3A_171 : memref<!tpu.dma_semaphore, #tpu.memory_space<semaphore_mem>>) src(%dma_wait3A_178 : memref<8x1024xf32, #tpu.memory_space<vmem>>) dst(%dma_wait3A_174 : memref<8x1024xf32, #tpu.memory_space<hbm>>)
    return
  }
}

</mosaic_0001>

<sc_bundles>
// kernel: kernel.3.cloned.1.call-start
scs
__scs_entry_jumppad:
0x0: {  	(pc) =	sbr.rel $0x88, $3  }
0x1: {  	(tag) =	ssettag $0x0;
	lr =	simm.s32 $0x1  }
0x2: {  	[smem:$0x3F9E] =	sst lr;
	_ =	strace $0xD0000000  }
0x3: {  	_ = 	snop  }
0x4: {  	_ = 	snop  }
0x5: {  	_ = 	snop  }
0x6: {  	_ = 	snop  }
0x7: {  	_ = 	snop  }
__scs_overlays_trampoline_lowered:
0x8: {  	[smem:$0x3FAD] =	sst s0  }
0x9: {  	[smem:$0x3FAE] =	sst s1  }
0xa: {  	[smem:$0x3FAF] =	sst s2  }
0xb: {  	[smem:$0x3FB0] =	sst s3  }
0xc: {  	[smem:$0x3FB1] =	sst s4  }
0xd: {  	[smem:$0x3FB2] =	sst s5  }
0xe: {  	[smem:$0x3FB3] =	sst s6  }
0xf: {  	[smem:$0x3FB4] =	sst s7  }
0x10: {  	[smem:$0x3FB5] =	sst s8  }
0x11: {  	[smem:$0x3FB6] =	sst s9;
	s0 =	simm.s32 @!p0 $0x0  }
0x12: {  	s1 =	sld [smem:$0x3F9C];
	s0 =	simm.s32 @p0 $0x1  }
0x13: {  	[smem:$0x3FB7] =	sst s0;
	s0 =	simm.s32 @!p1 $0x0  }
0x14: {  	s2 =	sld [smem:$0x3F9B];
	s0 =	simm.s32 @p1 $0x1  }
0x15: {  	[smem:$0x3FB8] =	sst s0;
	s0 =	simm.s32 @!p2 $0x0  }
0x16: {  	s3 =	sld [smem:$0x3FDB];
	s0 =	simm.s32 @p2 $0x1  }
0x17: {  	s4 =	simm.s32 $0x1BF5;
	[smem:$0x3FBA] =	sst s0  }
0x18: {  	s0 =	sld [smem:$0x3F9D];
	_ =	swait.ge [sflag:s4], $0x0  }
0x19: {  	s7 =	sld [smem:$0x3F9E]  }
0x1a: {  	s8 =	sadd.s32 $0xFFFFE003, lr  }
0x1b: {  	s9 =	sadd.s32 $0xFFFFFEF7, lr;
	s5 =	simm.s32 $0xFFFFFFFF;
	p2 =	slt.u32 s8, $0xFFFFF086  }
0x1c: {  	p1 =	slt.u32 s9, $0xF7A;
	s5 =	simm.s32 @!p2 $0x0  }
0x1d: {  	s5 =	simm.s32 @p1 $0x1;
	p0 =	seq.s32 s7, s2  }
0x1e: {  	s7 =	smul.u32 @!p0 $0xF7A, s2;
	p2 =	seq.s32 @!p0 s5, $0x0  }
0x1f: {  	s9 =	smul.u32 $0xF7A, s1;
	s8 =	simm.s32 @!p0 $0x1BF5;
	p2 =	por !p2, p0  }
0x20: {  	[sflag:s8] =	ssyncset.s32 @!p0 $0xFFFFF086;
	s6 =	sadd.s32 @!p0 s3, s7;
	s7 =	simm.s32 @!p0 $0x108  }
0x21: {  	s3 =	sadd.s32 s3, s9;
	s6 =	sadd.s32 @!p0 $0x88, s6;
	s7 =	simm.s32 @p2 $0x1082  }
0x22: {  	[simem:s7], [sflag:s8] =	dma.local @!p0 [hbm:s6], $0xF7A  }
0x23: {  	s9 =	sor.u32 $0xD0000000, s2;
	s6 =	simm.s32 $0x108;
	_ =	swait.ge @!p0 [sflag:s8], $0x0  }
0x24: {  	s3 =	sadd.s32 $0x88, s3;
	s6 =	simm.s32 @!p1 $0x1082;
	[sflag:s4] =	ssyncset.s32 $0xFFFFF086  }
0x25: {  	[simem:s6], [sflag:s4] =	dma.local [hbm:s3], $0xF7A  }
0x26: {  	[smem:$0x3F9E] =	sst s1;
	(tag) =	ssettag s2;
	_ =	strace s9  }
0x27: {  	s1 =	sld [smem:$0x3FAE]  }
0x28: {  	s2 =	sld [smem:$0x3FAF]  }
0x29: {  	s4 =	sld [smem:$0x3FB1]  }
0x2a: {  	p0 =	seq.s32 s5, $0x0;
	s5 =	sld [smem:$0x3FB2]  }
0x2b: {  	s6 =	sld [smem:$0x3FB3]  }
0x2c: {  	s7 =	sld [smem:$0x3FB4]  }
0x2d: {  	s3 =	simm.s32 $0x108;
	s8 =	sld [smem:$0x3FB5]  }
0x2e: {  	s3 =	simm.s32 @!p0 $0x1082;
	s9 =	sld [smem:$0x3FB6]  }
0x2f: {  	lr =	sadd.s32 s0, s3;
	s0 =	sld [smem:$0x3FAD]  }
0x30: {  	s3 =	sld [smem:$0x3FB0]  }
0x31: {  	[smem:$0x3FB9] =	sst s10  }
0x32: {  	s10 =	sld [smem:$0x3FB7];
	_ =	sdelay $0x3  }
0x33: {  	p0 =	seq.s32 s10, $0x1;
	s10 =	sld [smem:$0x3FB9];
	_ =	sdelay $0x3  }
0x34: {  	[smem:$0x3FB9] =	sst s10  }
0x35: {  	s10 =	sld [smem:$0x3FB8];
	_ =	sdelay $0x3  }
0x36: {  	p1 =	seq.s32 s10, $0x1;
	s10 =	sld [smem:$0x3FB9];
	_ =	sdelay $0x3  }
0x37: {  	[smem:$0x3FB9] =	sst s10  }
0x38: {  	s10 =	sld [smem:$0x3FBA]  }
0x39: {  	_ = 	snop;
	(pc) =	sbr.ind lr, $3  }
0x3a: {  	_ = 	snop  }
0x3b: {  	_ = 	snop  }
0x3c: {  	p2 =	seq.s32 s10, $0x1;
	s10 =	sld [smem:$0x3FB9]  }
0x3d: {  	_ =	shalt  }
0x3e: {  	_ =	shalt  }
0x3f: {  	_ =	shalt  }
0x40: {  	_ =	shalt  }
0x41: {  	_ =	shalt  }
0x42: {  	_ =	shalt  }
0x43: {  	_ =	shalt  }
0x44: {  	_ =	shalt  }
0x45: {  	_ =	shalt  }
0x46: {  	_ =	shalt  }
0x47: {  	_ =	shalt  }
0x48: {  	_ =	shalt  }
0x49: {  	_ =	shalt  }
0x4a: {  	_ =	shalt  }
0x4b: {  	_ =	shalt  }
0x4c: {  	_ =	shalt  }
0x4d: {  	_ =	shalt  }
0x4e: {  	_ =	shalt  }
0x4f: {  	_ =	shalt  }
0x50: {  	_ =	shalt  }
0x51: {  	_ =	shalt  }
0x52: {  	_ =	shalt  }
0x53: {  	_ =	shalt  }
0x54: {  	_ =	shalt  }
0x55: {  	_ =	shalt  }
0x56: {  	_ =	shalt  }
0x57: {  	_ =	shalt  }
0x58: {  	_ =	shalt  }
0x59: {  	_ =	shalt  }
0x5a: {  	_ =	shalt  }
0x5b: {  	_ =	shalt  }
0x5c: {  	_ =	shalt  }
0x5d: {  	_ =	shalt  }
0x5e: {  	_ =	shalt  }
0x5f: {  	_ =	shalt  }
0x60: {  	_ =	shalt  }
0x61: {  	_ =	shalt  }
0x62: {  	_ =	shalt  }
0x63: {  	_ =	shalt  }
0x64: {  	_ =	shalt  }
0x65: {  	_ =	shalt  }
0x66: {  	_ =	shalt  }
0x67: {  	_ =	shalt  }
0x68: {  	_ =	shalt  }
0x69: {  	_ =	shalt  }
0x6a: {  	_ =	shalt  }
0x6b: {  	_ =	shalt  }
0x6c: {  	_ =	shalt  }
0x6d: {  	_ =	shalt  }
0x6e: {  	_ =	shalt  }
0x6f: {  	_ =	shalt  }
0x70: {  	_ =	shalt  }
0x71: {  	_ =	shalt  }
0x72: {  	_ =	shalt  }
0x73: {  	_ =	shalt  }
0x74: {  	_ =	shalt  }
0x75: {  	_ =	shalt  }
0x76: {  	_ =	shalt  }
0x77: {  	_ =	shalt  }
0x78: {  	_ =	shalt  }
0x79: {  	_ =	shalt  }
0x7a: {  	_ =	shalt  }
0x7b: {  	_ =	shalt  }
0x7c: {  	_ =	shalt  }
0x7d: {  	_ =	shalt  }
0x7e: {  	_ =	shalt  }
0x7f: {  	_ =	shalt  }
0x80: {  	_ =	shalt  }
0x81: {  	_ =	shalt  }
0x82: {  	_ =	shalt  }
0x83: {  	_ =	shalt  }
0x84: {  	_ =	shalt  }
0x85: {  	_ =	shalt  }
0x86: {  	_ =	shalt  }
0x87: {  	_ =	shalt  }
.Lfunc_end0:
.L_simem_size_0:
called_computation_lowered:
.L_overlay_start_0:
0x88: {  	s2 =	sld [smem:$0x3FD9]  }
0x89: {  	s3 =	sld [smem:$0x3FFE];
	_ =	sdelay $0x1  }
0x8a: {  	s1 =	srdreg.scid  }
0x8b: {  	s0 =	sand.u32 $0x1, s1  }
0x8c: {  	s17 =	sshll.u32 s0, $0xA;
	s2 =	sadd.s32 s3, s2  }
0x8d: {  	s2 =	sadd.s32 s2, s17  }
0x8e: {  	[smem:$0x3FC5] =	sst s2  }
0x8f: {  	_ = 	snop  }
0x90: {  	s2 =	sld [smem:$0x3FC8]  }
0x91: {  	s18 =	sld [smem:$0x3FC7]  }
0x92: {  	s4 =	sld [smem:$0x3FD0];
	(tm) =	ssettm $0x1  }
0x93: {  	s5 =	sld [smem:$0x3FFB];
	_ =	sdelay $0x3  }
0x94: {  	_ =	strace s5  }
0x95: {  	s5 =	sld [smem:$0x3FFC];
	_ =	sdelay $0x3  }
0x96: {  	_ =	strace s5  }
0x97: {  	s5 =	sld [smem:$0x3FFD];
	_ =	sdelay $0x3  }
0x98: {  	_ =	strace s5  }
0x99: {  	_ =	strace $0x8FFFFFFF  }
0x9a: {  	s19 =	sld [smem:$0x3FDB];
	_ =	sdelay $0x1  }
0x9b: {  	s6 =	simm.s32 $_scs_section_size  }
0x9c: {  	s7 =	simm.s32 $_size__tile_overlayer_lowered;
	s8 =	simm.s32 $_tile_overlayer_lowered  }
0x9d: {  	s22 =	simm.s32 $0x1BFF;
	s21 =	sshll.u32 s8, $0x1;
	s5 =	sadd.s32 s6, s19  }
0x9e: {  	s9 =	simm.s32 $0x0;
	s20 =	sshll.u32 s7, $0x1;
	s7 =	sadd.s32 s21, s5  }
0x9f: {  	[timem:s9], [sflag:s22] =	dma.local [hbm:s7], s20  }
0xa0: {  	_ =	swait.ge [sflag:s22], s20  }
0xa1: {  	s6 =	ssub.s32 $0x0, s20;
	[sflag:s22] =	ssyncset.done $0x0  }
0xa2: {  	[sflag:s22] =	ssyncadd.s32 s6;
	_ =	sdelay $0x1  }
0xa3: {  	s23 =	simm.s32 $0x1B8B  }
0xa4: {  	_ =	swait.ge [sflag:s23], $0x1  }
0xa5: {  	[sflag:s23] =	ssyncset.done $0x0  }
0xa6: {  	s25 =	simm.s32 $0x1B8E;
	s24 =	sld [smem:$0x3FFE];
	[sflag:s23] =	ssyncadd.s32 $0xFFFFFFFF  }
0xa7: {  	s26 =	simm.s32 $execute0_lowered;
	[smem:$0x3FD2] =	sst s25  }
0xa8: {  	s7 =	sshll.u32 s26, $0x1;
	_ =	strace $0x80000046;
	[dreg:$0x1] =	wrdreg $0xFFFFFFFF  }
0xa9: {  	s28 =	simm.s32 $_size_execute0_lowered;
	s5 =	sadd.s32 s5, s7;
	[dreg:$0x0] =	wrdreg $0x0  }
0xaa: {  	s7 =	sshll.u32 s28, $0x1;
	[dreg:$0x2] =	wrdreg s5  }
0xab: {  	[dreg:$0x3] =	wrdreg s7  }
0xac: {  	[dreg:$0x4] =	wrdreg $0xC0  }
0xad: {  	_ =	task [dreg:s9], $0x5FFFF  }
0xae: {  	[dreg:$0x1] =	wrdreg $0xFFFFFFFF  }
0xaf: {  	[dreg:$0x0] =	wrdreg $0x60  }
0xb0: {  	[dreg:$0x2] =	wrdreg s24  }
0xb1: {  	[dreg:$0x3] =	wrdreg s2  }
0xb2: {  	[dreg:$0x4] =	wrdreg s18  }
0xb3: {  	[dreg:$0x5] =	wrdreg s4  }
0xb4: {  	[dreg:$0x6] =	wrdreg $0x9  }
0xb5: {  	_ =	task.clear_ibuf [dreg:s9], $0x7FFFF;
	_ =	strace $0x90000046  }
0xb6: {  	s29 =	simm.s32 $0x9;
	_ =	strace $0x80000048  }
0xb7: {  	_ =	swait.ge [sflag:s29], $0x1  }
0xb8: {  	[sflag:s29] =	ssyncadd.s32 $0xFFFFFFFF  }
0xb9: {  	_ =	strace $0x90000048  }
0xba: {  	_ =	sfence  }
0xbb: {  	s30 =	sld [smem:$0x0];
	_ =	sdelay $0x2  }
0xbc: {  	s31 =	sshll.u32 s1, $0xD;
	s1 =	sshrl.u32 s1, $0x2  }
0xbd: {  	s3 =	sand.u32 $0x4000, s31;
	s1 =	sadd.s32 s1, s30  }
0xbe: {  	s0 =	sor.u32 s3, s0;
	s1 =	sshll.u32 s1, $0x11  }
0xbf: {  	s0 =	sor.u32 s1, s0  }
0xc0: {  	s0 =	sadd.s32 $0x8F2B, s0  }
0xc1: {  	[sflag:s0] =	ssyncadd.remote.s32 $0x1  }
0xc2: {  	_ =	sfence.sel $0xFFFF  }
0xc3: {  	[dreg:$0x0] =	wrdreg $0xFFFFFFFF;
	(pc) =	sbr.abs _section_cstart, $3  }
0xc4: {  	[dreg:$0x1] =	wrdreg $0xFFFFFFFF  }
0xc5: {  	_ =	task.clear_ibuf [dreg:s9], $0x2FFFF;
	_ =	strace $0x9FFFFFFF  }
0xc6: {  	(tm) =	ssettm $0x7FFFFFFF  }
0xc7: {  	_ =	shalt  }
tec
execute0_lowered:
.L_overlay_start_1:
0x0: {  	(tag) =	ssettag $0x1  }
0x1: {  	s0 =	rddreg [dreg:$0x0]  }
0x2: {  	s1 =	rddreg [dreg:$0x1]  }
0x3: {  	s2 =	rddreg [dreg:$0x2]  }
0x4: {  	s3 =	rddreg [dreg:$0x3]  }
0x5: {  	s4 =	simm.s32 $0x0;
	s5 =	srdreg.scid;
	s6 =	stileid.u32  }
0x6: {  	s31 =	simm.s32 $0x4000;
	s16 =	simm.s32 $0x6000;
	s17 =	simm.s32 $0x8000  }
0x7: {  	s19 =	simm.s32 $0xA000;
	s28 =	simm.s32 $0x3;
	s30 =	simm.s32 $0x4  }
0x8: {  	s18 =	simm.s32 $0xB;
	s21 =	simm.s32 $0xC;
	s20 =	simm.s32 $0x7  }
0x9: {  	s29 =	simm.s32 $0x0;
	[smem:$0x7FF] =	sst s4;
	s5 =	sand.u32 $0x1, s5  }
0xa: {  	s6 =	sshll.u32 s6, $0x1;
	s9 =	sadd.s32 $0x100, s1;
	s10 =	sadd.s32 $0x200, s1  }
0xb: {  	s11 =	sadd.s32 $0x300, s1;
	_ =	strace $0x80000047;
	s6 =	sor.u32 s5, s6  }
0xc: {  	s5 =	ssub.s32 $0x2, s5;
	s7 =	sshll.u32 s6, $0xA;
	s8 =	sshll.u32 s6, $0xE  }
0xd: {  	s22 =	sshrl.u32 s5, $0x1;
	s6 =	sshll.u32 s6, $0x7;
	s0 =	sadd.s32 s7, s0  }
0xe: {  	s8 =	sadd.s32 s2, s8;
	s23 =	ssub.s32 s5, s22;
	s12 =	sor.u32 $0x1000, s6  }
0xf: {  	s13 =	sor.u32 $0x2000, s6;
	s14 =	sor.u32 $0x3000, s6;
	s7 =	simm.s32 $0x9  }
0x10: {  	s22 =	simm.s32 $0x5;
	s24 =	sadd.s32 $0x400, s8;
	[dreg:$0x5] =	wrdreg s8  }
.Ltmp0:
0x11: {  	s0 =	sadd.s32 $0x400, s0;
	[dreg:$0x6] =	wrdreg s24;
	(pc) =	sbr.rel .LBB2_1-.Ltmp0, $4  }
0x12: {  	s5 =	simm.s32 $0x6;
	s25 =	sadd.s32 $0xC00, s8;
	[dreg:$0x7] =	wrdreg s0  }
0x13: {  	v0 =	vlaneseq.u32;
	s26 =	smax.u32 s23, $0x1;
	s23 =	simm.s32 $0xC000;
	[dreg:$0x8] =	wrdreg s25  }
0x14: {  	v1 =	vshrl.u32 v0, $0x3;
	s8 =	simm.s32 $0xA;
	[dreg:$0x9] =	wrdreg s26;
	s26 =	simm.s32 $0x2000  }
0x15: {  	vm0 =	vmmov $0xffff;
	v0 =	vand.u32 $0x7, v0;
	v1 =	vmul.u32 $0x8, v1;
	s25 =	simm.s32 $0xE000;
	s0 =	simm.s32 $0x12;
	s24 =	simm.s32 $0x8  }
.LBB2_15:
0x16: {  	s2 =	simm.s32 $0xD  }
0x17: {  	_ =	swait.ge [sflag:s2], $0x2000  }
0x18: {  	[sflag:s2] =	ssyncset.done $0x0  }
0x19: {  	s15 =	simm.s32 $0xE;
	[sflag:s2] =	ssyncadd.s32 $0xFFFFE000  }
0x1a: {  	_ =	swait.ge [sflag:s15], $0x2000  }
0x1b: {  	[sflag:s15] =	ssyncset.done $0x0  }
0x1c: {  	s16 =	simm.s32 $0xF;
	[sflag:s15] =	ssyncadd.s32 $0xFFFFE000  }
0x1d: {  	_ =	swait.ge [sflag:s16], $0x2000  }
0x1e: {  	[sflag:s16] =	ssyncset.done $0x0  }
0x1f: {  	s15 =	simm.s32 $0x10;
	[sflag:s16] =	ssyncadd.s32 $0xFFFFE000  }
0x20: {  	_ =	swait.ge [sflag:s15], $0x2000  }
0x21: {  	s29 =	rddreg [dreg:$0xa]  }
0x22: {  	s17 =	rddreg [dreg:$0x9];
	s29 =	sadd.s32 $0x1, s29  }
0x23: {  	p0 =	sne.s32 s29, s17  }
.Ltmp1:
0x24: {  	_ = 	snop;
	(pc) =	sbr.rel @!p0 .LBB2_16-.Ltmp1, $3  }
0x25: {  	_ =	sdelay $0x1  }
0x26: {  	[sflag:s15] =	ssyncset.done $0x0  }
0x27: {  	s16 =	simm.s32 $0x6000;
	[sflag:s15] =	ssyncadd.s32 $0xFFFFE000;
	s17 =	simm.s32 $0x8000  }
.LBB2_1:
0x28: {  	s2 =	rddreg [dreg:$0x5];
	s15 =	simm.s32 $0x12000  }
0x29: {  	[tilespmem:s15], [sflag:$0x11] =	stream.linear.gather [hbm4b:s2+s4], $0x2000, $0x38;
	[tilespmem:$0x16000] =	vst v63  }
0x2a: {  	s2 =	rddreg [dreg:$0x6];
	s15 =	simm.s32 $0x14000  }
0x2b: {  	[tilespmem:s15], [sflag:$0x12] =	stream.linear.gather [hbm4b:s2+s4], $0x2000, $0x38;
	[tilespmem:$0x16000] =	vst v63  }
0x2c: {  	s15 =	rddreg [dreg:$0x7]  }
0x2d: {  	[tilespmem:s4], [sflag:$0x13] =	stream.linear.gather [hbm4b:s15+s4], $0x2000, $0x38;
	[tilespmem:$0x16000] =	vst v63  }
0x2e: {  	[dreg:$0xa] =	wrdreg s29;
	s15 =	simm.s32 $0x13  }
0x2f: {  	_ =	swait.ge [sflag:s15], $0x2000  }
0x30: {  	[sflag:s15] =	ssyncset.done $0x0  }
0x31: {  	[sflag:s15] =	ssyncadd.s32 $0xFFFFE000  }
0x32: {  	v2 =	vld.msk [tilespmem:$0x0], $0xff;
	_ =	sdelay $0x4  }
0x33: {  	v3 =	vshll.u32 v2, $0x3  }
0x34: {  	v2 =	vand.u32 $0x7, v2;
	v3 =	vand.u32 $0xFFFFFFC0, v3  }
0x35: {  	v2 =	vor.u32 v2, v3  }
0x36: {  	v2 =	vperm.xlane v2, v0;
	_ =	sdelay $0x1  }
0x37: {  	v2 =	vadd.s32 v1, v2;
	_ =	sdelay $0x4  }
0x38: {  	[tilespmem:s26], [sflag:$0x1] =	stream.indirect_vreg.gather [hbm4b:s1+s4], $0x80, v2, vm0, $0xb8;
	[tilespmem:$0x16000] =	vst v63  }
0x39: {  	s26 =	simm.s32 $0x2800  }
0x3a: {  	[tilespmem:s26], [sflag:$0x1] =	stream.indirect_vreg.gather [hbm4b:s9+s4], $0x80, v2, vm0, $0xb8;
	[tilespmem:$0x16000] =	vst v63  }
0x3b: {  	s15 =	simm.s32 $0x3000  }
0x3c: {  	[tilespmem:s15], [sflag:$0x1] =	stream.indirect_vreg.gather [hbm4b:s10+s4], $0x80, v2, vm0, $0xb8;
	[tilespmem:$0x16000] =	vst v63  }
0x3d: {  	s26 =	simm.s32 $0x3800  }
0x3e: {  	[tilespmem:s26], [sflag:$0x1] =	stream.indirect_vreg.gather [hbm4b:s11+s4], $0x80, v2, vm0, $0xb8;
	[tilespmem:$0x16000] =	vst v63  }
0x3f: {  	v2 =	vld.msk [tilespmem:$0x800], $0xff;
	_ =	sdelay $0x4  }
0x40: {  	v3 =	vshll.u32 v2, $0x3  }
0x41: {  	v2 =	vand.u32 $0x7, v2;
	v3 =	vand.u32 $0xFFFFFFC0, v3  }
0x42: {  	v2 =	vor.u32 v2, v3  }
0x43: {  	v2 =	vperm.xlane v2, v0;
	_ =	sdelay $0x1  }
0x44: {  	v2 =	vadd.s32 v1, v2;
	_ =	sdelay $0x4  }
0x45: {  	[tilespmem:s31], [sflag:$0x2] =	stream.indirect_vreg.gather [hbm4b:s1+s4], $0x80, v2, vm0, $0xb8;
	[tilespmem:$0x16000] =	vst v63  }
0x46: {  	s31 =	simm.s32 $0x4800  }
0x47: {  	[tilespmem:s31], [sflag:$0x2] =	stream.indirect_vreg.gather [hbm4b:s9+s4], $0x80, v2, vm0, $0xb8;
	[tilespmem:$0x16000] =	vst v63  }
0x48: {  	s15 =	simm.s32 $0x5000  }
0x49: {  	[tilespmem:s15], [sflag:$0x2] =	stream.indirect_vreg.gather [hbm4b:s10+s4], $0x80, v2, vm0, $0xb8;
	[tilespmem:$0x16000] =	vst v63  }
0x4a: {  	s26 =	simm.s32 $0x5800  }
0x4b: {  	[tilespmem:s26], [sflag:$0x2] =	stream.indirect_vreg.gather [hbm4b:s11+s4], $0x80, v2, vm0, $0xb8;
	[tilespmem:$0x16000] =	vst v63  }
0x4c: {  	v2 =	vld.msk [tilespmem:$0x1000], $0xff;
	_ =	sdelay $0x4  }
0x4d: {  	v3 =	vshll.u32 v2, $0x3  }
0x4e: {  	v2 =	vand.u32 $0x7, v2;
	v3 =	vand.u32 $0xFFFFFFC0, v3  }
0x4f: {  	v2 =	vor.u32 v2, v3  }
0x50: {  	v2 =	vperm.xlane v2, v0;
	_ =	sdelay $0x1  }
0x51: {  	v2 =	vadd.s32 v1, v2;
	_ =	sdelay $0x4  }
0x52: {  	[tilespmem:s16], [sflag:$0x3] =	stream.indirect_vreg.gather [hbm4b:s1+s4], $0x80, v2, vm0, $0xb8;
	[tilespmem:$0x16000] =	vst v63  }
0x53: {  	s31 =	simm.s32 $0x6800  }
0x54: {  	[tilespmem:s31], [sflag:$0x3] =	stream.indirect_vreg.gather [hbm4b:s9+s4], $0x80, v2, vm0, $0xb8;
	[tilespmem:$0x16000] =	vst v63  }
0x55: {  	s15 =	simm.s32 $0x7000  }
0x56: {  	[tilespmem:s15], [sflag:$0x3] =	stream.indirect_vreg.gather [hbm4b:s10+s4], $0x80, v2, vm0, $0xb8;
	[tilespmem:$0x16000] =	vst v63  }
0x57: {  	s16 =	simm.s32 $0x7800  }
0x58: {  	[tilespmem:s16], [sflag:$0x3] =	stream.indirect_vreg.gather [hbm4b:s11+s4], $0x80, v2, vm0, $0xb8;
	[tilespmem:$0x16000] =	vst v63  }
0x59: {  	v2 =	vld.msk [tilespmem:$0x1800], $0xff;
	_ =	sdelay $0x4  }
0x5a: {  	v3 =	vshll.u32 v2, $0x3  }
0x5b: {  	v2 =	vand.u32 $0x7, v2;
	v3 =	vand.u32 $0xFFFFFFC0, v3  }
0x5c: {  	v2 =	vor.u32 v2, v3  }
0x5d: {  	v2 =	vperm.xlane v2, v0;
	_ =	sdelay $0x1  }
0x5e: {  	v2 =	vadd.s32 v1, v2;
	_ =	sdelay $0x4  }
0x5f: {  	[tilespmem:s17], [sflag:$0x4] =	stream.indirect_vreg.gather [hbm4b:s1+s4], $0x80, v2, vm0, $0xb8;
	[tilespmem:$0x16000] =	vst v63  }
0x60: {  	s17 =	simm.s32 $0x8800  }
0x61: {  	[tilespmem:s17], [sflag:$0x4] =	stream.indirect_vreg.gather [hbm4b:s9+s4], $0x80, v2, vm0, $0xb8;
	[tilespmem:$0x16000] =	vst v63  }
0x62: {  	s26 =	simm.s32 $0x9000  }
0x63: {  	[tilespmem:s26], [sflag:$0x4] =	stream.indirect_vreg.gather [hbm4b:s10+s4], $0x80, v2, vm0, $0xb8;
	[tilespmem:$0x16000] =	vst v63  }
0x64: {  	s29 =	simm.s32 $0x0;
	s31 =	simm.s32 $0x9800  }
0x65: {  	[tilespmem:s31], [sflag:$0x4] =	stream.indirect_vreg.gather [hbm4b:s11+s4], $0x80, v2, vm0, $0xb8;
	[tilespmem:$0x16000] =	vst v63  }
.LBB2_2:
0x66: {  	s2 =	simm.s32 $0x11  }
0x67: {  	_ =	swait.ge [sflag:s2], $0x2000  }
0x68: {  	p0 =	seq.s32 s29, $0x0;
	[sflag:s2] =	ssyncset.done $0x0  }
0x69: {  	s17 =	sshll.u32 s29, $0x1;
	s15 =	simm.s32 @!p0 $0xD;
	[sflag:s2] =	ssyncadd.s32 $0xFFFFE000  }
0x6a: {  	s2 =	sor.u32 $0x1, s17;
	_ =	swait.ge @!p0 [sflag:s15], $0x2000  }
0x6b: {  	s16 =	sshll.u32 s2, $0x7;
	[sflag:s15] =	ssyncset.done @!p0 $0x0  }
0x6c: {  	s16 =	sand.u32 $0x3FFFFF80, s16;
	[sflag:s15] =	ssyncadd.s32 @!p0 $0xFFFFE000  }
0x6d: {  	v2 =	vld.msk [tilespmem:s16+$0x0], $0xff;
	_ =	sdelay $0x4  }
0x6e: {  	v3 =	vshll.u32 v2, $0x3  }
0x6f: {  	v2 =	vand.u32 $0x7, v2;
	v3 =	vand.u32 $0xFFFFFFC0, v3  }
0x70: {  	v2 =	vor.u32 v2, v3  }
0x71: {  	v2 =	vperm.xlane v2, v0;
	_ =	sdelay $0x1  }
0x72: {  	v2 =	vadd.s32 v1, v2;
	_ =	sdelay $0x4  }
0x73: {  	[tilespmem:s19], [sflag:$0x5] =	stream.indirect_vreg.gather [hbm4b:s1+s4], $0x80, v2, vm0, $0xb8;
	[tilespmem:$0x16000] =	vst v63  }
0x74: {  	s19 =	simm.s32 $0xA800  }
0x75: {  	[tilespmem:s19], [sflag:$0x5] =	stream.indirect_vreg.gather [hbm4b:s9+s4], $0x80, v2, vm0, $0xb8;
	[tilespmem:$0x16000] =	vst v63  }
0x76: {  	s26 =	simm.s32 $0xB000  }
0x77: {  	[tilespmem:s26], [sflag:$0x5] =	stream.indirect_vreg.gather [hbm4b:s10+s4], $0x80, v2, vm0, $0xb8;
	[tilespmem:$0x16000] =	vst v63  }
0x78: {  	s15 =	simm.s32 @!p0 $0xE;
	s16 =	simm.s32 $0xB800  }
0x79: {  	[tilespmem:s16], [sflag:$0x5] =	stream.indirect_vreg.gather [hbm4b:s11+s4], $0x80, v2, vm0, $0xb8;
	[tilespmem:$0x16000] =	vst v63  }
0x7a: {  	_ =	swait.ge @!p0 [sflag:s15], $0x2000  }
0x7b: {  	s19 =	sshll.u32 s29, $0x8;
	[sflag:s15] =	ssyncset.done @!p0 $0x0  }
0x7c: {  	[sflag:s15] =	ssyncadd.s32 @!p0 $0xFFFFE000;
	s15 =	sand.u32 $0x3FFFFF00, s19  }
0x7d: {  	v2 =	vld.msk [tilespmem:s15+$0x880], $0xff;
	_ =	sdelay $0x4  }
0x7e: {  	v3 =	vshll.u32 v2, $0x3  }
0x7f: {  	v2 =	vand.u32 $0x7, v2;
	v3 =	vand.u32 $0xFFFFFFC0, v3  }
0x80: {  	v2 =	vor.u32 v2, v3  }
0x81: {  	v2 =	vperm.xlane v2, v0;
	_ =	sdelay $0x1  }
0x82: {  	v2 =	vadd.s32 v1, v2;
	_ =	sdelay $0x4  }
0x83: {  	[tilespmem:s23], [sflag:$0x6] =	stream.indirect_vreg.gather [hbm4b:s1+s4], $0x80, v2, vm0, $0xb8;
	[tilespmem:$0x16000] =	vst v63  }
0x84: {  	s23 =	simm.s32 $0xC800  }
0x85: {  	[tilespmem:s23], [sflag:$0x6] =	stream.indirect_vreg.gather [hbm4b:s9+s4], $0x80, v2, vm0, $0xb8;
	[tilespmem:$0x16000] =	vst v63  }
0x86: {  	s26 =	simm.s32 $0xD000  }
0x87: {  	[tilespmem:s26], [sflag:$0x6] =	stream.indirect_vreg.gather [hbm4b:s10+s4], $0x80, v2, vm0, $0xb8;
	[tilespmem:$0x16000] =	vst v63  }
0x88: {  	s16 =	simm.s32 @!p0 $0xF;
	s19 =	simm.s32 $0xD800  }
0x89: {  	[tilespmem:s19], [sflag:$0x6] =	stream.indirect_vreg.gather [hbm4b:s11+s4], $0x80, v2, vm0, $0xb8;
	[tilespmem:$0x16000] =	vst v63  }
0x8a: {  	_ =	swait.ge @!p0 [sflag:s16], $0x2000  }
0x8b: {  	[sflag:s16] =	ssyncset.done @!p0 $0x0  }
0x8c: {  	[sflag:s16] =	ssyncadd.s32 @!p0 $0xFFFFE000  }
0x8d: {  	v2 =	vld.msk [tilespmem:s15+$0x1080], $0xff;
	_ =	sdelay $0x4  }
0x8e: {  	v3 =	vshll.u32 v2, $0x3  }
0x8f: {  	v2 =	vand.u32 $0x7, v2;
	v3 =	vand.u32 $0xFFFFFFC0, v3  }
0x90: {  	v2 =	vor.u32 v2, v3  }
0x91: {  	v2 =	vperm.xlane v2, v0;
	_ =	sdelay $0x1  }
0x92: {  	v2 =	vadd.s32 v1, v2;
	_ =	sdelay $0x4  }
0x93: {  	[tilespmem:s25], [sflag:$0x7] =	stream.indirect_vreg.gather [hbm4b:s1+s4], $0x80, v2, vm0, $0xb8;
	[tilespmem:$0x16000] =	vst v63  }
0x94: {  	s23 =	simm.s32 $0xE800  }
0x95: {  	[tilespmem:s23], [sflag:$0x7] =	stream.indirect_vreg.gather [hbm4b:s9+s4], $0x80, v2, vm0, $0xb8;
	[tilespmem:$0x16000] =	vst v63  }
0x96: {  	s25 =	simm.s32 $0xF000  }
0x97: {  	[tilespmem:s25], [sflag:$0x7] =	stream.indirect_vreg.gather [hbm4b:s10+s4], $0x80, v2, vm0, $0xb8;
	[tilespmem:$0x16000] =	vst v63  }
0x98: {  	s26 =	simm.s32 $0xF800;
	s16 =	simm.s32 @!p0 $0x10  }
0x99: {  	[tilespmem:s26], [sflag:$0x7] =	stream.indirect_vreg.gather [hbm4b:s11+s4], $0x80, v2, vm0, $0xb8;
	[tilespmem:$0x16000] =	vst v63  }
0x9a: {  	_ =	swait.ge @!p0 [sflag:s16], $0x2000  }
0x9b: {  	[sflag:s16] =	ssyncset.done @!p0 $0x0  }
0x9c: {  	[sflag:s16] =	ssyncadd.s32 @!p0 $0xFFFFE000  }
0x9d: {  	v2 =	vld.msk [tilespmem:s15+$0x1880], $0xff;
	_ =	sdelay $0x4  }
0x9e: {  	v3 =	vshll.u32 v2, $0x3  }
0x9f: {  	v2 =	vand.u32 $0x7, v2;
	v3 =	vand.u32 $0xFFFFFFC0, v3  }
0xa0: {  	v2 =	vor.u32 v2, v3  }
0xa1: {  	v2 =	vperm.xlane v2, v0;
	_ =	sdelay $0x1  }
0xa2: {  	v2 =	vadd.s32 v1, v2;
	_ =	sdelay $0x3  }
0xa3: {  	s19 =	simm.s32 $0x10000;
	s25 =	simm.s32 $0x0  }
0xa4: {  	[tilespmem:s19], [sflag:$0x8] =	stream.indirect_vreg.gather [hbm4b:s1+s25], $0x80, v2, vm0, $0xb8;
	[tilespmem:$0x16000] =	vst v63  }
0xa5: {  	s23 =	simm.s32 $0x10800  }
0xa6: {  	[tilespmem:s23], [sflag:$0x8] =	stream.indirect_vreg.gather [hbm4b:s9+s25], $0x80, v2, vm0, $0xb8;
	[tilespmem:$0x16000] =	vst v63  }
0xa7: {  	s26 =	simm.s32 $0x11000  }
0xa8: {  	[tilespmem:s26], [sflag:$0x8] =	stream.indirect_vreg.gather [hbm4b:s10+s25], $0x80, v2, vm0, $0xb8;
	[tilespmem:$0x16000] =	vst v63  }
0xa9: {  	s19 =	simm.s32 $0x11800;
	s23 =	simm.s32 $0x1  }
0xaa: {  	[tilespmem:s19], [sflag:$0x8] =	stream.indirect_vreg.gather [hbm4b:s11+s25], $0x80, v2, vm0, $0xb8;
	[tilespmem:$0x16000] =	vst v63  }
0xab: {  	_ =	swait.ge [sflag:s23], $0x2000  }
0xac: {  	[sflag:s23] =	ssyncset.done $0x0  }
0xad: {  	s26 =	simm.s32 $0x2;
	[sflag:s23] =	ssyncadd.s32 $0xFFFFE000  }
0xae: {  	_ =	swait.ge [sflag:s26], $0x2000  }
0xaf: {  	[sflag:s26] =	ssyncset.done $0x0  }
0xb0: {  	[sflag:s26] =	ssyncadd.s32 $0xFFFFE000  }
0xb1: {  	_ =	swait.ge [sflag:s28], $0x2000  }
0xb2: {  	[sflag:s28] =	ssyncset.done $0x0  }
0xb3: {  	[sflag:s28] =	ssyncadd.s32 $0xFFFFE000  }
0xb4: {  	_ =	swait.ge [sflag:s30], $0x2000  }
0xb5: {  	[sflag:s30] =	ssyncset.done $0x0  }
0xb6: {  	s31 =	simm.s32 $0x0;
	[sflag:s30] =	ssyncadd.s32 $0xFFFFE000  }
.LBB2_3:
0xb7: {  	s16 =	sshra.s32 s25, $0x2  }
0xb8: {  	v4 =	vld [tilespmem:s16+$0x2050]  }
0xb9: {  	v13 =	vld [tilespmem:s16+$0x12070]  }
0xba: {  	v3 =	vld [tilespmem:s16+$0x8070]  }
0xbb: {  	v2 =	vld [tilespmem:s16+$0x12000]  }
0xbc: {  	v5 =	vld [tilespmem:s16+$0x8040]  }
0xbd: {  	v6 =	vld [tilespmem:s16+$0x6040]  }
0xbe: {  	v8 =	vld [tilespmem:s16+$0x6030]  }
0xbf: {  	v7 =	vld [tilespmem:s16+$0x4040]  }
0xc0: {  	v16 =	vld [tilespmem:s16+$0x8020]  }
0xc1: {  	v9 =	vld [tilespmem:s16+$0x2040]  }
0xc2: {  	v10 =	vld [tilespmem:s16+$0x2030]  }
0xc3: {  	v15 =	vld [tilespmem:s16+$0x4020]  }
0xc4: {  	v23 =	vld [tilespmem:s16+$0x2020]  }
0xc5: {  	v11 =	vld [tilespmem:s16+$0x12050]  }
0xc6: {  	v17 =	vld [tilespmem:s16+$0x8010]  }
0xc7: {  	v14 =	vld [tilespmem:s16+$0x6050];
	v3 =	vmul.f32 $3.200000000e+01, v3  }
0xc8: {  	v18 =	vld [tilespmem:s16+$0x6010];
	v4 =	vmul.f32 $3.200000000e+01, v4  }
0xc9: {  	v19 =	vld [tilespmem:s16+$0x2010];
	v12 =	vadd.f32 v3, v13  }
0xca: {  	v21 =	vld [tilespmem:s16+$0x12040];
	v4 =	vadd.f32 v4, v11  }
0xcb: {  	v26 =	vld [tilespmem:s16+$0x4060];
	[tilespmem:s16+$0x8070] =	vst v12  }
0xcc: {  	v12 =	vld [tilespmem:s16+$0x4050];
	[tilespmem:s16+$0x2050] =	vst v4;
	v4 =	vmul.f32 $3.200000000e+01, v14  }
0xcd: {  	v20 =	vld [tilespmem:s16+$0x12060];
	v5 =	vmul.f32 $3.200000000e+01, v5  }
0xce: {  	v22 =	vld [tilespmem:s16+$0x8050];
	v4 =	vadd.f32 v4, v11  }
0xcf: {  	v28 =	vld [tilespmem:s16+$0x8060];
	v9 =	vmul.f32 $3.200000000e+01, v9;
	v5 =	vadd.f32 v5, v21  }
0xd0: {  	v25 =	vld [tilespmem:s16+$0x2060];
	[tilespmem:s16+$0x6050] =	vst v4;
	v4 =	vmul.f32 $3.200000000e+01, v26  }
0xd1: {  	v32 =	vld [tilespmem:s16+$0x6020];
	v9 =	vadd.f32 v9, v21;
	[tilespmem:s16+$0x8040] =	vst v5;
	v5 =	vmul.f32 $3.200000000e+01, v12  }
0xd2: {  	v27 =	vld [tilespmem:s16+$0x6060];
	v6 =	vmul.f32 $3.200000000e+01, v6;
	v4 =	vadd.f32 v4, v20  }
0xd3: {  	v24 =	vld [tilespmem:s16+$0x4010];
	[tilespmem:s16+$0x2040] =	vst v9;
	v9 =	vmul.f32 $3.200000000e+01, v22;
	v5 =	vadd.f32 v5, v11  }
0xd4: {  	v29 =	vld [tilespmem:s16+$0x2070];
	v6 =	vadd.f32 v6, v21;
	[tilespmem:s16+$0x4060] =	vst v4;
	v4 =	vmul.f32 $3.200000000e+01, v28  }
0xd5: {  	v30 =	vld [tilespmem:s16+$0x4070];
	[tilespmem:s16+$0x4050] =	vst v5;
	v5 =	vadd.f32 v9, v11;
	v11 =	vmul.f32 $3.200000000e+01, v25  }
0xd6: {  	v31 =	vld [tilespmem:s16+$0x6070];
	v61 =	vmul.f32 $3.200000000e+01, v16;
	v63 =	vmul.f32 $3.200000000e+01, v32;
	[tilespmem:s16+$0x6040] =	vst v6;
	v4 =	vadd.f32 v4, v20  }
0xd7: {  	v22 =	vmul.f32 $3.200000000e+01, v27;
	v9 =	vld [tilespmem:s16+$0x12020];
	v11 =	vadd.f32 v11, v20;
	[tilespmem:s16+$0x8050] =	vst v5;
	v5 =	vmul.f32 $3.200000000e+01, v7  }
0xd8: {  	v6 =	vld [tilespmem:s16+$0x12010];
	v7 =	vmul.f32 $3.200000000e+01, v10;
	[tilespmem:s16+$0x8060] =	vst v4;
	v4 =	vmul.f32 $3.200000000e+01, v23  }
0xd9: {  	v3 =	vld [tilespmem:s16+$0x4030];
	[tilespmem:s16+$0x2060] =	vst v11;
	v11 =	vmul.f32 $3.200000000e+01, v8;
	v8 =	vmul.f32 $3.200000000e+01, v18;
	v18 =	vadd.f32 v22, v20  }
0xda: {  	v12 =	vld [tilespmem:s16+$0x8030];
	v5 =	vadd.f32 v5, v21;
	v21 =	vmul.f32 $3.200000000e+01, v29;
	v22 =	vmul.f32 $3.200000000e+01, v30  }
0xdb: {  	v14 =	vld [tilespmem:s16+$0x8000];
	v20 =	vmul.f32 $3.200000000e+01, v17;
	[tilespmem:s16+$0x6060] =	vst v18;
	v18 =	vmul.f32 $3.200000000e+01, v19  }
0xdc: {  	v10 =	vld [tilespmem:s16+$0x12030];
	v23 =	vadd.f32 v61, v9;
	v62 =	vadd.f32 v21, v13;
	v19 =	vmul.f32 $3.200000000e+01, v31  }
0xdd: {  	v16 =	vld [tilespmem:s16+$0x6000];
	v17 =	vmul.f32 $3.200000000e+01, v24;
	v22 =	vadd.f32 v22, v13;
	v21 =	vadd.f32 v18, v6  }
0xde: {  	s19 =	simm.s32 $0x0;
	s23 =	sadd.s32 $0x1000, s25;
	v15 =	vmul.f32 $3.200000000e+01, v15;
	v19 =	vadd.f32 v19, v13;
	v18 =	vld [tilespmem:s16+$0x2000];
	v13 =	vadd.f32 v63, v9;
	[tilespmem:s16+$0x2070] =	vst v62  }
.LBB2_4:
0xdf: {  	s26 =	sshra.s32 s23, $0x2;
	s19 =	sadd.s32 $0x8, s19;
	v24 =	vld [tilespmem:s16+$0x4000];
	v17 =	vadd.f32 v17, v6;
	v20 =	vadd.f32 v20, v6;
	v12 =	vmul.f32 $3.200000000e+01, v12;
	[tilespmem:s16+$0x4070] =	vst v22  }
0xe0: {  	v22 =	vld [tilespmem:s26+$0x2050];
	p0 =	slt.u32 s19, $0x38;
	v14 =	vmul.f32 $3.200000000e+01, v14;
	[tilespmem:s16+$0x2010] =	vst v21;
	v21 =	vadd.f32 v4, v9;
	v9 =	vadd.f32 v15, v9  }
0xe1: {  	v3 =	vmul.f32 $3.200000000e+01, v3;
	v4 =	vld [tilespmem:s26+$0x12070];
	[tilespmem:s16+$0x8020] =	vst v23;
	v11 =	vadd.f32 v11, v10;
	v12 =	vadd.f32 v12, v10  }
0xe2: {  	v7 =	vadd.f32 v7, v10;
	v15 =	vld [tilespmem:s26+$0x8070];
	v16 =	vmul.f32 $3.200000000e+01, v16;
	v14 =	vadd.f32 v14, v2;
	[tilespmem:s16+$0x6070] =	vst v19  }
0xe3: {  	v6 =	vadd.f32 v8, v6;
	v3 =	vadd.f32 v3, v10;
	v19 =	vld [tilespmem:s26+$0x12000];
	v18 =	vmul.f32 $3.200000000e+01, v18;
	[tilespmem:s16+$0x8010] =	vst v20  }
0xe4: {  	v8 =	vld [tilespmem:s26+$0x8040];
	v10 =	vmul.f32 $3.200000000e+01, v24;
	v16 =	vadd.f32 v16, v2;
	[tilespmem:s16+$0x4040] =	vst v5  }
0xe5: {  	v5 =	vld [tilespmem:s26+$0x6040];
	v18 =	vadd.f32 v18, v2;
	[tilespmem:s16+$0x6030] =	vst v11  }
0xe6: {  	v11 =	vld [tilespmem:s26+$0x6030];
	v10 =	vadd.f32 v10, v2;
	[tilespmem:s16+$0x4020] =	vst v9  }
0xe7: {  	v9 =	vld [tilespmem:s26+$0x4040];
	v15 =	vmul.f32 $3.200000000e+01, v15;
	[tilespmem:s16+$0x6000] =	vst v16  }
0xe8: {  	v16 =	vld [tilespmem:s26+$0x8020];
	[tilespmem:s16+$0x2000] =	vst v18;
	v2 =	vmov v19  }
0xe9: {  	v18 =	vld [tilespmem:s26+$0x2040];
	v15 =	vadd.f32 v15, v4;
	[tilespmem:s16+$0x2030] =	vst v7  }
0xea: {  	v7 =	vld [tilespmem:s26+$0x2030];
	[tilespmem:s16+$0x2020] =	vst v21  }
0xeb: {  	v19 =	vld [tilespmem:s26+$0x4020];
	[tilespmem:s16+$0x6020] =	vst v13  }
0xec: {  	v13 =	vld [tilespmem:s26+$0x2020];
	[tilespmem:s16+$0x4000] =	vst v10  }
0xed: {  	v10 =	vld [tilespmem:s26+$0x8010];
	[tilespmem:s16+$0x6010] =	vst v6  }
0xee: {  	v20 =	vld [tilespmem:s26+$0x6010];
	[tilespmem:s16+$0x8000] =	vst v14  }
0xef: {  	v6 =	vld [tilespmem:s26+$0x12050];
	[tilespmem:s16+$0x4010] =	vst v17  }
0xf0: {  	v17 =	vld [tilespmem:s26+$0x2010];
	[tilespmem:s16+$0x8030] =	vst v12  }
0xf1: {  	v23 =	vld [tilespmem:s26+$0x4010];
	[tilespmem:s16+$0x4030] =	vst v3;
	s16 =	smov.u32 s26  }
0xf2: {  	v3 =	vld [tilespmem:s16+$0x4030];
	[tilespmem:s16+$0x8070] =	vst v15  }
0xf3: {  	v14 =	vld [tilespmem:s16+$0x12060]  }
0xf4: {  	v12 =	vld [tilespmem:s16+$0x12040]  }
0xf5: {  	v15 =	vmul.f32 $3.200000000e+01, v18;
	v18 =	vld [tilespmem:s16+$0x4050]  }
0xf6: {  	v9 =	vmul.f32 $3.200000000e+01, v9;
	v21 =	vld [tilespmem:s16+$0x6050]  }
0xf7: {  	v24 =	vmul.f32 $3.200000000e+01, v5;
	v25 =	vld [tilespmem:s16+$0x8050]  }
0xf8: {  	v8 =	vmul.f32 $3.200000000e+01, v8;
	v26 =	vld [tilespmem:s16+$0x2060]  }
0xf9: {  	v22 =	vmul.f32 $3.200000000e+01, v22;
	v5 =	vadd.f32 v9, v12;
	v9 =	vadd.f32 v24, v12;
	v24 =	vld [tilespmem:s16+$0x4060]  }
0xfa: {  	v15 =	vadd.f32 v15, v12;
	v8 =	vadd.f32 v8, v12;
	v12 =	vmul.f32 $3.200000000e+01, v18;
	v18 =	vld [tilespmem:s16+$0x6060]  }
0xfb: {  	[tilespmem:s16+$0x6040] =	vst v9;
	v9 =	vadd.f32 v22, v6;
	v21 =	vmul.f32 $3.200000000e+01, v21;
	v22 =	vld [tilespmem:s16+$0x8060]  }
0xfc: {  	[tilespmem:s16+$0x2040] =	vst v15;
	v12 =	vadd.f32 v12, v6;
	v15 =	vmul.f32 $3.200000000e+01, v25;
	v25 =	vld [tilespmem:s16+$0x2070]  }
0xfd: {  	[tilespmem:s16+$0x8040] =	vst v8;
	v21 =	vadd.f32 v21, v6;
	v8 =	vmul.f32 $3.200000000e+01, v26;
	v26 =	vld [tilespmem:s16+$0x4070]  }
0xfe: {  	v7 =	vmul.f32 $3.200000000e+01, v7;
	[tilespmem:s16+$0x2050] =	vst v9;
	v27 =	vadd.f32 v15, v6;
	v9 =	vmul.f32 $3.200000000e+01, v24;
	v24 =	vld [tilespmem:s16+$0x6070]  }
0xff: {  	v11 =	vmul.f32 $3.200000000e+01, v11;
	v28 =	vld [tilespmem:s16+$0x6020];
	[tilespmem:s16+$0x4050] =	vst v12;
	v29 =	vadd.f32 v8, v14;
	v12 =	vmul.f32 $3.200000000e+01, v18  }
0x100: {  	v8 =	vmul.f32 $3.200000000e+01, v20;
	v6 =	vld [tilespmem:s16+$0x12010];
	[tilespmem:s16+$0x6050] =	vst v21;
	v18 =	vadd.f32 v9, v14;
	v20 =	vmul.f32 $3.200000000e+01, v22  }
0x101: {  	v15 =	vmul.f32 $3.200000000e+01, v19;
	v9 =	vld [tilespmem:s16+$0x12020];
	[tilespmem:s16+$0x8050] =	vst v27;
	v19 =	vadd.f32 v12, v14;
	v21 =	vmul.f32 $3.200000000e+01, v25  }
.Ltmp2:
0x102: {  	v25 =	vmul.f32 $3.200000000e+01, v16;
	v12 =	vld [tilespmem:s16+$0x8030];
	[tilespmem:s16+$0x2060] =	vst v29;
	v27 =	vadd.f32 v20, v14;
	v16 =	vmul.f32 $3.200000000e+01, v26;
	(pc) =	sbr.rel @p0 .LBB2_4-.Ltmp2, $4  }
0x103: {  	v17 =	vmul.f32 $3.200000000e+01, v17;
	v14 =	vld [tilespmem:s16+$0x8000];
	[tilespmem:s16+$0x4060] =	vst v18;
	v26 =	vadd.f32 v21, v4;
	v18 =	vmul.f32 $3.200000000e+01, v24  }
0x104: {  	v20 =	vmul.f32 $3.200000000e+01, v10;
	v24 =	vmul.f32 $3.200000000e+01, v28;
	v10 =	vld [tilespmem:s16+$0x12030];
	[tilespmem:s16+$0x6060] =	vst v19;
	v22 =	vadd.f32 v16, v4  }
0x105: {  	v16 =	vld [tilespmem:s16+$0x6000];
	v21 =	vadd.f32 v17, v6;
	v17 =	vmul.f32 $3.200000000e+01, v23;
	[tilespmem:s16+$0x8060] =	vst v27;
	v19 =	vadd.f32 v18, v4  }
0x106: {  	s23 =	sadd.s32 $0x1000, s23;
	v4 =	vmul.f32 $3.200000000e+01, v13;
	v18 =	vld [tilespmem:s16+$0x2000];
	v13 =	vadd.f32 v24, v9;
	v23 =	vadd.f32 v25, v9;
	[tilespmem:s16+$0x2070] =	vst v26  }
0x107: {  	[tilespmem:s16+$0x4070] =	vst v22  }
0x108: {  	[tilespmem:s16+$0x2010] =	vst v21  }
0x109: {  	[tilespmem:s16+$0x6070] =	vst v19  }
0x10a: {  	[tilespmem:s16+$0x4040] =	vst v5  }
0x10b: {  	v20 =	vadd.f32 v20, v6;
	[tilespmem:s16+$0x8020] =	vst v23  }
0x10c: {  	v15 =	vadd.f32 v15, v9;
	[tilespmem:s16+$0x6020] =	vst v13  }
0x10d: {  	v60 =	vadd.f32 v8, v6;
	[tilespmem:s16+$0x8010] =	vst v20  }
0x10e: {  	v24 =	vld [tilespmem:s16+$0x4000];
	v62 =	vadd.f32 v17, v6;
	[tilespmem:s16+$0x4020] =	vst v15  }
0x10f: {  	v4 =	vadd.f32 v4, v9;
	[tilespmem:s16+$0x6010] =	vst v60  }
0x110: {  	v61 =	vmul.f32 $3.200000000e+01, v12;
	v11 =	vadd.f32 v11, v10;
	[tilespmem:s16+$0x4010] =	vst v62  }
0x111: {  	v7 =	vadd.f32 v7, v10;
	v16 =	vmul.f32 $3.200000000e+01, v16;
	[tilespmem:s16+$0x2020] =	vst v4  }
0x112: {  	v63 =	vadd.f32 v61, v10;
	v18 =	vmul.f32 $3.200000000e+01, v18;
	[tilespmem:s16+$0x6030] =	vst v11  }
0x113: {  	s31 =	sadd.s32 $0x1, s31;
	v59 =	vmul.f32 $3.200000000e+01, v14;
	[tilespmem:s16+$0x2030] =	vst v7;
	v56 =	vadd.f32 v16, v2;
	v58 =	vmul.f32 $3.200000000e+01, v24  }
0x114: {  	p0 =	sne.s32 s31, $0x8;
	[tilespmem:s16+$0x8030] =	vst v63;
	v57 =	vadd.f32 v18, v2  }
.Ltmp3:
0x115: {  	v3 =	vmul.f32 $3.200000000e+01, v3;
	[tilespmem:s16+$0x6000] =	vst v56;
	v5 =	vadd.f32 v58, v2;
	v2 =	vadd.f32 v59, v2;
	(pc) =	sbr.rel @p0 .LBB2_3-.Ltmp3, $4  }
0x116: {  	[tilespmem:s16+$0x2000] =	vst v57  }
0x117: {  	[tilespmem:s16+$0x8000] =	vst v2;
	v2 =	vadd.f32 v3, v10  }
0x118: {  	[tilespmem:s16+$0x4000] =	vst v5  }
0x119: {  	s25 =	sadd.s32 $0x200, s25;
	[tilespmem:s16+$0x4030] =	vst v2  }
0x11a: {  	s16 =	sshll.u32 s29, $0x4  }
0x11b: {  	s19 =	sadd.s32 s6, s16  }
0x11c: {  	s19 =	sshll.u32 s19, $0x7  }
0x11d: {  	s26 =	simm.s32 $0x2000;
	s23 =	sadd.s32 s12, s16;
	s19 =	sadd.s32 s3, s19  }
0x11e: {  	[hbm4b:s19+s4] =	stream.linear.scatter [tilespmem:s26], [sflag:$0x9], $0x2000, $0x38;
	[tilespmem:$0x16000] =	vst v63  }
0x11f: {  	s31 =	simm.s32 $0x4000;
	s19 =	sshll.u32 s23, $0x7  }
0x120: {  	p0 =	sne.s32 s29, $0x7;
	s25 =	sadd.s32 s13, s16;
	s19 =	sadd.s32 s3, s19  }
0x121: {  	[hbm4b:s19+s4] =	stream.linear.scatter [tilespmem:s31], [sflag:$0xA], $0x2000, $0x38;
	[tilespmem:$0x16000] =	vst v63  }
.Ltmp4:
0x122: {  	s16 =	sadd.s32 s14, s16;
	s19 =	sshll.u32 s25, $0x7;
	(pc) =	sbr.rel @p0 .LBB2_8-.Ltmp4, $4  }
0x123: {  	s16 =	sshll.u32 s16, $0x7;
	s23 =	simm.s32 $0x6000;
	s19 =	sadd.s32 s3, s19  }
0x124: {  	[hbm4b:s19+s4] =	stream.linear.scatter [tilespmem:s23], [sflag:$0xB], $0x2000, $0x38;
	[tilespmem:$0x16000] =	vst v63  }
0x125: {  	s16 =	sadd.s32 s3, s16;
	s25 =	simm.s32 $0x8000  }
0x126: {  	[hbm4b:s16+s4] =	stream.linear.scatter [tilespmem:s25], [sflag:$0xC], $0x2000, $0x38;
	[tilespmem:$0x16000] =	vst v63  }
0x127: {  	_ =	swait.ge [sflag:s0], $0x2000  }
0x128: {  	[sflag:s0] =	ssyncset.done $0x0  }
0x129: {  	[sflag:s0] =	ssyncadd.s32 $0xFFFFE000  }
0x12a: {  	_ =	swait.ge [sflag:s7], $0x2000  }
0x12b: {  	[sflag:s7] =	ssyncset.done $0x0  }
0x12c: {  	[sflag:s7] =	ssyncadd.s32 $0xFFFFE000  }
0x12d: {  	_ =	swait.ge [sflag:s8], $0x2000  }
0x12e: {  	[sflag:s8] =	ssyncset.done $0x0  }
0x12f: {  	[sflag:s8] =	ssyncadd.s32 $0xFFFFE000  }
0x130: {  	_ =	swait.ge [sflag:s18], $0x2000  }
.Ltmp5:
0x131: {  	[sflag:s18] =	ssyncset.done $0x0;
	(pc) =	sbr.rel .LBB2_9-.Ltmp5, $4  }
0x132: {  	[sflag:s18] =	ssyncadd.s32 $0xFFFFE000  }
0x133: {  	_ =	swait.ge [sflag:s21], $0x2000  }
0x134: {  	[sflag:s21] =	ssyncset.done $0x0  }
0x135: {  	[sflag:s21] =	ssyncadd.s32 $0xFFFFE000  }
.LBB2_8:
0x136: {  	s16 =	sadd.s32 $0x2, s17  }
0x137: {  	s19 =	rddreg [dreg:$0x5];
	s17 =	sshll.u32 s16, $0xA  }
0x138: {  	s17 =	sadd.s32 s17, s19;
	s19 =	simm.s32 $0x12000  }
0x139: {  	[tilespmem:s19], [sflag:$0x11] =	stream.linear.gather [hbm4b:s17+s4], $0x2000, $0x38;
	[tilespmem:$0x16000] =	vst v63  }
0x13a: {  	_ =	swait.ge [sflag:s0], $0x2000  }
0x13b: {  	[sflag:s0] =	ssyncset.done $0x0  }
0x13c: {  	[sflag:s0] =	ssyncadd.s32 $0xFFFFE000  }
0x13d: {  	_ =	swait.ge [sflag:s7], $0x2000  }
0x13e: {  	s16 =	sshll.u32 s16, $0x7;
	[sflag:s7] =	ssyncset.done $0x0  }
0x13f: {  	s16 =	sand.u32 $0x3FFFFF80, s16;
	[sflag:s7] =	ssyncadd.s32 $0xFFFFE000  }
0x140: {  	v2 =	vld.msk [tilespmem:s16+$0x0], $0xff;
	_ =	sdelay $0x4  }
0x141: {  	v3 =	vshll.u32 v2, $0x3  }
0x142: {  	v2 =	vand.u32 $0x7, v2;
	v3 =	vand.u32 $0xFFFFFFC0, v3  }
0x143: {  	v2 =	vor.u32 v2, v3  }
0x144: {  	v2 =	vperm.xlane v2, v0;
	_ =	sdelay $0x1  }
0x145: {  	v2 =	vadd.s32 v1, v2;
	_ =	sdelay $0x4  }
0x146: {  	[tilespmem:s26], [sflag:$0x1] =	stream.indirect_vreg.gather [hbm4b:s1+s4], $0x80, v2, vm0, $0xb8;
	[tilespmem:$0x16000] =	vst v63  }
0x147: {  	s19 =	simm.s32 $0x2800  }
0x148: {  	[tilespmem:s19], [sflag:$0x1] =	stream.indirect_vreg.gather [hbm4b:s9+s4], $0x80, v2, vm0, $0xb8;
	[tilespmem:$0x16000] =	vst v63  }
0x149: {  	s17 =	simm.s32 $0x3000  }
0x14a: {  	[tilespmem:s17], [sflag:$0x1] =	stream.indirect_vreg.gather [hbm4b:s10+s4], $0x80, v2, vm0, $0xb8;
	[tilespmem:$0x16000] =	vst v63  }
0x14b: {  	s19 =	simm.s32 $0x3800  }
0x14c: {  	[tilespmem:s19], [sflag:$0x1] =	stream.indirect_vreg.gather [hbm4b:s11+s4], $0x80, v2, vm0, $0xb8;
	[tilespmem:$0x16000] =	vst v63  }
0x14d: {  	_ =	swait.ge [sflag:s8], $0x2000  }
0x14e: {  	[sflag:s8] =	ssyncset.done $0x0  }
0x14f: {  	[sflag:s8] =	ssyncadd.s32 $0xFFFFE000  }
0x150: {  	v2 =	vld.msk [tilespmem:s15+$0x900], $0xff;
	_ =	sdelay $0x4  }
0x151: {  	v3 =	vshll.u32 v2, $0x3  }
0x152: {  	v2 =	vand.u32 $0x7, v2;
	v3 =	vand.u32 $0xFFFFFFC0, v3  }
0x153: {  	v2 =	vor.u32 v2, v3  }
0x154: {  	v2 =	vperm.xlane v2, v0;
	_ =	sdelay $0x1  }
0x155: {  	v2 =	vadd.s32 v1, v2;
	_ =	sdelay $0x4  }
0x156: {  	[tilespmem:s31], [sflag:$0x2] =	stream.indirect_vreg.gather [hbm4b:s1+s4], $0x80, v2, vm0, $0xb8;
	[tilespmem:$0x16000] =	vst v63  }
0x157: {  	s17 =	simm.s32 $0x4800  }
0x158: {  	[tilespmem:s17], [sflag:$0x2] =	stream.indirect_vreg.gather [hbm4b:s9+s4], $0x80, v2, vm0, $0xb8;
	[tilespmem:$0x16000] =	vst v63  }
0x159: {  	s19 =	simm.s32 $0x5000  }
0x15a: {  	[tilespmem:s19], [sflag:$0x2] =	stream.indirect_vreg.gather [hbm4b:s10+s4], $0x80, v2, vm0, $0xb8;
	[tilespmem:$0x16000] =	vst v63  }
0x15b: {  	s17 =	simm.s32 $0x5800  }
0x15c: {  	[tilespmem:s17], [sflag:$0x2] =	stream.indirect_vreg.gather [hbm4b:s11+s4], $0x80, v2, vm0, $0xb8;
	[tilespmem:$0x16000] =	vst v63  }
0x15d: {  	_ =	swait.ge [sflag:s18], $0x2000  }
0x15e: {  	[sflag:s18] =	ssyncset.done $0x0  }
0x15f: {  	[sflag:s18] =	ssyncadd.s32 $0xFFFFE000  }
0x160: {  	v2 =	vld.msk [tilespmem:s15+$0x1100], $0xff;
	_ =	sdelay $0x4  }
0x161: {  	v3 =	vshll.u32 v2, $0x3  }
0x162: {  	v2 =	vand.u32 $0x7, v2;
	v3 =	vand.u32 $0xFFFFFFC0, v3  }
0x163: {  	v2 =	vor.u32 v2, v3  }
0x164: {  	v2 =	vperm.xlane v2, v0;
	_ =	sdelay $0x1  }
0x165: {  	v2 =	vadd.s32 v1, v2;
	_ =	sdelay $0x4  }
0x166: {  	[tilespmem:s23], [sflag:$0x3] =	stream.indirect_vreg.gather [hbm4b:s1+s4], $0x80, v2, vm0, $0xb8;
	[tilespmem:$0x16000] =	vst v63  }
0x167: {  	s19 =	simm.s32 $0x6800  }
0x168: {  	[tilespmem:s19], [sflag:$0x3] =	stream.indirect_vreg.gather [hbm4b:s9+s4], $0x80, v2, vm0, $0xb8;
	[tilespmem:$0x16000] =	vst v63  }
0x169: {  	s23 =	simm.s32 $0x7000  }
0x16a: {  	[tilespmem:s23], [sflag:$0x3] =	stream.indirect_vreg.gather [hbm4b:s10+s4], $0x80, v2, vm0, $0xb8;
	[tilespmem:$0x16000] =	vst v63  }
0x16b: {  	s17 =	simm.s32 $0x7800  }
0x16c: {  	[tilespmem:s17], [sflag:$0x3] =	stream.indirect_vreg.gather [hbm4b:s11+s4], $0x80, v2, vm0, $0xb8;
	[tilespmem:$0x16000] =	vst v63  }
0x16d: {  	_ =	swait.ge [sflag:s21], $0x2000  }
0x16e: {  	[sflag:s21] =	ssyncset.done $0x0  }
0x16f: {  	[sflag:s21] =	ssyncadd.s32 $0xFFFFE000  }
0x170: {  	v2 =	vld.msk [tilespmem:s15+$0x1900], $0xff;
	_ =	sdelay $0x4  }
0x171: {  	v3 =	vshll.u32 v2, $0x3  }
0x172: {  	v2 =	vand.u32 $0x7, v2;
	v3 =	vand.u32 $0xFFFFFFC0, v3  }
0x173: {  	v2 =	vor.u32 v2, v3  }
0x174: {  	v2 =	vperm.xlane v2, v0;
	_ =	sdelay $0x1  }
0x175: {  	v2 =	vadd.s32 v1, v2;
	_ =	sdelay $0x4  }
0x176: {  	[tilespmem:s25], [sflag:$0x4] =	stream.indirect_vreg.gather [hbm4b:s1+s4], $0x80, v2, vm0, $0xb8;
	[tilespmem:$0x16000] =	vst v63  }
0x177: {  	s19 =	simm.s32 $0x8800  }
0x178: {  	[tilespmem:s19], [sflag:$0x4] =	stream.indirect_vreg.gather [hbm4b:s9+s4], $0x80, v2, vm0, $0xb8;
	[tilespmem:$0x16000] =	vst v63  }
0x179: {  	s23 =	simm.s32 $0x9000  }
0x17a: {  	[tilespmem:s23], [sflag:$0x4] =	stream.indirect_vreg.gather [hbm4b:s10+s4], $0x80, v2, vm0, $0xb8;
	[tilespmem:$0x16000] =	vst v63  }
0x17b: {  	s25 =	simm.s32 $0x9800  }
0x17c: {  	[tilespmem:s25], [sflag:$0x4] =	stream.indirect_vreg.gather [hbm4b:s11+s4], $0x80, v2, vm0, $0xb8;
	[tilespmem:$0x16000] =	vst v63  }
.LBB2_9:
0x17d: {  	_ =	swait.ge [sflag:s22], $0x2000  }
0x17e: {  	[sflag:s22] =	ssyncset.done $0x0  }
0x17f: {  	[sflag:s22] =	ssyncadd.s32 $0xFFFFE000  }
0x180: {  	_ =	swait.ge [sflag:s5], $0x2000  }
0x181: {  	[sflag:s5] =	ssyncset.done $0x0  }
0x182: {  	[sflag:s5] =	ssyncadd.s32 $0xFFFFE000  }
0x183: {  	_ =	swait.ge [sflag:s20], $0x2000  }
0x184: {  	[sflag:s20] =	ssyncset.done $0x0  }
0x185: {  	[sflag:s20] =	ssyncadd.s32 $0xFFFFE000  }
0x186: {  	_ =	swait.ge [sflag:s24], $0x2000  }
0x187: {  	[sflag:s24] =	ssyncset.done $0x0  }
0x188: {  	s15 =	simm.s32 $0x0;
	s17 =	simm.s32 $0x0;
	[sflag:s24] =	ssyncadd.s32 $0xFFFFE000  }
.LBB2_10:
0x189: {  	s16 =	sshra.s32 s15, $0x2  }
0x18a: {  	v4 =	vld [tilespmem:s16+$0xA050]  }
0x18b: {  	v13 =	vld [tilespmem:s16+$0x14070]  }
0x18c: {  	v3 =	vld [tilespmem:s16+$0x10070]  }
0x18d: {  	v2 =	vld [tilespmem:s16+$0x14000]  }
0x18e: {  	v5 =	vld [tilespmem:s16+$0x10040]  }
0x18f: {  	v6 =	vld [tilespmem:s16+$0xE040]  }
0x190: {  	v8 =	vld [tilespmem:s16+$0xE030]  }
0x191: {  	v7 =	vld [tilespmem:s16+$0xC040]  }
0x192: {  	v16 =	vld [tilespmem:s16+$0x10020]  }
0x193: {  	v9 =	vld [tilespmem:s16+$0xA040]  }
0x194: {  	v10 =	vld [tilespmem:s16+$0xA030]  }
0x195: {  	v15 =	vld [tilespmem:s16+$0xC020]  }
0x196: {  	v23 =	vld [tilespmem:s16+$0xA020]  }
0x197: {  	v11 =	vld [tilespmem:s16+$0x14050]  }
0x198: {  	v17 =	vld [tilespmem:s16+$0x10010]  }
0x199: {  	v14 =	vld [tilespmem:s16+$0xE050];
	v3 =	vmul.f32 $3.200000000e+01, v3  }
0x19a: {  	v18 =	vld [tilespmem:s16+$0xE010];
	v4 =	vmul.f32 $3.200000000e+01, v4  }
0x19b: {  	v19 =	vld [tilespmem:s16+$0xA010];
	v12 =	vadd.f32 v3, v13  }
0x19c: {  	v21 =	vld [tilespmem:s16+$0x14040];
	v4 =	vadd.f32 v4, v11  }
0x19d: {  	v26 =	vld [tilespmem:s16+$0xC060];
	[tilespmem:s16+$0x10070] =	vst v12  }
0x19e: {  	v12 =	vld [tilespmem:s16+$0xC050];
	[tilespmem:s16+$0xA050] =	vst v4;
	v4 =	vmul.f32 $3.200000000e+01, v14  }
0x19f: {  	v20 =	vld [tilespmem:s16+$0x14060];
	v5 =	vmul.f32 $3.200000000e+01, v5  }
0x1a0: {  	v22 =	vld [tilespmem:s16+$0x10050];
	v4 =	vadd.f32 v4, v11  }
0x1a1: {  	v28 =	vld [tilespmem:s16+$0x10060];
	v9 =	vmul.f32 $3.200000000e+01, v9;
	v5 =	vadd.f32 v5, v21  }
0x1a2: {  	v25 =	vld [tilespmem:s16+$0xA060];
	[tilespmem:s16+$0xE050] =	vst v4;
	v4 =	vmul.f32 $3.200000000e+01, v26  }
0x1a3: {  	v32 =	vld [tilespmem:s16+$0xE020];
	v9 =	vadd.f32 v9, v21;
	[tilespmem:s16+$0x10040] =	vst v5;
	v5 =	vmul.f32 $3.200000000e+01, v12  }
0x1a4: {  	v27 =	vld [tilespmem:s16+$0xE060];
	v6 =	vmul.f32 $3.200000000e+01, v6;
	v4 =	vadd.f32 v4, v20  }
0x1a5: {  	v24 =	vld [tilespmem:s16+$0xC010];
	[tilespmem:s16+$0xA040] =	vst v9;
	v9 =	vmul.f32 $3.200000000e+01, v22;
	v5 =	vadd.f32 v5, v11  }
0x1a6: {  	v29 =	vld [tilespmem:s16+$0xA070];
	v6 =	vadd.f32 v6, v21;
	[tilespmem:s16+$0xC060] =	vst v4;
	v4 =	vmul.f32 $3.200000000e+01, v28  }
0x1a7: {  	v30 =	vld [tilespmem:s16+$0xC070];
	[tilespmem:s16+$0xC050] =	vst v5;
	v5 =	vadd.f32 v9, v11;
	v11 =	vmul.f32 $3.200000000e+01, v25  }
0x1a8: {  	v31 =	vld [tilespmem:s16+$0xE070];
	v61 =	vmul.f32 $3.200000000e+01, v16;
	v63 =	vmul.f32 $3.200000000e+01, v32;
	[tilespmem:s16+$0xE040] =	vst v6;
	v4 =	vadd.f32 v4, v20  }
0x1a9: {  	v22 =	vmul.f32 $3.200000000e+01, v27;
	v9 =	vld [tilespmem:s16+$0x14020];
	v11 =	vadd.f32 v11, v20;
	[tilespmem:s16+$0x10050] =	vst v5;
	v5 =	vmul.f32 $3.200000000e+01, v7  }
0x1aa: {  	v6 =	vld [tilespmem:s16+$0x14010];
	v7 =	vmul.f32 $3.200000000e+01, v10;
	[tilespmem:s16+$0x10060] =	vst v4;
	v4 =	vmul.f32 $3.200000000e+01, v23  }
0x1ab: {  	v3 =	vld [tilespmem:s16+$0xC030];
	[tilespmem:s16+$0xA060] =	vst v11;
	v11 =	vmul.f32 $3.200000000e+01, v8;
	v8 =	vmul.f32 $3.200000000e+01, v18;
	v18 =	vadd.f32 v22, v20  }
0x1ac: {  	v12 =	vld [tilespmem:s16+$0x10030];
	v5 =	vadd.f32 v5, v21;
	v21 =	vmul.f32 $3.200000000e+01, v29;
	v22 =	vmul.f32 $3.200000000e+01, v30  }
0x1ad: {  	v14 =	vld [tilespmem:s16+$0x10000];
	v20 =	vmul.f32 $3.200000000e+01, v17;
	[tilespmem:s16+$0xE060] =	vst v18;
	v18 =	vmul.f32 $3.200000000e+01, v19  }
0x1ae: {  	v10 =	vld [tilespmem:s16+$0x14030];
	v23 =	vadd.f32 v61, v9;
	v62 =	vadd.f32 v21, v13;
	v19 =	vmul.f32 $3.200000000e+01, v31  }
0x1af: {  	v16 =	vld [tilespmem:s16+$0xE000];
	v17 =	vmul.f32 $3.200000000e+01, v24;
	v22 =	vadd.f32 v22, v13;
	v21 =	vadd.f32 v18, v6  }
0x1b0: {  	s19 =	simm.s32 $0x0;
	s23 =	sadd.s32 $0x1000, s15;
	v15 =	vmul.f32 $3.200000000e+01, v15;
	v19 =	vadd.f32 v19, v13;
	v18 =	vld [tilespmem:s16+$0xA000];
	v13 =	vadd.f32 v63, v9;
	[tilespmem:s16+$0xA070] =	vst v62  }
.LBB2_11:
0x1b1: {  	s25 =	sshra.s32 s23, $0x2;
	s19 =	sadd.s32 $0x8, s19;
	v24 =	vld [tilespmem:s16+$0xC000];
	v17 =	vadd.f32 v17, v6;
	v20 =	vadd.f32 v20, v6;
	v12 =	vmul.f32 $3.200000000e+01, v12;
	[tilespmem:s16+$0xC070] =	vst v22  }
0x1b2: {  	v22 =	vld [tilespmem:s25+$0xA050];
	p0 =	slt.u32 s19, $0x38;
	v14 =	vmul.f32 $3.200000000e+01, v14;
	[tilespmem:s16+$0xA010] =	vst v21;
	v21 =	vadd.f32 v4, v9;
	v9 =	vadd.f32 v15, v9  }
0x1b3: {  	v3 =	vmul.f32 $3.200000000e+01, v3;
	v4 =	vld [tilespmem:s25+$0x14070];
	[tilespmem:s16+$0x10020] =	vst v23;
	v11 =	vadd.f32 v11, v10;
	v12 =	vadd.f32 v12, v10  }
0x1b4: {  	v7 =	vadd.f32 v7, v10;
	v15 =	vld [tilespmem:s25+$0x10070];
	v16 =	vmul.f32 $3.200000000e+01, v16;
	v14 =	vadd.f32 v14, v2;
	[tilespmem:s16+$0xE070] =	vst v19  }
0x1b5: {  	v6 =	vadd.f32 v8, v6;
	v3 =	vadd.f32 v3, v10;
	v19 =	vld [tilespmem:s25+$0x14000];
	v18 =	vmul.f32 $3.200000000e+01, v18;
	[tilespmem:s16+$0x10010] =	vst v20  }
0x1b6: {  	v8 =	vld [tilespmem:s25+$0x10040];
	v10 =	vmul.f32 $3.200000000e+01, v24;
	v16 =	vadd.f32 v16, v2;
	[tilespmem:s16+$0xC040] =	vst v5  }
0x1b7: {  	v5 =	vld [tilespmem:s25+$0xE040];
	v18 =	vadd.f32 v18, v2;
	[tilespmem:s16+$0xE030] =	vst v11  }
0x1b8: {  	v11 =	vld [tilespmem:s25+$0xE030];
	v10 =	vadd.f32 v10, v2;
	[tilespmem:s16+$0xC020] =	vst v9  }
0x1b9: {  	v9 =	vld [tilespmem:s25+$0xC040];
	v15 =	vmul.f32 $3.200000000e+01, v15;
	[tilespmem:s16+$0xE000] =	vst v16  }
0x1ba: {  	v16 =	vld [tilespmem:s25+$0x10020];
	[tilespmem:s16+$0xA000] =	vst v18;
	v2 =	vmov v19  }
0x1bb: {  	v18 =	vld [tilespmem:s25+$0xA040];
	v15 =	vadd.f32 v15, v4;
	[tilespmem:s16+$0xA030] =	vst v7  }
0x1bc: {  	v7 =	vld [tilespmem:s25+$0xA030];
	[tilespmem:s16+$0xA020] =	vst v21  }
0x1bd: {  	v19 =	vld [tilespmem:s25+$0xC020];
	[tilespmem:s16+$0xE020] =	vst v13  }
0x1be: {  	v13 =	vld [tilespmem:s25+$0xA020];
	[tilespmem:s16+$0xC000] =	vst v10  }
0x1bf: {  	v10 =	vld [tilespmem:s25+$0x10010];
	[tilespmem:s16+$0xE010] =	vst v6  }
0x1c0: {  	v20 =	vld [tilespmem:s25+$0xE010];
	[tilespmem:s16+$0x10000] =	vst v14  }
0x1c1: {  	v6 =	vld [tilespmem:s25+$0x14050];
	[tilespmem:s16+$0xC010] =	vst v17  }
0x1c2: {  	v17 =	vld [tilespmem:s25+$0xA010];
	[tilespmem:s16+$0x10030] =	vst v12  }
0x1c3: {  	v23 =	vld [tilespmem:s25+$0xC010];
	[tilespmem:s16+$0xC030] =	vst v3;
	s16 =	smov.u32 s25  }
0x1c4: {  	v3 =	vld [tilespmem:s16+$0xC030];
	[tilespmem:s16+$0x10070] =	vst v15  }
0x1c5: {  	v14 =	vld [tilespmem:s16+$0x14060]  }
0x1c6: {  	v12 =	vld [tilespmem:s16+$0x14040]  }
0x1c7: {  	v15 =	vmul.f32 $3.200000000e+01, v18;
	v18 =	vld [tilespmem:s16+$0xC050]  }
0x1c8: {  	v9 =	vmul.f32 $3.200000000e+01, v9;
	v21 =	vld [tilespmem:s16+$0xE050]  }
0x1c9: {  	v24 =	vmul.f32 $3.200000000e+01, v5;
	v25 =	vld [tilespmem:s16+$0x10050]  }
0x1ca: {  	v8 =	vmul.f32 $3.200000000e+01, v8;
	v26 =	vld [tilespmem:s16+$0xA060]  }
0x1cb: {  	v22 =	vmul.f32 $3.200000000e+01, v22;
	v5 =	vadd.f32 v9, v12;
	v9 =	vadd.f32 v24, v12;
	v24 =	vld [tilespmem:s16+$0xC060]  }
0x1cc: {  	v15 =	vadd.f32 v15, v12;
	v8 =	vadd.f32 v8, v12;
	v12 =	vmul.f32 $3.200000000e+01, v18;
	v18 =	vld [tilespmem:s16+$0xE060]  }
0x1cd: {  	[tilespmem:s16+$0xE040] =	vst v9;
	v9 =	vadd.f32 v22, v6;
	v21 =	vmul.f32 $3.200000000e+01, v21;
	v22 =	vld [tilespmem:s16+$0x10060]  }
0x1ce: {  	[tilespmem:s16+$0xA040] =	vst v15;
	v12 =	vadd.f32 v12, v6;
	v15 =	vmul.f32 $3.200000000e+01, v25;
	v25 =	vld [tilespmem:s16+$0xA070]  }
0x1cf: {  	[tilespmem:s16+$0x10040] =	vst v8;
	v21 =	vadd.f32 v21, v6;
	v8 =	vmul.f32 $3.200000000e+01, v26;
	v26 =	vld [tilespmem:s16+$0xC070]  }
0x1d0: {  	v7 =	vmul.f32 $3.200000000e+01, v7;
	[tilespmem:s16+$0xA050] =	vst v9;
	v27 =	vadd.f32 v15, v6;
	v9 =	vmul.f32 $3.200000000e+01, v24;
	v24 =	vld [tilespmem:s16+$0xE070]  }
0x1d1: {  	v11 =	vmul.f32 $3.200000000e+01, v11;
	v28 =	vld [tilespmem:s16+$0xE020];
	[tilespmem:s16+$0xC050] =	vst v12;
	v29 =	vadd.f32 v8, v14;
	v12 =	vmul.f32 $3.200000000e+01, v18  }
0x1d2: {  	v8 =	vmul.f32 $3.200000000e+01, v20;
	v6 =	vld [tilespmem:s16+$0x14010];
	[tilespmem:s16+$0xE050] =	vst v21;
	v18 =	vadd.f32 v9, v14;
	v20 =	vmul.f32 $3.200000000e+01, v22  }
0x1d3: {  	v15 =	vmul.f32 $3.200000000e+01, v19;
	v9 =	vld [tilespmem:s16+$0x14020];
	[tilespmem:s16+$0x10050] =	vst v27;
	v19 =	vadd.f32 v12, v14;
	v21 =	vmul.f32 $3.200000000e+01, v25  }
.Ltmp6:
0x1d4: {  	v25 =	vmul.f32 $3.200000000e+01, v16;
	v12 =	vld [tilespmem:s16+$0x10030];
	[tilespmem:s16+$0xA060] =	vst v29;
	v27 =	vadd.f32 v20, v14;
	v16 =	vmul.f32 $3.200000000e+01, v26;
	(pc) =	sbr.rel @p0 .LBB2_11-.Ltmp6, $4  }
0x1d5: {  	v17 =	vmul.f32 $3.200000000e+01, v17;
	v14 =	vld [tilespmem:s16+$0x10000];
	[tilespmem:s16+$0xC060] =	vst v18;
	v26 =	vadd.f32 v21, v4;
	v18 =	vmul.f32 $3.200000000e+01, v24  }
0x1d6: {  	v20 =	vmul.f32 $3.200000000e+01, v10;
	v24 =	vmul.f32 $3.200000000e+01, v28;
	v10 =	vld [tilespmem:s16+$0x14030];
	[tilespmem:s16+$0xE060] =	vst v19;
	v22 =	vadd.f32 v16, v4  }
0x1d7: {  	v16 =	vld [tilespmem:s16+$0xE000];
	v21 =	vadd.f32 v17, v6;
	v17 =	vmul.f32 $3.200000000e+01, v23;
	[tilespmem:s16+$0x10060] =	vst v27;
	v19 =	vadd.f32 v18, v4  }
0x1d8: {  	s23 =	sadd.s32 $0x1000, s23;
	v4 =	vmul.f32 $3.200000000e+01, v13;
	v18 =	vld [tilespmem:s16+$0xA000];
	v13 =	vadd.f32 v24, v9;
	v23 =	vadd.f32 v25, v9;
	[tilespmem:s16+$0xA070] =	vst v26  }
0x1d9: {  	[tilespmem:s16+$0xC070] =	vst v22  }
0x1da: {  	[tilespmem:s16+$0xA010] =	vst v21  }
0x1db: {  	[tilespmem:s16+$0xE070] =	vst v19  }
0x1dc: {  	[tilespmem:s16+$0xC040] =	vst v5  }
0x1dd: {  	v20 =	vadd.f32 v20, v6;
	[tilespmem:s16+$0x10020] =	vst v23  }
0x1de: {  	v15 =	vadd.f32 v15, v9;
	[tilespmem:s16+$0xE020] =	vst v13  }
0x1df: {  	v60 =	vadd.f32 v8, v6;
	[tilespmem:s16+$0x10010] =	vst v20  }
0x1e0: {  	v24 =	vld [tilespmem:s16+$0xC000];
	v62 =	vadd.f32 v17, v6;
	[tilespmem:s16+$0xC020] =	vst v15  }
0x1e1: {  	v4 =	vadd.f32 v4, v9;
	[tilespmem:s16+$0xE010] =	vst v60  }
0x1e2: {  	v61 =	vmul.f32 $3.200000000e+01, v12;
	v11 =	vadd.f32 v11, v10;
	[tilespmem:s16+$0xC010] =	vst v62  }
0x1e3: {  	v7 =	vadd.f32 v7, v10;
	v16 =	vmul.f32 $3.200000000e+01, v16;
	[tilespmem:s16+$0xA020] =	vst v4  }
0x1e4: {  	v63 =	vadd.f32 v61, v10;
	v18 =	vmul.f32 $3.200000000e+01, v18;
	[tilespmem:s16+$0xE030] =	vst v11  }
0x1e5: {  	s17 =	sadd.s32 $0x1, s17;
	v59 =	vmul.f32 $3.200000000e+01, v14;
	[tilespmem:s16+$0xA030] =	vst v7;
	v56 =	vadd.f32 v16, v2;
	v58 =	vmul.f32 $3.200000000e+01, v24  }
0x1e6: {  	p0 =	sne.s32 s17, $0x8;
	[tilespmem:s16+$0x10030] =	vst v63;
	v57 =	vadd.f32 v18, v2  }
.Ltmp7:
0x1e7: {  	v3 =	vmul.f32 $3.200000000e+01, v3;
	[tilespmem:s16+$0xE000] =	vst v56;
	v5 =	vadd.f32 v58, v2;
	v2 =	vadd.f32 v59, v2;
	(pc) =	sbr.rel @p0 .LBB2_10-.Ltmp7, $4  }
0x1e8: {  	[tilespmem:s16+$0xA000] =	vst v57  }
0x1e9: {  	[tilespmem:s16+$0x10000] =	vst v2;
	v2 =	vadd.f32 v3, v10  }
0x1ea: {  	[tilespmem:s16+$0xC000] =	vst v5  }
0x1eb: {  	s15 =	sadd.s32 $0x200, s15;
	[tilespmem:s16+$0xC030] =	vst v2  }
0x1ec: {  	s2 =	sshll.u32 s2, $0x3  }
0x1ed: {  	s15 =	sadd.s32 s6, s2  }
0x1ee: {  	s15 =	sshll.u32 s15, $0x7  }
0x1ef: {  	s19 =	simm.s32 $0xA000;
	s25 =	sadd.s32 s12, s2;
	s15 =	sadd.s32 s3, s15  }
0x1f0: {  	[hbm4b:s15+s4] =	stream.linear.scatter [tilespmem:s19], [sflag:$0xD], $0x2000, $0x38;
	[tilespmem:$0x16000] =	vst v63  }
0x1f1: {  	s23 =	simm.s32 $0xC000;
	s15 =	sshll.u32 s25, $0x7  }
0x1f2: {  	p0 =	seq.s32 s29, $0x7;
	s16 =	sadd.s32 s13, s2;
	s15 =	sadd.s32 s3, s15  }
0x1f3: {  	[hbm4b:s15+s4] =	stream.linear.scatter [tilespmem:s23], [sflag:$0xE], $0x2000, $0x38;
	[tilespmem:$0x16000] =	vst v63  }
.Ltmp8:
0x1f4: {  	s2 =	sadd.s32 s14, s2;
	s15 =	sshll.u32 s16, $0x7;
	(pc) =	sbr.rel @p0 .LBB2_15-.Ltmp8, $4  }
0x1f5: {  	s2 =	sshll.u32 s2, $0x7;
	s25 =	simm.s32 $0xE000;
	s15 =	sadd.s32 s3, s15  }
0x1f6: {  	[hbm4b:s15+s4] =	stream.linear.scatter [tilespmem:s25], [sflag:$0xF], $0x2000, $0x38;
	[tilespmem:$0x16000] =	vst v63  }
0x1f7: {  	s17 =	simm.s32 $0x10000;
	s2 =	sadd.s32 s3, s2  }
0x1f8: {  	[hbm4b:s2+s4] =	stream.linear.scatter [tilespmem:s17], [sflag:$0x10], $0x2000, $0x38;
	[tilespmem:$0x16000] =	vst v63  }
.Ltmp9:
0x1f9: {  	(pc) =	sbr.rel .LBB2_2-.Ltmp9, $4  }
0x1fa: {  	_ = 	snop  }
0x1fb: {  	s2 =	sshll.u32 s29, $0xB;
	s15 =	rddreg [dreg:$0x8]  }
0x1fc: {  	s31 =	simm.s32 $0x14000;
	s29 =	sadd.s32 $0x1, s29;
	s2 =	sadd.s32 s2, s15  }
0x1fd: {  	[tilespmem:s31], [sflag:$0x12] =	stream.linear.gather [hbm4b:s2+s4], $0x2000, $0x38;
	[tilespmem:$0x16000] =	vst v63  }
.LBB2_16:
0x1fe: {  	_ =	sfence.sel $0x180000  }
0x1ff: {  	[bflag:$0x0] =	sbarrier.arrive $0xFFFF  }
0x200: {  	_ =	strace $0x90000047  }
0x201: {  	s0 =	stileid.u32;
	[bflag:$0x2] =	sbarrier.arrive $0xFFFF  }
0x202: {  	p0 =	sne.s32 s0, $0x0;
	s0 =	rddreg [dreg:$0x4]  }
0x203: {  	s0 =	sadd.s32 @!p0 $0x100000, s0  }
0x204: {  	[sflag:s0] =	ssyncadd.tile.s32 @!p0 $0x1;
	_ =	shalt  }
.Lfunc_end2:
_tile_overlayer_lowered:
.L_overlay_start_2:
0x205: {  	(tag) =	ssettag $0x2  }
0x206: {  	s0 =	rddreg [dreg:$0x0];
	s2 =	stileid.u32  }
0x207: {  	s1 =	rddreg [dreg:$0x1];
	p0 =	sne.s32 s2, $0x0  }
0x208: {  	s3 =	rddreg [dreg:$0x2];
	[bflag:$0x3] =	sbarrier.arrive $0xFFFF;
	s2 =	simm.s32 @!p0 $0x1C13  }
0x209: {  	[timem:s3], [sflag:s2] =	dma.local @!p0 [hbm:s0], s1  }
0x20a: {  	s0 =	simm.s32 @!p0 $0x13  }
0x20b: {  	_ =	swait.ge @!p0 [sflag:s0], s1  }
0x20c: {  	s1 =	ssub.s32 @!p0 $0x0, s1;
	[sflag:s0] =	ssyncset.done @!p0 $0x0  }
0x20d: {  	[sflag:s0] =	ssyncadd.s32 @!p0 s1  }
0x20e: {  	[bflag:$0x3] =	sbarrier.arrive $0xFFFF  }
0x20f: {  	_ =	shalt  }

</sc_bundles>
